<compile_context>
chip_gen: v7x
topology: tpu7x:2x2x1
jax: 0.10.2.dev20260603
libtpu: 0.0.44.dev20260713+nightly
codegen_flags: <defaults>
</compile_context>

<pallas_src>
import functools

import jax
import jax.numpy as jnp
from jax import lax
from jax.experimental import pallas as pl
from jax.experimental.pallas import tpu as pltpu
from jax.experimental.pallas import tpu_sc as plsc

N = 10000
E = 320000
D = 128

NC = 2
NS = 16
NW = NC * NS
EPW = E // NW
B = 125
WPW = EPW // B
CH = 8
NCHUNK = WPW // CH
NPAD = 10240
RPT = NPAD // NS
BR = 400
GRID = N // BR

_mesh = plsc.VectorSubcoreMesh(core_axis_name="c", subcore_axis_name="s")



DW = 16


def _deg_body(dstw_hbm, out_hbm, idx_v, ones_v, zbuf_v, deg_sh):
    c = lax.axis_index("c")
    s = lax.axis_index("s")
    w = c * NS + s
    pltpu.sync_copy(dstw_hbm.at[w], idx_v)

    def _ones(k, carry):
        ones_v[k, :] = jnp.ones((DW,), jnp.float32)
        return carry
    lax.fori_loop(0, B, _ones, 0)

    def _z(i, carry):
        zbuf_v[i, :] = jnp.zeros((DW,), jnp.float32)
        return carry
    lax.fori_loop(0, 40, _z, 0)

    r0 = s * RPT

    def _zc(i, carry):
        pltpu.sync_copy(zbuf_v, deg_sh.at[pl.ds(r0 + i * 40, 40)])
        return carry
    lax.fori_loop(0, RPT // 40, _zc, 0)

    plsc.subcore_barrier()

    def _win(ch, carry):
        def scoped(*sems):
            for k in range(CH):
                pltpu.async_copy(ones_v, deg_sh.at[idx_v.at[ch, k]],
                                 sems[k], add=True)
            for k in range(CH):
                pltpu.make_async_copy(ones_v, deg_sh.at[idx_v.at[ch, k]],
                                      sems[k]).wait()
        pl.run_scoped(scoped, *([pltpu.SemaphoreType.DMA] * CH))
        return carry
    lax.fori_loop(0, NCHUNK, _win, 0)

    plsc.subcore_barrier()

    @pl.when(s < NS - 1)
    def _dump_full():
        pltpu.sync_copy(deg_sh.at[pl.ds(r0, RPT)],
                        out_hbm.at[c, pl.ds(r0, RPT)])

    @pl.when(s == NS - 1)
    def _dump_tail():
        pltpu.sync_copy(deg_sh.at[pl.ds(r0, N - (NS - 1) * RPT)],
                        out_hbm.at[c, pl.ds(r0, N - (NS - 1) * RPT)])


_deg_call = functools.partial(
    pl.kernel,
    out_type=jax.ShapeDtypeStruct((NC, N, DW), jnp.float32),
    mesh=_mesh,
    scratch_types=[
        pltpu.VMEM((NCHUNK, CH, B), jnp.int32),
        pltpu.VMEM((B, DW), jnp.float32),
        pltpu.VMEM((40, DW), jnp.float32),
        pltpu.VMEM_SHARED((NPAD, DW), jnp.float32),
    ],
)(_deg_body)


def _agg_body(g_hbm, srcw_hbm, dstw_hbm, out_hbm,
              srci_v, dstc_v, rows_v, acc_sh):
    c = lax.axis_index("c")
    s = lax.axis_index("s")
    w = c * NS + s
    pltpu.sync_copy(srcw_hbm.at[w], srci_v)

    def _z(i, carry):
        for jj in range(D // 16):
            rows_v[0, i, pl.ds(jj * 16, 16)] = jnp.zeros((16,), jnp.float32)
        return carry
    lax.fori_loop(0, 64, _z, 0)

    r0 = s * RPT

    def _zc(i, carry):
        pltpu.sync_copy(rows_v.at[0, pl.ds(0, 64)],
                        acc_sh.at[pl.ds(r0 + i * 64, 64)])
        return carry
    lax.fori_loop(0, RPT // 64, _zc, 0)

    plsc.subcore_barrier()

    def _scat(i, k):
        pltpu.sync_copy(rows_v.at[k], acc_sh.at[dstc_v.at[i]], add=True)

    def _overlap(jg, guard, kg, i_scat, k_scat):
        def scoped(sem):
            @pl.when(guard)
            def _():
                pltpu.async_copy(g_hbm.at[srci_v.at[jg]],
                                 rows_v.at[kg], sem)
            _scat(i_scat, k_scat)

            @pl.when(guard)
            def _():
                pltpu.make_async_copy(g_hbm.at[srci_v.at[jg]],
                                      rows_v.at[kg], sem).wait()
        pl.run_scoped(scoped, pltpu.SemaphoreType.DMA)

    pltpu.sync_copy(g_hbm.at[srci_v.at[0]], rows_v.at[0])

    def _chunk(ch, carry):
        pltpu.sync_copy(dstw_hbm.at[w, ch], dstc_v)

        def _pair(i, carry2):
            j0 = ch * CH + 2 * i
            _overlap(j0 + 1, j0 + 1 < WPW, 1, 2 * i, 0)
            _overlap(j0 + 2, j0 + 2 < WPW, 0, 2 * i + 1, 1)
            return carry2
        lax.fori_loop(0, CH // 2, _pair, 0)
        return carry
    lax.fori_loop(0, NCHUNK, _chunk, 0)

    plsc.subcore_barrier()

    @pl.when(s < NS - 1)
    def _dump_full():
        pltpu.sync_copy(acc_sh.at[pl.ds(r0, RPT)],
                        out_hbm.at[c, pl.ds(r0, RPT)])

    @pl.when(s == NS - 1)
    def _dump_tail():
        pltpu.sync_copy(acc_sh.at[pl.ds(r0, N - (NS - 1) * RPT)],
                        out_hbm.at[c, pl.ds(r0, N - (NS - 1) * RPT)])


_agg_call = functools.partial(
    pl.kernel,
    out_type=jax.ShapeDtypeStruct((NC, N, D), jnp.float32),
    mesh=_mesh,
    scratch_types=[
        pltpu.VMEM((WPW, B), jnp.int32),
        pltpu.VMEM((CH, B), jnp.int32),
        pltpu.VMEM((2, B, D), jnp.float32),
        pltpu.VMEM_SHARED((NPAD, D), jnp.float32),
    ],
)(_agg_body)



def _dinv_block(degp_ref):
    deg = 1.0 + degp_ref[0, :, 0:1] + degp_ref[1, :, 0:1]
    return lax.rsqrt(deg)


def _mm1_body(degp_ref, x_ref, w_ref, o_ref):
    dinv = _dinv_block(degp_ref)
    h = jnp.dot(x_ref[...], w_ref[...], preferred_element_type=jnp.float32)
    o_ref[...] = h * dinv


def _l2_body(degp_ref, p_ref, g_ref, b_ref, w_ref, o_ref):
    dinv = _dinv_block(degp_ref)
    ssum = p_ref[0] + p_ref[1] + g_ref[...]
    h1 = jnp.maximum(ssum * dinv + b_ref[...], 0.0)
    o_ref[...] = jnp.dot(h1, w_ref[...],
                         preferred_element_type=jnp.float32) * dinv


def _fin_body(degp_ref, p_ref, g_ref, b_ref, o_ref):
    dinv = _dinv_block(degp_ref)
    ssum = p_ref[0] + p_ref[1] + g_ref[...]
    o_ref[...] = ssum * dinv + b_ref[...]


_degp_spec = pl.BlockSpec((NC, BR, DW), lambda i: (0, i, 0))
_row_spec = pl.BlockSpec((BR, D), lambda i: (i, 0))
_p_spec = pl.BlockSpec((NC, BR, D), lambda i: (0, i, 0))
_w_spec = pl.BlockSpec((D, D), lambda i: (0, 0))
_b_spec = pl.BlockSpec((1, D), lambda i: (0, 0))
_out_struct = jax.ShapeDtypeStruct((N, D), jnp.float32)

_mm1 = pl.pallas_call(
    _mm1_body,
    grid=(GRID,),
    in_specs=[_degp_spec, _row_spec, _w_spec],
    out_specs=_row_spec,
    out_shape=_out_struct,
)

_l2 = pl.pallas_call(
    _l2_body,
    grid=(GRID,),
    in_specs=[_degp_spec, _p_spec, _row_spec, _b_spec, _w_spec],
    out_specs=_row_spec,
    out_shape=_out_struct,
)

_fin = pl.pallas_call(
    _fin_body,
    grid=(GRID,),
    in_specs=[_degp_spec, _p_spec, _row_spec, _b_spec],
    out_specs=_row_spec,
    out_shape=_out_struct,
)


def kernel(x, edge_index, W1, b1, W2, b2):
    src = edge_index[0].reshape(NW, WPW, B)
    dst = edge_index[1].reshape(NW, NCHUNK, CH, B)
    degp = _deg_call(dst)
    g1 = _mm1(degp, x, W1)
    p1 = _agg_call(g1, src, dst)
    g2 = _l2(degp, p1, g1, b1.reshape(1, D), W2)
    p2 = _agg_call(g2, src, dst)
    return _fin(degp, p2, g2, b2.reshape(1, D))

# --- scband reference (transcript-rebuilt; emitter-appended) ---
"""Pipeline reference for scband-gcn-31774168056026 (READ-ONLY COPY).

The authoritative reference and input builder live on the scoring server;
editing this copy changes nothing except your own understanding.
"""

import jax, jax.numpy as jnp
import numpy as np

N = 10000
E = 320000
D_IN = 128
D_H = 128


def setup_inputs(seed: int = 0) -> dict:
    key = jax.random.key(seed)
    ks = jax.random.split(key, 6)
    x = jax.random.normal(ks[0], (N, D_IN), dtype=jnp.float32)
    edge_index = jax.random.randint(ks[1], (2, E), 0, N, dtype=jnp.int32)
    W1 = jax.random.normal(ks[2], (D_IN, D_H), dtype=jnp.float32) * (1.0 / np.sqrt(D_IN))
    b1 = jnp.zeros((D_H,), dtype=jnp.float32)
    W2 = jax.random.normal(ks[3], (D_H, D_H), dtype=jnp.float32) * (1.0 / np.sqrt(D_H))
    b2 = jnp.zeros((D_H,), dtype=jnp.float32)
    return {"x": x, "edge_index": edge_index, "W1": W1, "b1": b1, "W2": W2, "b2": b2}


def gcn_conv(x, src, dst, W, b):
    # PyG GCNConv: x' = D^{-1/2} (A + I) D^{-1/2} (X W) + b
    h = x @ W
    loop = jnp.arange(N, dtype=src.dtype)
    src_f = jnp.concatenate([src, loop])
    dst_f = jnp.concatenate([dst, loop])
    ew = jnp.ones(src_f.shape[0], dtype=h.dtype)
    deg = jnp.zeros((N,), dtype=h.dtype).at[dst_f].add(ew)
    dinv = jnp.where(deg > 0, jax.lax.rsqrt(jnp.maximum(deg, 1e-12)), 0.0)
    norm = dinv[src_f] * ew * dinv[dst_f]
    msgs = h[src_f] * norm[:, None]
    out = jnp.zeros((N, h.shape[1]), dtype=h.dtype).at[dst_f].add(msgs)
    return out + b


def reference(x, edge_index, W1, b1, W2, b2):
    src, dst = edge_index[0], edge_index[1]
    h = gcn_conv(x, src, dst, W1, b1)
    h = jax.nn.relu(h)
    # dropout is identity in eval mode
    h = gcn_conv(h, src, dst, W2, b2)
    return h

if __name__ == "__main__":
    import jax
    _d = setup_inputs()
    print(jax.jit(kernel)(*tuple(_d.values())))

</pallas_src>

<mosaic_0001>
#map = affine_map<(d0, d1) -> (0, 0)>
#map1 = affine_map<(d0, d1) -> (0, 0, 0)>
#map2 = affine_map<(d0, d1) -> (0, 0, 0, 0)>
module attributes {stable_mosaic.version = 14 : i64} {
  func.func @_agg_body(%arg0: i32, %arg1: i32, %arg2: memref<10000x128xf32, #tpu.memory_space<hbm>>, %arg3: memref<32x80x125xi32, #tpu.memory_space<hbm>>, %arg4: memref<32x10x8x125xi32, #tpu.memory_space<hbm>>, %arg5: memref<2x10000x128xf32, #tpu.memory_space<hbm>>, %arg6: memref<80x125xi32, #tpu.memory_space<vmem>>, %arg7: memref<8x125xi32, #tpu.memory_space<vmem>>, %arg8: memref<2x125x128xf32, #tpu.memory_space<vmem>>, %arg9: memref<10240x128xf32, #tpu.memory_space<vmem_shared>>) attributes {dimension_semantics = [#tpu.dimension_semantics<core_parallel>, #tpu.dimension_semantics<subcore_parallel>], iteration_bounds = array<i64: 2, 16>, scalar_prefetch = 0 : i64, scratch_operands = 4 : i64, tpu.core_type = #tpu.core_type<sc_vector_subcore>, window_params = [{transform_indices = #map}, {transform_indices = #map1}, {transform_indices = #map2}, {transform_indices = #map1}]} {
    %mul3A = arith.constant 16 : i32
    %mul3A_0 = arith.muli %arg0, %mul3A : i32
    %add3A = arith.addi %mul3A_0, %arg1 : i32
    "tpu.region"() ({
      %run_scoped3A_28 = tpu.sem_alloc : memref<!tpu.dma_semaphore, #tpu.memory_space<semaphore_mem>>
      %dma_start3A = arith.constant 0 : i32
      %dma_start3A_29 = arith.constant 0 : i32
      %dma_start3A_30 = tpu.memref_slice %arg3[%add3A, %dma_start3A, %dma_start3A_29] : memref<32x80x125xi32, #tpu.memory_space<hbm>> -> memref<1x80x125xi32, #tpu.memory_space<hbm>>
      %dma_start3A_31 = tpu.memref_squeeze %dma_start3A_30 : memref<1x80x125xi32, #tpu.memory_space<hbm>> -> memref<80x125xi32, #tpu.memory_space<hbm>>
      %dma_start3A_32 = arith.constant 0 : i32
      %dma_start3A_33 = arith.constant 0 : i32
      %dma_start3A_34 = tpu.memref_slice %arg3[%add3A, %dma_start3A_32, %dma_start3A_33] : memref<32x80x125xi32, #tpu.memory_space<hbm>> -> memref<1x80x125xi32, #tpu.memory_space<hbm>>
      %dma_start3A_35 = tpu.memref_squeeze %dma_start3A_34 : memref<1x80x125xi32, #tpu.memory_space<hbm>> -> memref<80x125xi32, #tpu.memory_space<hbm>>
      tpu.enqueue_dma source(%dma_start3A_35 : memref<80x125xi32, #tpu.memory_space<hbm>>) target(%arg6 : memref<80x125xi32, #tpu.memory_space<vmem>>) target_semaphore(%run_scoped3A_28 : memref<!tpu.dma_semaphore, #tpu.memory_space<semaphore_mem>>)
      %dma_wait3A = arith.constant 0 : i32
      %dma_wait3A_36 = arith.constant 0 : i32
      %dma_wait3A_37 = tpu.memref_slice %arg3[%add3A, %dma_wait3A, %dma_wait3A_36] : memref<32x80x125xi32, #tpu.memory_space<hbm>> -> memref<1x80x125xi32, #tpu.memory_space<hbm>>
      %dma_wait3A_38 = tpu.memref_squeeze %dma_wait3A_37 : memref<1x80x125xi32, #tpu.memory_space<hbm>> -> memref<80x125xi32, #tpu.memory_space<hbm>>
      %dma_wait3A_39 = arith.constant 0 : i32
      %dma_wait3A_40 = arith.constant 0 : i32
      %dma_wait3A_41 = tpu.memref_slice %arg3[%add3A, %dma_wait3A_39, %dma_wait3A_40] : memref<32x80x125xi32, #tpu.memory_space<hbm>> -> memref<1x80x125xi32, #tpu.memory_space<hbm>>
      %dma_wait3A_42 = tpu.memref_squeeze %dma_wait3A_41 : memref<1x80x125xi32, #tpu.memory_space<hbm>> -> memref<80x125xi32, #tpu.memory_space<hbm>>
      tpu.wait_dma2 semaphore(%run_scoped3A_28 : memref<!tpu.dma_semaphore, #tpu.memory_space<semaphore_mem>>) src(%dma_wait3A_42 : memref<80x125xi32, #tpu.memory_space<hbm>>) dst(%arg6 : memref<80x125xi32, #tpu.memory_space<vmem>>)
      tpu.yield
    }) : () -> ()
    %scan3A = arith.constant 0 : i32
    %scan3A_1 = arith.constant 0 : i32
    %scan3A_2 = arith.constant 64 : i32
    %scan3A_3 = arith.addi %scan3A_1, %scan3A_2 : i32
    %scan3A_4 = arith.constant 1 : i32
    scf.for %scan3A_28 = %scan3A_1 to %scan3A_3 step %scan3A_4  : i32 {
      %broadcast_in_dim3A = arith.constant 0.000000e+00 : f32
      %broadcast_in_dim3A_29 = vector.broadcast %broadcast_in_dim3A : f32 to vector<16xf32>
      %swap3A = arith.constant 0 : i32
      %swap3A_30 = arith.index_cast %swap3A : i32 to index
      %swap3A_31 = arith.index_cast %scan3A_28 : i32 to index
      %swap3A_32 = arith.constant 0 : index
      %swap3A_33 = tpu.vector_load %arg8[%swap3A_30, %swap3A_31, %swap3A_32] {strides = array<i32>} : memref<2x125x128xf32, #tpu.memory_space<vmem>>, vector<1x1x16xf32>,
      %swap3A_34 = vector.shape_cast %swap3A_33 : vector<1x1x16xf32> to vector<16xf32>
      %swap3A_35 = vector.shape_cast %broadcast_in_dim3A_29 : vector<16xf32> to vector<1x1x16xf32>
      tpu.vector_store %arg8[%swap3A_30, %swap3A_31, %swap3A_32], %swap3A_35 {strides = array<i32>} : memref<2x125x128xf32, #tpu.memory_space<vmem>>, vector<1x1x16xf32>,
      %broadcast_in_dim3A_36 = arith.constant 0.000000e+00 : f32
      %broadcast_in_dim3A_37 = vector.broadcast %broadcast_in_dim3A_36 : f32 to vector<16xf32>
      %swap3A_38 = arith.constant 0 : i32
      %swap3A_39 = arith.index_cast %swap3A_38 : i32 to index
      %swap3A_40 = arith.index_cast %scan3A_28 : i32 to index
      %swap3A_41 = arith.constant 16 : index
      %swap3A_42 = tpu.vector_load %arg8[%swap3A_39, %swap3A_40, %swap3A_41] {strides = array<i32>} : memref<2x125x128xf32, #tpu.memory_space<vmem>>, vector<1x1x16xf32>,
      %swap3A_43 = vector.shape_cast %swap3A_42 : vector<1x1x16xf32> to vector<16xf32>
      %swap3A_44 = vector.shape_cast %broadcast_in_dim3A_37 : vector<16xf32> to vector<1x1x16xf32>
      tpu.vector_store %arg8[%swap3A_39, %swap3A_40, %swap3A_41], %swap3A_44 {strides = array<i32>} : memref<2x125x128xf32, #tpu.memory_space<vmem>>, vector<1x1x16xf32>,
      %broadcast_in_dim3A_45 = arith.constant 0.000000e+00 : f32
      %broadcast_in_dim3A_46 = vector.broadcast %broadcast_in_dim3A_45 : f32 to vector<16xf32>
      %swap3A_47 = arith.constant 0 : i32
      %swap3A_48 = arith.index_cast %swap3A_47 : i32 to index
      %swap3A_49 = arith.index_cast %scan3A_28 : i32 to index
      %swap3A_50 = arith.constant 32 : index
      %swap3A_51 = tpu.vector_load %arg8[%swap3A_48, %swap3A_49, %swap3A_50] {strides = array<i32>} : memref<2x125x128xf32, #tpu.memory_space<vmem>>, vector<1x1x16xf32>,
      %swap3A_52 = vector.shape_cast %swap3A_51 : vector<1x1x16xf32> to vector<16xf32>
      %swap3A_53 = vector.shape_cast %broadcast_in_dim3A_46 : vector<16xf32> to vector<1x1x16xf32>
      tpu.vector_store %arg8[%swap3A_48, %swap3A_49, %swap3A_50], %swap3A_53 {strides = array<i32>} : memref<2x125x128xf32, #tpu.memory_space<vmem>>, vector<1x1x16xf32>,
      %broadcast_in_dim3A_54 = arith.constant 0.000000e+00 : f32
      %broadcast_in_dim3A_55 = vector.broadcast %broadcast_in_dim3A_54 : f32 to vector<16xf32>
      %swap3A_56 = arith.constant 0 : i32
      %swap3A_57 = arith.index_cast %swap3A_56 : i32 to index
      %swap3A_58 = arith.index_cast %scan3A_28 : i32 to index
      %swap3A_59 = arith.constant 48 : index
      %swap3A_60 = tpu.vector_load %arg8[%swap3A_57, %swap3A_58, %swap3A_59] {strides = array<i32>} : memref<2x125x128xf32, #tpu.memory_space<vmem>>, vector<1x1x16xf32>,
      %swap3A_61 = vector.shape_cast %swap3A_60 : vector<1x1x16xf32> to vector<16xf32>
      %swap3A_62 = vector.shape_cast %broadcast_in_dim3A_55 : vector<16xf32> to vector<1x1x16xf32>
      tpu.vector_store %arg8[%swap3A_57, %swap3A_58, %swap3A_59], %swap3A_62 {strides = array<i32>} : memref<2x125x128xf32, #tpu.memory_space<vmem>>, vector<1x1x16xf32>,
      %broadcast_in_dim3A_63 = arith.constant 0.000000e+00 : f32
      %broadcast_in_dim3A_64 = vector.broadcast %broadcast_in_dim3A_63 : f32 to vector<16xf32>
      %swap3A_65 = arith.constant 0 : i32
      %swap3A_66 = arith.index_cast %swap3A_65 : i32 to index
      %swap3A_67 = arith.index_cast %scan3A_28 : i32 to index
      %swap3A_68 = arith.constant 64 : index
      %swap3A_69 = tpu.vector_load %arg8[%swap3A_66, %swap3A_67, %swap3A_68] {strides = array<i32>} : memref<2x125x128xf32, #tpu.memory_space<vmem>>, vector<1x1x16xf32>,
      %swap3A_70 = vector.shape_cast %swap3A_69 : vector<1x1x16xf32> to vector<16xf32>
      %swap3A_71 = vector.shape_cast %broadcast_in_dim3A_64 : vector<16xf32> to vector<1x1x16xf32>
      tpu.vector_store %arg8[%swap3A_66, %swap3A_67, %swap3A_68], %swap3A_71 {strides = array<i32>} : memref<2x125x128xf32, #tpu.memory_space<vmem>>, vector<1x1x16xf32>,
      %broadcast_in_dim3A_72 = arith.constant 0.000000e+00 : f32
      %broadcast_in_dim3A_73 = vector.broadcast %broadcast_in_dim3A_72 : f32 to vector<16xf32>
      %swap3A_74 = arith.constant 0 : i32
      %swap3A_75 = arith.index_cast %swap3A_74 : i32 to index
      %swap3A_76 = arith.index_cast %scan3A_28 : i32 to index
      %swap3A_77 = arith.constant 80 : index
      %swap3A_78 = tpu.vector_load %arg8[%swap3A_75, %swap3A_76, %swap3A_77] {strides = array<i32>} : memref<2x125x128xf32, #tpu.memory_space<vmem>>, vector<1x1x16xf32>,
      %swap3A_79 = vector.shape_cast %swap3A_78 : vector<1x1x16xf32> to vector<16xf32>
      %swap3A_80 = vector.shape_cast %broadcast_in_dim3A_73 : vector<16xf32> to vector<1x1x16xf32>
      tpu.vector_store %arg8[%swap3A_75, %swap3A_76, %swap3A_77], %swap3A_80 {strides = array<i32>} : memref<2x125x128xf32, #tpu.memory_space<vmem>>, vector<1x1x16xf32>,
      %broadcast_in_dim3A_81 = arith.constant 0.000000e+00 : f32
      %broadcast_in_dim3A_82 = vector.broadcast %broadcast_in_dim3A_81 : f32 to vector<16xf32>
      %swap3A_83 = arith.constant 0 : i32
      %swap3A_84 = arith.index_cast %swap3A_83 : i32 to index
      %swap3A_85 = arith.index_cast %scan3A_28 : i32 to index
      %swap3A_86 = arith.constant 96 : index
      %swap3A_87 = tpu.vector_load %arg8[%swap3A_84, %swap3A_85, %swap3A_86] {strides = array<i32>} : memref<2x125x128xf32, #tpu.memory_space<vmem>>, vector<1x1x16xf32>,
      %swap3A_88 = vector.shape_cast %swap3A_87 : vector<1x1x16xf32> to vector<16xf32>
      %swap3A_89 = vector.shape_cast %broadcast_in_dim3A_82 : vector<16xf32> to vector<1x1x16xf32>
      tpu.vector_store %arg8[%swap3A_84, %swap3A_85, %swap3A_86], %swap3A_89 {strides = array<i32>} : memref<2x125x128xf32, #tpu.memory_space<vmem>>, vector<1x1x16xf32>,
      %broadcast_in_dim3A_90 = arith.constant 0.000000e+00 : f32
      %broadcast_in_dim3A_91 = vector.broadcast %broadcast_in_dim3A_90 : f32 to vector<16xf32>
      %swap3A_92 = arith.constant 0 : i32
      %swap3A_93 = arith.index_cast %swap3A_92 : i32 to index
      %swap3A_94 = arith.index_cast %scan3A_28 : i32 to index
      %swap3A_95 = arith.constant 112 : index
      %swap3A_96 = tpu.vector_load %arg8[%swap3A_93, %swap3A_94, %swap3A_95] {strides = array<i32>} : memref<2x125x128xf32, #tpu.memory_space<vmem>>, vector<1x1x16xf32>,
      %swap3A_97 = vector.shape_cast %swap3A_96 : vector<1x1x16xf32> to vector<16xf32>
      %swap3A_98 = vector.shape_cast %broadcast_in_dim3A_91 : vector<16xf32> to vector<1x1x16xf32>
      tpu.vector_store %arg8[%swap3A_93, %swap3A_94, %swap3A_95], %swap3A_98 {strides = array<i32>} : memref<2x125x128xf32, #tpu.memory_space<vmem>>, vector<1x1x16xf32>,
    }
    %scan3A_5 = arith.constant 64 : i32
    %mul3A_6 = arith.constant 640 : i32
    %mul3A_7 = arith.muli %arg1, %mul3A_6 : i32
    %scan3A_8 = arith.constant 0 : i32
    %scan3A_9 = arith.constant 0 : i32
    %scan3A_10 = arith.constant 10 : i32
    %scan3A_11 = arith.addi %scan3A_9, %scan3A_10 : i32
    %scan3A_12 = arith.constant 1 : i32
    scf.for %scan3A_28 = %scan3A_9 to %scan3A_11 step %scan3A_12  : i32 {
      %mul3A_29 = arith.constant 64 : i32
      %mul3A_30 = arith.muli %scan3A_28, %mul3A_29 : i32
      %add3A_31 = arith.addi %mul3A_7, %mul3A_30 : i32
      %run_scoped3A_32 = arith.constant 0 : i32
      "tpu.region"() ({
        %run_scoped3A_33 = tpu.sem_alloc : memref<!tpu.dma_semaphore, #tpu.memory_space<semaphore_mem>>
        %dma_start3A = arith.constant 0 : i32
        %dma_start3A_34 = arith.constant 0 : i32
        %dma_start3A_35 = tpu.memref_slice %arg8[%run_scoped3A_32, %dma_start3A, %dma_start3A_34] : memref<2x125x128xf32, #tpu.memory_space<vmem>> -> memref<1x64x128xf32, #tpu.memory_space<vmem>>
        %dma_start3A_36 = tpu.memref_squeeze %dma_start3A_35 : memref<1x64x128xf32, #tpu.memory_space<vmem>> -> memref<64x128xf32, #tpu.memory_space<vmem>>
        %dma_start3A_37 = arith.constant 0 : i32
        %dma_start3A_38 = tpu.memref_slice %arg9[%add3A_31, %dma_start3A_37] : memref<10240x128xf32, #tpu.memory_space<vmem_shared>> -> memref<64x128xf32, #tpu.memory_space<vmem_shared>>
        %dma_start3A_39 = arith.constant 0 : i32
        %dma_start3A_40 = tpu.memref_slice %arg9[%add3A_31, %dma_start3A_39] : memref<10240x128xf32, #tpu.memory_space<vmem_shared>> -> memref<64x128xf32, #tpu.memory_space<vmem_shared>>
        %dma_start3A_41 = arith.constant 0 : i32
        %dma_start3A_42 = arith.constant 0 : i32
        %dma_start3A_43 = tpu.memref_slice %arg8[%run_scoped3A_32, %dma_start3A_41, %dma_start3A_42] : memref<2x125x128xf32, #tpu.memory_space<vmem>> -> memref<1x64x128xf32, #tpu.memory_space<vmem>>
        %dma_start3A_44 = tpu.memref_squeeze %dma_start3A_43 : memref<1x64x128xf32, #tpu.memory_space<vmem>> -> memref<64x128xf32, #tpu.memory_space<vmem>>
        tpu.enqueue_dma source(%dma_start3A_44 : memref<64x128xf32, #tpu.memory_space<vmem>>) target(%dma_start3A_40 : memref<64x128xf32, #tpu.memory_space<vmem_shared>>) target_semaphore(%run_scoped3A_33 : memref<!tpu.dma_semaphore, #tpu.memory_space<semaphore_mem>>)
        %dma_wait3A = arith.constant 0 : i32
        %dma_wait3A_45 = arith.constant 0 : i32
        %dma_wait3A_46 = tpu.memref_slice %arg8[%run_scoped3A_32, %dma_wait3A, %dma_wait3A_45] : memref<2x125x128xf32, #tpu.memory_space<vmem>> -> memref<1x64x128xf32, #tpu.memory_space<vmem>>
        %dma_wait3A_47 = tpu.memref_squeeze %dma_wait3A_46 : memref<1x64x128xf32, #tpu.memory_space<vmem>> -> memref<64x128xf32, #tpu.memory_space<vmem>>
        %dma_wait3A_48 = arith.constant 0 : i32
        %dma_wait3A_49 = tpu.memref_slice %arg9[%add3A_31, %dma_wait3A_48] : memref<10240x128xf32, #tpu.memory_space<vmem_shared>> -> memref<64x128xf32, #tpu.memory_space<vmem_shared>>
        %dma_wait3A_50 = arith.constant 0 : i32
        %dma_wait3A_51 = tpu.memref_slice %arg9[%add3A_31, %dma_wait3A_50] : memref<10240x128xf32, #tpu.memory_space<vmem_shared>> -> memref<64x128xf32, #tpu.memory_space<vmem_shared>>
        %dma_wait3A_52 = arith.constant 0 : i32
        %dma_wait3A_53 = arith.constant 0 : i32
        %dma_wait3A_54 = tpu.memref_slice %arg8[%run_scoped3A_32, %dma_wait3A_52, %dma_wait3A_53] : memref<2x125x128xf32, #tpu.memory_space<vmem>> -> memref<1x64x128xf32, #tpu.memory_space<vmem>>
        %dma_wait3A_55 = tpu.memref_squeeze %dma_wait3A_54 : memref<1x64x128xf32, #tpu.memory_space<vmem>> -> memref<64x128xf32, #tpu.memory_space<vmem>>
        tpu.wait_dma2 semaphore(%run_scoped3A_33 : memref<!tpu.dma_semaphore, #tpu.memory_space<semaphore_mem>>) src(%dma_wait3A_55 : memref<64x128xf32, #tpu.memory_space<vmem>>) dst(%dma_wait3A_51 : memref<64x128xf32, #tpu.memory_space<vmem_shared>>)
        tpu.yield
      }) : () -> ()
    }
    %scan3A_13 = arith.constant 10 : i32
    %barrier3A = arith.constant 0 : index
    tpu.barrier barrier_id(%barrier3A)
    %run_scoped3A = arith.constant 0 : i32
    %run_scoped3A_14 = arith.constant 0 : i32
    "tpu.region"() ({
      %run_scoped3A_28 = tpu.sem_alloc : memref<!tpu.dma_semaphore, #tpu.memory_space<semaphore_mem>>
      %dma_start3A = arith.constant 0 : i32
      %dma_start3A_29 = arith.constant 0 : i32
      %dma_start3A_30 = tpu.memref_slice %arg8[%run_scoped3A_14, %dma_start3A, %dma_start3A_29] : memref<2x125x128xf32, #tpu.memory_space<vmem>> -> memref<1x125x128xf32, #tpu.memory_space<vmem>>
      %dma_start3A_31 = tpu.memref_squeeze %dma_start3A_30 : memref<1x125x128xf32, #tpu.memory_space<vmem>> -> memref<125x128xf32, #tpu.memory_space<vmem>>
      %dma_start3A_32 = arith.constant 0 : i32
      %dma_start3A_33 = tpu.memref_slice %arg6[%run_scoped3A, %dma_start3A_32] : memref<80x125xi32, #tpu.memory_space<vmem>> -> memref<1x125xi32, #tpu.memory_space<vmem>>
      %dma_start3A_34 = tpu.memref_squeeze %dma_start3A_33 : memref<1x125xi32, #tpu.memory_space<vmem>> -> memref<125xi32, #tpu.memory_space<vmem>>
      %dma_start3A_35 = arith.constant 0 : i32
      %dma_start3A_36 = arith.constant 0 : i32
      %dma_start3A_37 = tpu.memref_slice %arg2[%dma_start3A_35, %dma_start3A_36] : memref<10000x128xf32, #tpu.memory_space<hbm>> -> memref<10000x128xf32, #tpu.memory_space<hbm>>
      tpu.enqueue_indirect_dma source(%dma_start3A_37 : memref<10000x128xf32, #tpu.memory_space<hbm>>) target(%dma_start3A_31 : memref<125x128xf32, #tpu.memory_space<vmem>>) offsets(%dma_start3A_34 : memref<125xi32, #tpu.memory_space<vmem>>) semaphore(%run_scoped3A_28 : memref<!tpu.dma_semaphore, #tpu.memory_space<semaphore_mem>>)
      %dma_wait3A = arith.constant 0 : i32
      %dma_wait3A_38 = arith.constant 0 : i32
      %dma_wait3A_39 = tpu.memref_slice %arg8[%run_scoped3A_14, %dma_wait3A, %dma_wait3A_38] : memref<2x125x128xf32, #tpu.memory_space<vmem>> -> memref<1x125x128xf32, #tpu.memory_space<vmem>>
      %dma_wait3A_40 = tpu.memref_squeeze %dma_wait3A_39 : memref<1x125x128xf32, #tpu.memory_space<vmem>> -> memref<125x128xf32, #tpu.memory_space<vmem>>
      %dma_wait3A_41 = arith.constant 0 : i32
      %dma_wait3A_42 = tpu.memref_slice %arg6[%run_scoped3A, %dma_wait3A_41] : memref<80x125xi32, #tpu.memory_space<vmem>> -> memref<1x125xi32, #tpu.memory_space<vmem>>
      %dma_wait3A_43 = tpu.memref_squeeze %dma_wait3A_42 : memref<1x125xi32, #tpu.memory_space<vmem>> -> memref<125xi32, #tpu.memory_space<vmem>>
      %dma_wait3A_44 = arith.constant 0 : i32
      %dma_wait3A_45 = arith.constant 0 : i32
      %dma_wait3A_46 = tpu.memref_slice %arg2[%dma_wait3A_44, %dma_wait3A_45] : memref<10000x128xf32, #tpu.memory_space<hbm>> -> memref<10000x128xf32, #tpu.memory_space<hbm>>
      tpu.wait_indirect_dma semaphore(%run_scoped3A_28 : memref<!tpu.dma_semaphore, #tpu.memory_space<semaphore_mem>>) src(%dma_wait3A_46 : memref<10000x128xf32, #tpu.memory_space<hbm>>) dst(%dma_wait3A_40 : memref<125x128xf32, #tpu.memory_space<vmem>>)
      tpu.yield
    }) : () -> ()
    %scan3A_15 = arith.constant 0 : i32
    %scan3A_16 = arith.constant 0 : i32
    %scan3A_17 = arith.constant 10 : i32
    %scan3A_18 = arith.addi %scan3A_16, %scan3A_17 : i32
    %scan3A_19 = arith.constant 1 : i32
    scf.for %scan3A_28 = %scan3A_16 to %scan3A_18 step %scan3A_19  : i32 {
      "tpu.region"() ({
        %run_scoped3A_35 = tpu.sem_alloc : memref<!tpu.dma_semaphore, #tpu.memory_space<semaphore_mem>>
        %dma_start3A = arith.constant 0 : i32
        %dma_start3A_36 = arith.constant 0 : i32
        %dma_start3A_37 = tpu.memref_slice %arg4[%add3A, %scan3A_28, %dma_start3A, %dma_start3A_36] : memref<32x10x8x125xi32, #tpu.memory_space<hbm>> -> memref<1x1x8x125xi32, #tpu.memory_space<hbm>>
        %dma_start3A_38 = tpu.memref_squeeze %dma_start3A_37 : memref<1x1x8x125xi32, #tpu.memory_space<hbm>> -> memref<8x125xi32, #tpu.memory_space<hbm>>
        %dma_start3A_39 = arith.constant 0 : i32
        %dma_start3A_40 = arith.constant 0 : i32
        %dma_start3A_41 = tpu.memref_slice %arg4[%add3A, %scan3A_28, %dma_start3A_39, %dma_start3A_40] : memref<32x10x8x125xi32, #tpu.memory_space<hbm>> -> memref<1x1x8x125xi32, #tpu.memory_space<hbm>>
        %dma_start3A_42 = tpu.memref_squeeze %dma_start3A_41 : memref<1x1x8x125xi32, #tpu.memory_space<hbm>> -> memref<8x125xi32, #tpu.memory_space<hbm>>
        tpu.enqueue_dma source(%dma_start3A_42 : memref<8x125xi32, #tpu.memory_space<hbm>>) target(%arg7 : memref<8x125xi32, #tpu.memory_space<vmem>>) target_semaphore(%run_scoped3A_35 : memref<!tpu.dma_semaphore, #tpu.memory_space<semaphore_mem>>)
        %dma_wait3A = arith.constant 0 : i32
        %dma_wait3A_43 = arith.constant 0 : i32
        %dma_wait3A_44 = tpu.memref_slice %arg4[%add3A, %scan3A_28, %dma_wait3A, %dma_wait3A_43] : memref<32x10x8x125xi32, #tpu.memory_space<hbm>> -> memref<1x1x8x125xi32, #tpu.memory_space<hbm>>
        %dma_wait3A_45 = tpu.memref_squeeze %dma_wait3A_44 : memref<1x1x8x125xi32, #tpu.memory_space<hbm>> -> memref<8x125xi32, #tpu.memory_space<hbm>>
        %dma_wait3A_46 = arith.constant 0 : i32
        %dma_wait3A_47 = arith.constant 0 : i32
        %dma_wait3A_48 = tpu.memref_slice %arg4[%add3A, %scan3A_28, %dma_wait3A_46, %dma_wait3A_47] : memref<32x10x8x125xi32, #tpu.memory_space<hbm>> -> memref<1x1x8x125xi32, #tpu.memory_space<hbm>>
        %dma_wait3A_49 = tpu.memref_squeeze %dma_wait3A_48 : memref<1x1x8x125xi32, #tpu.memory_space<hbm>> -> memref<8x125xi32, #tpu.memory_space<hbm>>
        tpu.wait_dma2 semaphore(%run_scoped3A_35 : memref<!tpu.dma_semaphore, #tpu.memory_space<semaphore_mem>>) src(%dma_wait3A_49 : memref<8x125xi32, #tpu.memory_space<hbm>>) dst(%arg7 : memref<8x125xi32, #tpu.memory_space<vmem>>)
        tpu.yield
      }) : () -> ()
      %scan3A_29 = arith.constant 0 : i32
      %scan3A_30 = arith.constant 0 : i32
      %scan3A_31 = arith.constant 4 : i32
      %scan3A_32 = arith.addi %scan3A_30, %scan3A_31 : i32
      %scan3A_33 = arith.constant 1 : i32
      scf.for %scan3A_35 = %scan3A_30 to %scan3A_32 step %scan3A_33  : i32 {
        %mul3A_36 = arith.constant 8 : i32
        %mul3A_37 = arith.muli %scan3A_28, %mul3A_36 : i32
        %mul3A_38 = arith.constant 2 : i32
        %mul3A_39 = arith.muli %mul3A_38, %scan3A_35 : i32
        %add3A_40 = arith.addi %mul3A_37, %mul3A_39 : i32
        %add3A_41 = arith.constant 1 : i32
        %add3A_42 = arith.addi %add3A_40, %add3A_41 : i32
        %add3A_43 = arith.constant 1 : i32
        %add3A_44 = arith.addi %add3A_40, %add3A_43 : i32
        %lt3A_45 = arith.constant 80 : i32
        %lt3A_46 = arith.cmpi slt, %add3A_44, %lt3A_45 : i32
        %mul3A_47 = arith.constant 2 : i32
        %mul3A_48 = arith.muli %mul3A_47, %scan3A_35 : i32
        "tpu.region"() ({
          %run_scoped3A_59 = tpu.sem_alloc : memref<!tpu.dma_semaphore, #tpu.memory_space<semaphore_mem>>
          %convert_element_type3A_60 = arith.extui %lt3A_46 : i1 to i32
          %cond3A_61 = arith.constant 0 : i32
          %cond3A_62 = arith.cmpi ne, %convert_element_type3A_60, %cond3A_61 : i32
          scf.if %cond3A_62 {
            %dma_start3A = arith.constant 1 : i32
            %dma_start3A_67 = arith.constant 0 : i32
            %dma_start3A_68 = arith.constant 0 : i32
            %dma_start3A_69 = tpu.memref_slice %arg8[%dma_start3A, %dma_start3A_67, %dma_start3A_68] : memref<2x125x128xf32, #tpu.memory_space<vmem>> -> memref<1x125x128xf32, #tpu.memory_space<vmem>>
            %dma_start3A_70 = tpu.memref_squeeze %dma_start3A_69 : memref<1x125x128xf32, #tpu.memory_space<vmem>> -> memref<125x128xf32, #tpu.memory_space<vmem>>
            %dma_start3A_71 = arith.constant 0 : i32
            %dma_start3A_72 = tpu.memref_slice %arg6[%add3A_42, %dma_start3A_71] : memref<80x125xi32, #tpu.memory_space<vmem>> -> memref<1x125xi32, #tpu.memory_space<vmem>>
            %dma_start3A_73 = tpu.memref_squeeze %dma_start3A_72 : memref<1x125xi32, #tpu.memory_space<vmem>> -> memref<125xi32, #tpu.memory_space<vmem>>
            %dma_start3A_74 = arith.constant 0 : i32
            %dma_start3A_75 = arith.constant 0 : i32
            %dma_start3A_76 = tpu.memref_slice %arg2[%dma_start3A_74, %dma_start3A_75] : memref<10000x128xf32, #tpu.memory_space<hbm>> -> memref<10000x128xf32, #tpu.memory_space<hbm>>
            tpu.enqueue_indirect_dma source(%dma_start3A_76 : memref<10000x128xf32, #tpu.memory_space<hbm>>) target(%dma_start3A_70 : memref<125x128xf32, #tpu.memory_space<vmem>>) offsets(%dma_start3A_73 : memref<125xi32, #tpu.memory_space<vmem>>) semaphore(%run_scoped3A_59 : memref<!tpu.dma_semaphore, #tpu.memory_space<semaphore_mem>>)
          } else {
          }
          %run_scoped3A_63 = arith.constant 0 : i32
          "tpu.region"() ({
            %run_scoped3A_67 = tpu.sem_alloc : memref<!tpu.dma_semaphore, #tpu.memory_space<semaphore_mem>>
            %dma_start3A = arith.constant 0 : i32
            %dma_start3A_68 = arith.constant 0 : i32
            %dma_start3A_69 = tpu.memref_slice %arg8[%run_scoped3A_63, %dma_start3A, %dma_start3A_68] : memref<2x125x128xf32, #tpu.memory_space<vmem>> -> memref<1x125x128xf32, #tpu.memory_space<vmem>>
            %dma_start3A_70 = tpu.memref_squeeze %dma_start3A_69 : memref<1x125x128xf32, #tpu.memory_space<vmem>> -> memref<125x128xf32, #tpu.memory_space<vmem>>
            %dma_start3A_71 = arith.constant 0 : i32
            %dma_start3A_72 = tpu.memref_slice %arg7[%mul3A_48, %dma_start3A_71] : memref<8x125xi32, #tpu.memory_space<vmem>> -> memref<1x125xi32, #tpu.memory_space<vmem>>
            %dma_start3A_73 = tpu.memref_squeeze %dma_start3A_72 : memref<1x125xi32, #tpu.memory_space<vmem>> -> memref<125xi32, #tpu.memory_space<vmem>>
            %dma_start3A_74 = arith.constant 0 : i32
            %dma_start3A_75 = arith.constant 0 : i32
            %dma_start3A_76 = tpu.memref_slice %arg9[%dma_start3A_74, %dma_start3A_75] : memref<10240x128xf32, #tpu.memory_space<vmem_shared>> -> memref<10240x128xf32, #tpu.memory_space<vmem_shared>>
            tpu.enqueue_indirect_dma source(%dma_start3A_70 : memref<125x128xf32, #tpu.memory_space<vmem>>) target(%dma_start3A_76 : memref<10240x128xf32, #tpu.memory_space<vmem_shared>>) offsets(%dma_start3A_73 : memref<125xi32, #tpu.memory_space<vmem>>) semaphore(%run_scoped3A_67 : memref<!tpu.dma_semaphore, #tpu.memory_space<semaphore_mem>>) {add = true}
            %dma_wait3A = arith.constant 0 : i32
            %dma_wait3A_77 = arith.constant 0 : i32
            %dma_wait3A_78 = tpu.memref_slice %arg8[%run_scoped3A_63, %dma_wait3A, %dma_wait3A_77] : memref<2x125x128xf32, #tpu.memory_space<vmem>> -> memref<1x125x128xf32, #tpu.memory_space<vmem>>
            %dma_wait3A_79 = tpu.memref_squeeze %dma_wait3A_78 : memref<1x125x128xf32, #tpu.memory_space<vmem>> -> memref<125x128xf32, #tpu.memory_space<vmem>>
            %dma_wait3A_80 = arith.constant 0 : i32
            %dma_wait3A_81 = tpu.memref_slice %arg7[%mul3A_48, %dma_wait3A_80] : memref<8x125xi32, #tpu.memory_space<vmem>> -> memref<1x125xi32, #tpu.memory_space<vmem>>
            %dma_wait3A_82 = tpu.memref_squeeze %dma_wait3A_81 : memref<1x125xi32, #tpu.memory_space<vmem>> -> memref<125xi32, #tpu.memory_space<vmem>>
            %dma_wait3A_83 = arith.constant 0 : i32
            %dma_wait3A_84 = arith.constant 0 : i32
            %dma_wait3A_85 = tpu.memref_slice %arg9[%dma_wait3A_83, %dma_wait3A_84] : memref<10240x128xf32, #tpu.memory_space<vmem_shared>> -> memref<10240x128xf32, #tpu.memory_space<vmem_shared>>
            tpu.wait_indirect_dma semaphore(%run_scoped3A_67 : memref<!tpu.dma_semaphore, #tpu.memory_space<semaphore_mem>>) src(%dma_wait3A_79 : memref<125x128xf32, #tpu.memory_space<vmem>>) dst(%dma_wait3A_85 : memref<10240x128xf32, #tpu.memory_space<vmem_shared>>)
            tpu.yield
          }) : () -> ()
          %convert_element_type3A_64 = arith.extui %lt3A_46 : i1 to i32
          %cond3A_65 = arith.constant 0 : i32
          %cond3A_66 = arith.cmpi ne, %convert_element_type3A_64, %cond3A_65 : i32
          scf.if %cond3A_66 {
            %dma_wait3A = arith.constant 1 : i32
            %dma_wait3A_67 = arith.constant 0 : i32
            %dma_wait3A_68 = arith.constant 0 : i32
            %dma_wait3A_69 = tpu.memref_slice %arg8[%dma_wait3A, %dma_wait3A_67, %dma_wait3A_68] : memref<2x125x128xf32, #tpu.memory_space<vmem>> -> memref<1x125x128xf32, #tpu.memory_space<vmem>>
            %dma_wait3A_70 = tpu.memref_squeeze %dma_wait3A_69 : memref<1x125x128xf32, #tpu.memory_space<vmem>> -> memref<125x128xf32, #tpu.memory_space<vmem>>
            %dma_wait3A_71 = arith.constant 0 : i32
            %dma_wait3A_72 = tpu.memref_slice %arg6[%add3A_42, %dma_wait3A_71] : memref<80x125xi32, #tpu.memory_space<vmem>> -> memref<1x125xi32, #tpu.memory_space<vmem>>
            %dma_wait3A_73 = tpu.memref_squeeze %dma_wait3A_72 : memref<1x125xi32, #tpu.memory_space<vmem>> -> memref<125xi32, #tpu.memory_space<vmem>>
            %dma_wait3A_74 = arith.constant 0 : i32
            %dma_wait3A_75 = arith.constant 0 : i32
            %dma_wait3A_76 = tpu.memref_slice %arg2[%dma_wait3A_74, %dma_wait3A_75] : memref<10000x128xf32, #tpu.memory_space<hbm>> -> memref<10000x128xf32, #tpu.memory_space<hbm>>
            tpu.wait_indirect_dma semaphore(%run_scoped3A_59 : memref<!tpu.dma_semaphore, #tpu.memory_space<semaphore_mem>>) src(%dma_wait3A_76 : memref<10000x128xf32, #tpu.memory_space<hbm>>) dst(%dma_wait3A_70 : memref<125x128xf32, #tpu.memory_space<vmem>>)
          } else {
          }
          tpu.yield
        }) : () -> ()
        %add3A_49 = arith.constant 2 : i32
        %add3A_50 = arith.addi %add3A_40, %add3A_49 : i32
        %add3A_51 = arith.constant 2 : i32
        %add3A_52 = arith.addi %add3A_40, %add3A_51 : i32
        %lt3A_53 = arith.constant 80 : i32
        %lt3A_54 = arith.cmpi slt, %add3A_52, %lt3A_53 : i32
        %mul3A_55 = arith.constant 2 : i32
        %mul3A_56 = arith.muli %mul3A_55, %scan3A_35 : i32
        %add3A_57 = arith.constant 1 : i32
        %add3A_58 = arith.addi %mul3A_56, %add3A_57 : i32
        "tpu.region"() ({
          %run_scoped3A_59 = tpu.sem_alloc : memref<!tpu.dma_semaphore, #tpu.memory_space<semaphore_mem>>
          %convert_element_type3A_60 = arith.extui %lt3A_54 : i1 to i32
          %cond3A_61 = arith.constant 0 : i32
          %cond3A_62 = arith.cmpi ne, %convert_element_type3A_60, %cond3A_61 : i32
          scf.if %cond3A_62 {
            %dma_start3A = arith.constant 0 : i32
            %dma_start3A_67 = arith.constant 0 : i32
            %dma_start3A_68 = arith.constant 0 : i32
            %dma_start3A_69 = tpu.memref_slice %arg8[%dma_start3A, %dma_start3A_67, %dma_start3A_68] : memref<2x125x128xf32, #tpu.memory_space<vmem>> -> memref<1x125x128xf32, #tpu.memory_space<vmem>>
            %dma_start3A_70 = tpu.memref_squeeze %dma_start3A_69 : memref<1x125x128xf32, #tpu.memory_space<vmem>> -> memref<125x128xf32, #tpu.memory_space<vmem>>
            %dma_start3A_71 = arith.constant 0 : i32
            %dma_start3A_72 = tpu.memref_slice %arg6[%add3A_50, %dma_start3A_71] : memref<80x125xi32, #tpu.memory_space<vmem>> -> memref<1x125xi32, #tpu.memory_space<vmem>>
            %dma_start3A_73 = tpu.memref_squeeze %dma_start3A_72 : memref<1x125xi32, #tpu.memory_space<vmem>> -> memref<125xi32, #tpu.memory_space<vmem>>
            %dma_start3A_74 = arith.constant 0 : i32
            %dma_start3A_75 = arith.constant 0 : i32
            %dma_start3A_76 = tpu.memref_slice %arg2[%dma_start3A_74, %dma_start3A_75] : memref<10000x128xf32, #tpu.memory_space<hbm>> -> memref<10000x128xf32, #tpu.memory_space<hbm>>
            tpu.enqueue_indirect_dma source(%dma_start3A_76 : memref<10000x128xf32, #tpu.memory_space<hbm>>) target(%dma_start3A_70 : memref<125x128xf32, #tpu.memory_space<vmem>>) offsets(%dma_start3A_73 : memref<125xi32, #tpu.memory_space<vmem>>) semaphore(%run_scoped3A_59 : memref<!tpu.dma_semaphore, #tpu.memory_space<semaphore_mem>>)
          } else {
          }
          %run_scoped3A_63 = arith.constant 1 : i32
          "tpu.region"() ({
            %run_scoped3A_67 = tpu.sem_alloc : memref<!tpu.dma_semaphore, #tpu.memory_space<semaphore_mem>>
            %dma_start3A = arith.constant 0 : i32
            %dma_start3A_68 = arith.constant 0 : i32
            %dma_start3A_69 = tpu.memref_slice %arg8[%run_scoped3A_63, %dma_start3A, %dma_start3A_68] : memref<2x125x128xf32, #tpu.memory_space<vmem>> -> memref<1x125x128xf32, #tpu.memory_space<vmem>>
            %dma_start3A_70 = tpu.memref_squeeze %dma_start3A_69 : memref<1x125x128xf32, #tpu.memory_space<vmem>> -> memref<125x128xf32, #tpu.memory_space<vmem>>
            %dma_start3A_71 = arith.constant 0 : i32
            %dma_start3A_72 = tpu.memref_slice %arg7[%add3A_58, %dma_start3A_71] : memref<8x125xi32, #tpu.memory_space<vmem>> -> memref<1x125xi32, #tpu.memory_space<vmem>>
            %dma_start3A_73 = tpu.memref_squeeze %dma_start3A_72 : memref<1x125xi32, #tpu.memory_space<vmem>> -> memref<125xi32, #tpu.memory_space<vmem>>
            %dma_start3A_74 = arith.constant 0 : i32
            %dma_start3A_75 = arith.constant 0 : i32
            %dma_start3A_76 = tpu.memref_slice %arg9[%dma_start3A_74, %dma_start3A_75] : memref<10240x128xf32, #tpu.memory_space<vmem_shared>> -> memref<10240x128xf32, #tpu.memory_space<vmem_shared>>
            tpu.enqueue_indirect_dma source(%dma_start3A_70 : memref<125x128xf32, #tpu.memory_space<vmem>>) target(%dma_start3A_76 : memref<10240x128xf32, #tpu.memory_space<vmem_shared>>) offsets(%dma_start3A_73 : memref<125xi32, #tpu.memory_space<vmem>>) semaphore(%run_scoped3A_67 : memref<!tpu.dma_semaphore, #tpu.memory_space<semaphore_mem>>) {add = true}
            %dma_wait3A = arith.constant 0 : i32
            %dma_wait3A_77 = arith.constant 0 : i32
            %dma_wait3A_78 = tpu.memref_slice %arg8[%run_scoped3A_63, %dma_wait3A, %dma_wait3A_77] : memref<2x125x128xf32, #tpu.memory_space<vmem>> -> memref<1x125x128xf32, #tpu.memory_space<vmem>>
            %dma_wait3A_79 = tpu.memref_squeeze %dma_wait3A_78 : memref<1x125x128xf32, #tpu.memory_space<vmem>> -> memref<125x128xf32, #tpu.memory_space<vmem>>
            %dma_wait3A_80 = arith.constant 0 : i32
            %dma_wait3A_81 = tpu.memref_slice %arg7[%add3A_58, %dma_wait3A_80] : memref<8x125xi32, #tpu.memory_space<vmem>> -> memref<1x125xi32, #tpu.memory_space<vmem>>
            %dma_wait3A_82 = tpu.memref_squeeze %dma_wait3A_81 : memref<1x125xi32, #tpu.memory_space<vmem>> -> memref<125xi32, #tpu.memory_space<vmem>>
            %dma_wait3A_83 = arith.constant 0 : i32
            %dma_wait3A_84 = arith.constant 0 : i32
            %dma_wait3A_85 = tpu.memref_slice %arg9[%dma_wait3A_83, %dma_wait3A_84] : memref<10240x128xf32, #tpu.memory_space<vmem_shared>> -> memref<10240x128xf32, #tpu.memory_space<vmem_shared>>
            tpu.wait_indirect_dma semaphore(%run_scoped3A_67 : memref<!tpu.dma_semaphore, #tpu.memory_space<semaphore_mem>>) src(%dma_wait3A_79 : memref<125x128xf32, #tpu.memory_space<vmem>>) dst(%dma_wait3A_85 : memref<10240x128xf32, #tpu.memory_space<vmem_shared>>)
            tpu.yield
          }) : () -> ()
          %convert_element_type3A_64 = arith.extui %lt3A_54 : i1 to i32
          %cond3A_65 = arith.constant 0 : i32
          %cond3A_66 = arith.cmpi ne, %convert_element_type3A_64, %cond3A_65 : i32
          scf.if %cond3A_66 {
            %dma_wait3A = arith.constant 0 : i32
            %dma_wait3A_67 = arith.constant 0 : i32
            %dma_wait3A_68 = arith.constant 0 : i32
            %dma_wait3A_69 = tpu.memref_slice %arg8[%dma_wait3A, %dma_wait3A_67, %dma_wait3A_68] : memref<2x125x128xf32, #tpu.memory_space<vmem>> -> memref<1x125x128xf32, #tpu.memory_space<vmem>>
            %dma_wait3A_70 = tpu.memref_squeeze %dma_wait3A_69 : memref<1x125x128xf32, #tpu.memory_space<vmem>> -> memref<125x128xf32, #tpu.memory_space<vmem>>
            %dma_wait3A_71 = arith.constant 0 : i32
            %dma_wait3A_72 = tpu.memref_slice %arg6[%add3A_50, %dma_wait3A_71] : memref<80x125xi32, #tpu.memory_space<vmem>> -> memref<1x125xi32, #tpu.memory_space<vmem>>
            %dma_wait3A_73 = tpu.memref_squeeze %dma_wait3A_72 : memref<1x125xi32, #tpu.memory_space<vmem>> -> memref<125xi32, #tpu.memory_space<vmem>>
            %dma_wait3A_74 = arith.constant 0 : i32
            %dma_wait3A_75 = arith.constant 0 : i32
            %dma_wait3A_76 = tpu.memref_slice %arg2[%dma_wait3A_74, %dma_wait3A_75] : memref<10000x128xf32, #tpu.memory_space<hbm>> -> memref<10000x128xf32, #tpu.memory_space<hbm>>
            tpu.wait_indirect_dma semaphore(%run_scoped3A_59 : memref<!tpu.dma_semaphore, #tpu.memory_space<semaphore_mem>>) src(%dma_wait3A_76 : memref<10000x128xf32, #tpu.memory_space<hbm>>) dst(%dma_wait3A_70 : memref<125x128xf32, #tpu.memory_space<vmem>>)
          } else {
          }
          tpu.yield
        }) : () -> ()
      }
      %scan3A_34 = arith.constant 4 : i32
    }
    %scan3A_20 = arith.constant 10 : i32
    %barrier3A_21 = arith.constant 0 : index
    tpu.barrier barrier_id(%barrier3A_21)
    %lt3A = arith.constant 15 : i32
    %lt3A_22 = arith.cmpi slt, %arg1, %lt3A : i32
    %convert_element_type3A = arith.extui %lt3A_22 : i1 to i32
    %cond3A = arith.constant 0 : i32
    %cond3A_23 = arith.cmpi ne, %convert_element_type3A, %cond3A : i32
    scf.if %cond3A_23 {
      "tpu.region"() ({
        %run_scoped3A_28 = tpu.sem_alloc : memref<!tpu.dma_semaphore, #tpu.memory_space<semaphore_mem>>
        %dma_start3A = arith.constant 0 : i32
        %dma_start3A_29 = tpu.memref_slice %arg5[%arg0, %mul3A_7, %dma_start3A] : memref<2x10000x128xf32, #tpu.memory_space<hbm>> -> memref<1x640x128xf32, #tpu.memory_space<hbm>>
        %dma_start3A_30 = tpu.memref_squeeze %dma_start3A_29 : memref<1x640x128xf32, #tpu.memory_space<hbm>> -> memref<640x128xf32, #tpu.memory_space<hbm>>
        %dma_start3A_31 = arith.constant 0 : i32
        %dma_start3A_32 = tpu.memref_slice %arg9[%mul3A_7, %dma_start3A_31] : memref<10240x128xf32, #tpu.memory_space<vmem_shared>> -> memref<640x128xf32, #tpu.memory_space<vmem_shared>>
        tpu.enqueue_dma source(%dma_start3A_32 : memref<640x128xf32, #tpu.memory_space<vmem_shared>>) target(%dma_start3A_30 : memref<640x128xf32, #tpu.memory_space<hbm>>) target_semaphore(%run_scoped3A_28 : memref<!tpu.dma_semaphore, #tpu.memory_space<semaphore_mem>>)
        %dma_wait3A = arith.constant 0 : i32
        %dma_wait3A_33 = tpu.memref_slice %arg5[%arg0, %mul3A_7, %dma_wait3A] : memref<2x10000x128xf32, #tpu.memory_space<hbm>> -> memref<1x640x128xf32, #tpu.memory_space<hbm>>
        %dma_wait3A_34 = tpu.memref_squeeze %dma_wait3A_33 : memref<1x640x128xf32, #tpu.memory_space<hbm>> -> memref<640x128xf32, #tpu.memory_space<hbm>>
        %dma_wait3A_35 = arith.constant 0 : i32
        %dma_wait3A_36 = tpu.memref_slice %arg9[%mul3A_7, %dma_wait3A_35] : memref<10240x128xf32, #tpu.memory_space<vmem_shared>> -> memref<640x128xf32, #tpu.memory_space<vmem_shared>>
        tpu.wait_dma2 semaphore(%run_scoped3A_28 : memref<!tpu.dma_semaphore, #tpu.memory_space<semaphore_mem>>) src(%dma_wait3A_36 : memref<640x128xf32, #tpu.memory_space<vmem_shared>>) dst(%dma_wait3A_34 : memref<640x128xf32, #tpu.memory_space<hbm>>)
        tpu.yield
      }) : () -> ()
    } else {
    }
    %eq3A = arith.constant 15 : i32
    %eq3A_24 = arith.cmpi eq, %arg1, %eq3A : i32
    %convert_element_type3A_25 = arith.extui %eq3A_24 : i1 to i32
    %cond3A_26 = arith.constant 0 : i32
    %cond3A_27 = arith.cmpi ne, %convert_element_type3A_25, %cond3A_26 : i32
    scf.if %cond3A_27 {
      "tpu.region"() ({
        %run_scoped3A_28 = tpu.sem_alloc : memref<!tpu.dma_semaphore, #tpu.memory_space<semaphore_mem>>
        %dma_start3A = arith.constant 0 : i32
        %dma_start3A_29 = tpu.memref_slice %arg5[%arg0, %mul3A_7, %dma_start3A] : memref<2x10000x128xf32, #tpu.memory_space<hbm>> -> memref<1x400x128xf32, #tpu.memory_space<hbm>>
        %dma_start3A_30 = tpu.memref_squeeze %dma_start3A_29 : memref<1x400x128xf32, #tpu.memory_space<hbm>> -> memref<400x128xf32, #tpu.memory_space<hbm>>
        %dma_start3A_31 = arith.constant 0 : i32
        %dma_start3A_32 = tpu.memref_slice %arg9[%mul3A_7, %dma_start3A_31] : memref<10240x128xf32, #tpu.memory_space<vmem_shared>> -> memref<400x128xf32, #tpu.memory_space<vmem_shared>>
        tpu.enqueue_dma source(%dma_start3A_32 : memref<400x128xf32, #tpu.memory_space<vmem_shared>>) target(%dma_start3A_30 : memref<400x128xf32, #tpu.memory_space<hbm>>) target_semaphore(%run_scoped3A_28 : memref<!tpu.dma_semaphore, #tpu.memory_space<semaphore_mem>>)
        %dma_wait3A = arith.constant 0 : i32
        %dma_wait3A_33 = tpu.memref_slice %arg5[%arg0, %mul3A_7, %dma_wait3A] : memref<2x10000x128xf32, #tpu.memory_space<hbm>> -> memref<1x400x128xf32, #tpu.memory_space<hbm>>
        %dma_wait3A_34 = tpu.memref_squeeze %dma_wait3A_33 : memref<1x400x128xf32, #tpu.memory_space<hbm>> -> memref<400x128xf32, #tpu.memory_space<hbm>>
        %dma_wait3A_35 = arith.constant 0 : i32
        %dma_wait3A_36 = tpu.memref_slice %arg9[%mul3A_7, %dma_wait3A_35] : memref<10240x128xf32, #tpu.memory_space<vmem_shared>> -> memref<400x128xf32, #tpu.memory_space<vmem_shared>>
        tpu.wait_dma2 semaphore(%run_scoped3A_28 : memref<!tpu.dma_semaphore, #tpu.memory_space<semaphore_mem>>) src(%dma_wait3A_36 : memref<400x128xf32, #tpu.memory_space<vmem_shared>>) dst(%dma_wait3A_34 : memref<400x128xf32, #tpu.memory_space<hbm>>)
        tpu.yield
      }) : () -> ()
    } else {
    }
    return
  }
}

#map = affine_map<(d0, d1) -> (0, 0, 0, 0)>
#map1 = affine_map<(d0, d1) -> (0, 0, 0)>
module attributes {stable_mosaic.version = 14 : i64} {
  func.func @_deg_body(%arg0: i32, %arg1: i32, %arg2: memref<32x10x8x125xi32, #tpu.memory_space<hbm>>, %arg3: memref<2x10000x16xf32, #tpu.memory_space<hbm>>, %arg4: memref<10x8x125xi32, #tpu.memory_space<vmem>>, %arg5: memref<125x16xf32, #tpu.memory_space<vmem>>, %arg6: memref<40x16xf32, #tpu.memory_space<vmem>>, %arg7: memref<10240x16xf32, #tpu.memory_space<vmem_shared>>) attributes {dimension_semantics = [#tpu.dimension_semantics<core_parallel>, #tpu.dimension_semantics<subcore_parallel>], iteration_bounds = array<i64: 2, 16>, scalar_prefetch = 0 : i64, scratch_operands = 4 : i64, tpu.core_type = #tpu.core_type<sc_vector_subcore>, window_params = [{transform_indices = #map}, {transform_indices = #map1}]} {
    %mul3A = arith.constant 16 : i32
    %mul3A_0 = arith.muli %arg0, %mul3A : i32
    %add3A = arith.addi %mul3A_0, %arg1 : i32
    "tpu.region"() ({
      %run_scoped3A = tpu.sem_alloc : memref<!tpu.dma_semaphore, #tpu.memory_space<semaphore_mem>>
      %dma_start3A = arith.constant 0 : i32
      %dma_start3A_33 = arith.constant 0 : i32
      %dma_start3A_34 = arith.constant 0 : i32
      %dma_start3A_35 = tpu.memref_slice %arg2[%add3A, %dma_start3A, %dma_start3A_33, %dma_start3A_34] : memref<32x10x8x125xi32, #tpu.memory_space<hbm>> -> memref<1x10x8x125xi32, #tpu.memory_space<hbm>>
      %dma_start3A_36 = tpu.memref_squeeze %dma_start3A_35 : memref<1x10x8x125xi32, #tpu.memory_space<hbm>> -> memref<10x8x125xi32, #tpu.memory_space<hbm>>
      %dma_start3A_37 = arith.constant 0 : i32
      %dma_start3A_38 = arith.constant 0 : i32
      %dma_start3A_39 = arith.constant 0 : i32
      %dma_start3A_40 = tpu.memref_slice %arg2[%add3A, %dma_start3A_37, %dma_start3A_38, %dma_start3A_39] : memref<32x10x8x125xi32, #tpu.memory_space<hbm>> -> memref<1x10x8x125xi32, #tpu.memory_space<hbm>>
      %dma_start3A_41 = tpu.memref_squeeze %dma_start3A_40 : memref<1x10x8x125xi32, #tpu.memory_space<hbm>> -> memref<10x8x125xi32, #tpu.memory_space<hbm>>
      tpu.enqueue_dma source(%dma_start3A_41 : memref<10x8x125xi32, #tpu.memory_space<hbm>>) target(%arg4 : memref<10x8x125xi32, #tpu.memory_space<vmem>>) target_semaphore(%run_scoped3A : memref<!tpu.dma_semaphore, #tpu.memory_space<semaphore_mem>>)
      %dma_wait3A = arith.constant 0 : i32
      %dma_wait3A_42 = arith.constant 0 : i32
      %dma_wait3A_43 = arith.constant 0 : i32
      %dma_wait3A_44 = tpu.memref_slice %arg2[%add3A, %dma_wait3A, %dma_wait3A_42, %dma_wait3A_43] : memref<32x10x8x125xi32, #tpu.memory_space<hbm>> -> memref<1x10x8x125xi32, #tpu.memory_space<hbm>>
      %dma_wait3A_45 = tpu.memref_squeeze %dma_wait3A_44 : memref<1x10x8x125xi32, #tpu.memory_space<hbm>> -> memref<10x8x125xi32, #tpu.memory_space<hbm>>
      %dma_wait3A_46 = arith.constant 0 : i32
      %dma_wait3A_47 = arith.constant 0 : i32
      %dma_wait3A_48 = arith.constant 0 : i32
      %dma_wait3A_49 = tpu.memref_slice %arg2[%add3A, %dma_wait3A_46, %dma_wait3A_47, %dma_wait3A_48] : memref<32x10x8x125xi32, #tpu.memory_space<hbm>> -> memref<1x10x8x125xi32, #tpu.memory_space<hbm>>
      %dma_wait3A_50 = tpu.memref_squeeze %dma_wait3A_49 : memref<1x10x8x125xi32, #tpu.memory_space<hbm>> -> memref<10x8x125xi32, #tpu.memory_space<hbm>>
      tpu.wait_dma2 semaphore(%run_scoped3A : memref<!tpu.dma_semaphore, #tpu.memory_space<semaphore_mem>>) src(%dma_wait3A_50 : memref<10x8x125xi32, #tpu.memory_space<hbm>>) dst(%arg4 : memref<10x8x125xi32, #tpu.memory_space<vmem>>)
      tpu.yield
    }) : () -> ()
    %scan3A = arith.constant 0 : i32
    %scan3A_1 = arith.constant 0 : i32
    %scan3A_2 = arith.constant 125 : i32
    %scan3A_3 = arith.addi %scan3A_1, %scan3A_2 : i32
    %scan3A_4 = arith.constant 1 : i32
    scf.for %scan3A_33 = %scan3A_1 to %scan3A_3 step %scan3A_4  : i32 {
      %broadcast_in_dim3A = arith.constant 1.000000e+00 : f32
      %broadcast_in_dim3A_34 = vector.broadcast %broadcast_in_dim3A : f32 to vector<16xf32>
      %swap3A = arith.index_cast %scan3A_33 : i32 to index
      %swap3A_35 = arith.constant 0 : index
      %swap3A_36 = tpu.vector_load %arg5[%swap3A, %swap3A_35] {strides = array<i32>} : memref<125x16xf32, #tpu.memory_space<vmem>>, vector<1x16xf32>,
      %swap3A_37 = vector.shape_cast %swap3A_36 : vector<1x16xf32> to vector<16xf32>
      %swap3A_38 = vector.shape_cast %broadcast_in_dim3A_34 : vector<16xf32> to vector<1x16xf32>
      tpu.vector_store %arg5[%swap3A, %swap3A_35], %swap3A_38 {strides = array<i32>} : memref<125x16xf32, #tpu.memory_space<vmem>>, vector<1x16xf32>,
    }
    %scan3A_5 = arith.constant 125 : i32
    %scan3A_6 = arith.constant 0 : i32
    %scan3A_7 = arith.constant 0 : i32
    %scan3A_8 = arith.constant 40 : i32
    %scan3A_9 = arith.addi %scan3A_7, %scan3A_8 : i32
    %scan3A_10 = arith.constant 1 : i32
    scf.for %scan3A_33 = %scan3A_7 to %scan3A_9 step %scan3A_10  : i32 {
      %broadcast_in_dim3A = arith.constant 0.000000e+00 : f32
      %broadcast_in_dim3A_34 = vector.broadcast %broadcast_in_dim3A : f32 to vector<16xf32>
      %swap3A = arith.index_cast %scan3A_33 : i32 to index
      %swap3A_35 = arith.constant 0 : index
      %swap3A_36 = tpu.vector_load %arg6[%swap3A, %swap3A_35] {strides = array<i32>} : memref<40x16xf32, #tpu.memory_space<vmem>>, vector<1x16xf32>,
      %swap3A_37 = vector.shape_cast %swap3A_36 : vector<1x16xf32> to vector<16xf32>
      %swap3A_38 = vector.shape_cast %broadcast_in_dim3A_34 : vector<16xf32> to vector<1x16xf32>
      tpu.vector_store %arg6[%swap3A, %swap3A_35], %swap3A_38 {strides = array<i32>} : memref<40x16xf32, #tpu.memory_space<vmem>>, vector<1x16xf32>,
    }
    %scan3A_11 = arith.constant 40 : i32
    %mul3A_12 = arith.constant 640 : i32
    %mul3A_13 = arith.muli %arg1, %mul3A_12 : i32
    %scan3A_14 = arith.constant 0 : i32
    %scan3A_15 = arith.constant 0 : i32
    %scan3A_16 = arith.constant 16 : i32
    %scan3A_17 = arith.addi %scan3A_15, %scan3A_16 : i32
    %scan3A_18 = arith.constant 1 : i32
    scf.for %scan3A_33 = %scan3A_15 to %scan3A_17 step %scan3A_18  : i32 {
      %mul3A_34 = arith.constant 40 : i32
      %mul3A_35 = arith.muli %scan3A_33, %mul3A_34 : i32
      %add3A_36 = arith.addi %mul3A_13, %mul3A_35 : i32
      "tpu.region"() ({
        %run_scoped3A = tpu.sem_alloc : memref<!tpu.dma_semaphore, #tpu.memory_space<semaphore_mem>>
        %dma_start3A = arith.constant 0 : i32
        %dma_start3A_37 = tpu.memref_slice %arg7[%add3A_36, %dma_start3A] : memref<10240x16xf32, #tpu.memory_space<vmem_shared>> -> memref<40x16xf32, #tpu.memory_space<vmem_shared>>
        %dma_start3A_38 = arith.constant 0 : i32
        %dma_start3A_39 = tpu.memref_slice %arg7[%add3A_36, %dma_start3A_38] : memref<10240x16xf32, #tpu.memory_space<vmem_shared>> -> memref<40x16xf32, #tpu.memory_space<vmem_shared>>
        tpu.enqueue_dma source(%arg6 : memref<40x16xf32, #tpu.memory_space<vmem>>) target(%dma_start3A_39 : memref<40x16xf32, #tpu.memory_space<vmem_shared>>) target_semaphore(%run_scoped3A : memref<!tpu.dma_semaphore, #tpu.memory_space<semaphore_mem>>)
        %dma_wait3A = arith.constant 0 : i32
        %dma_wait3A_40 = tpu.memref_slice %arg7[%add3A_36, %dma_wait3A] : memref<10240x16xf32, #tpu.memory_space<vmem_shared>> -> memref<40x16xf32, #tpu.memory_space<vmem_shared>>
        %dma_wait3A_41 = arith.constant 0 : i32
        %dma_wait3A_42 = tpu.memref_slice %arg7[%add3A_36, %dma_wait3A_41] : memref<10240x16xf32, #tpu.memory_space<vmem_shared>> -> memref<40x16xf32, #tpu.memory_space<vmem_shared>>
        tpu.wait_dma2 semaphore(%run_scoped3A : memref<!tpu.dma_semaphore, #tpu.memory_space<semaphore_mem>>) src(%arg6 : memref<40x16xf32, #tpu.memory_space<vmem>>) dst(%dma_wait3A_42 : memref<40x16xf32, #tpu.memory_space<vmem_shared>>)
        tpu.yield
      }) : () -> ()
    }
    %scan3A_19 = arith.constant 16 : i32
    %barrier3A = arith.constant 0 : index
    tpu.barrier barrier_id(%barrier3A)
    %scan3A_20 = arith.constant 0 : i32
    %scan3A_21 = arith.constant 0 : i32
    %scan3A_22 = arith.constant 10 : i32
    %scan3A_23 = arith.addi %scan3A_21, %scan3A_22 : i32
    %scan3A_24 = arith.constant 1 : i32
    scf.for %scan3A_33 = %scan3A_21 to %scan3A_23 step %scan3A_24  : i32 {
      "tpu.region"() ({
        %run_scoped3A = tpu.sem_alloc : memref<!tpu.dma_semaphore, #tpu.memory_space<semaphore_mem>>
        %run_scoped3A_34 = tpu.sem_alloc : memref<!tpu.dma_semaphore, #tpu.memory_space<semaphore_mem>>
        %run_scoped3A_35 = tpu.sem_alloc : memref<!tpu.dma_semaphore, #tpu.memory_space<semaphore_mem>>
        %run_scoped3A_36 = tpu.sem_alloc : memref<!tpu.dma_semaphore, #tpu.memory_space<semaphore_mem>>
        %run_scoped3A_37 = tpu.sem_alloc : memref<!tpu.dma_semaphore, #tpu.memory_space<semaphore_mem>>
        %run_scoped3A_38 = tpu.sem_alloc : memref<!tpu.dma_semaphore, #tpu.memory_space<semaphore_mem>>
        %run_scoped3A_39 = tpu.sem_alloc : memref<!tpu.dma_semaphore, #tpu.memory_space<semaphore_mem>>
        %run_scoped3A_40 = tpu.sem_alloc : memref<!tpu.dma_semaphore, #tpu.memory_space<semaphore_mem>>
        %dma_start3A = arith.constant 0 : i32
        %dma_start3A_41 = arith.constant 0 : i32
        %dma_start3A_42 = tpu.memref_slice %arg4[%scan3A_33, %dma_start3A, %dma_start3A_41] : memref<10x8x125xi32, #tpu.memory_space<vmem>> -> memref<1x1x125xi32, #tpu.memory_space<vmem>>
        %dma_start3A_43 = tpu.memref_squeeze %dma_start3A_42 : memref<1x1x125xi32, #tpu.memory_space<vmem>> -> memref<125xi32, #tpu.memory_space<vmem>>
        %dma_start3A_44 = arith.constant 0 : i32
        %dma_start3A_45 = arith.constant 0 : i32
        %dma_start3A_46 = tpu.memref_slice %arg7[%dma_start3A_44, %dma_start3A_45] : memref<10240x16xf32, #tpu.memory_space<vmem_shared>> -> memref<10240x16xf32, #tpu.memory_space<vmem_shared>>
        tpu.enqueue_indirect_dma source(%arg5 : memref<125x16xf32, #tpu.memory_space<vmem>>) target(%dma_start3A_46 : memref<10240x16xf32, #tpu.memory_space<vmem_shared>>) offsets(%dma_start3A_43 : memref<125xi32, #tpu.memory_space<vmem>>) semaphore(%run_scoped3A : memref<!tpu.dma_semaphore, #tpu.memory_space<semaphore_mem>>) {add = true}
        %dma_start3A_47 = arith.constant 1 : i32
        %dma_start3A_48 = arith.constant 0 : i32
        %dma_start3A_49 = tpu.memref_slice %arg4[%scan3A_33, %dma_start3A_47, %dma_start3A_48] : memref<10x8x125xi32, #tpu.memory_space<vmem>> -> memref<1x1x125xi32, #tpu.memory_space<vmem>>
        %dma_start3A_50 = tpu.memref_squeeze %dma_start3A_49 : memref<1x1x125xi32, #tpu.memory_space<vmem>> -> memref<125xi32, #tpu.memory_space<vmem>>
        %dma_start3A_51 = arith.constant 0 : i32
        %dma_start3A_52 = arith.constant 0 : i32
        %dma_start3A_53 = tpu.memref_slice %arg7[%dma_start3A_51, %dma_start3A_52] : memref<10240x16xf32, #tpu.memory_space<vmem_shared>> -> memref<10240x16xf32, #tpu.memory_space<vmem_shared>>
        tpu.enqueue_indirect_dma source(%arg5 : memref<125x16xf32, #tpu.memory_space<vmem>>) target(%dma_start3A_53 : memref<10240x16xf32, #tpu.memory_space<vmem_shared>>) offsets(%dma_start3A_50 : memref<125xi32, #tpu.memory_space<vmem>>) semaphore(%run_scoped3A_34 : memref<!tpu.dma_semaphore, #tpu.memory_space<semaphore_mem>>) {add = true}
        %dma_start3A_54 = arith.constant 2 : i32
        %dma_start3A_55 = arith.constant 0 : i32
        %dma_start3A_56 = tpu.memref_slice %arg4[%scan3A_33, %dma_start3A_54, %dma_start3A_55] : memref<10x8x125xi32, #tpu.memory_space<vmem>> -> memref<1x1x125xi32, #tpu.memory_space<vmem>>
        %dma_start3A_57 = tpu.memref_squeeze %dma_start3A_56 : memref<1x1x125xi32, #tpu.memory_space<vmem>> -> memref<125xi32, #tpu.memory_space<vmem>>
        %dma_start3A_58 = arith.constant 0 : i32
        %dma_start3A_59 = arith.constant 0 : i32
        %dma_start3A_60 = tpu.memref_slice %arg7[%dma_start3A_58, %dma_start3A_59] : memref<10240x16xf32, #tpu.memory_space<vmem_shared>> -> memref<10240x16xf32, #tpu.memory_space<vmem_shared>>
        tpu.enqueue_indirect_dma source(%arg5 : memref<125x16xf32, #tpu.memory_space<vmem>>) target(%dma_start3A_60 : memref<10240x16xf32, #tpu.memory_space<vmem_shared>>) offsets(%dma_start3A_57 : memref<125xi32, #tpu.memory_space<vmem>>) semaphore(%run_scoped3A_35 : memref<!tpu.dma_semaphore, #tpu.memory_space<semaphore_mem>>) {add = true}
        %dma_start3A_61 = arith.constant 3 : i32
        %dma_start3A_62 = arith.constant 0 : i32
        %dma_start3A_63 = tpu.memref_slice %arg4[%scan3A_33, %dma_start3A_61, %dma_start3A_62] : memref<10x8x125xi32, #tpu.memory_space<vmem>> -> memref<1x1x125xi32, #tpu.memory_space<vmem>>
        %dma_start3A_64 = tpu.memref_squeeze %dma_start3A_63 : memref<1x1x125xi32, #tpu.memory_space<vmem>> -> memref<125xi32, #tpu.memory_space<vmem>>
        %dma_start3A_65 = arith.constant 0 : i32
        %dma_start3A_66 = arith.constant 0 : i32
        %dma_start3A_67 = tpu.memref_slice %arg7[%dma_start3A_65, %dma_start3A_66] : memref<10240x16xf32, #tpu.memory_space<vmem_shared>> -> memref<10240x16xf32, #tpu.memory_space<vmem_shared>>
        tpu.enqueue_indirect_dma source(%arg5 : memref<125x16xf32, #tpu.memory_space<vmem>>) target(%dma_start3A_67 : memref<10240x16xf32, #tpu.memory_space<vmem_shared>>) offsets(%dma_start3A_64 : memref<125xi32, #tpu.memory_space<vmem>>) semaphore(%run_scoped3A_36 : memref<!tpu.dma_semaphore, #tpu.memory_space<semaphore_mem>>) {add = true}
        %dma_start3A_68 = arith.constant 4 : i32
        %dma_start3A_69 = arith.constant 0 : i32
        %dma_start3A_70 = tpu.memref_slice %arg4[%scan3A_33, %dma_start3A_68, %dma_start3A_69] : memref<10x8x125xi32, #tpu.memory_space<vmem>> -> memref<1x1x125xi32, #tpu.memory_space<vmem>>
        %dma_start3A_71 = tpu.memref_squeeze %dma_start3A_70 : memref<1x1x125xi32, #tpu.memory_space<vmem>> -> memref<125xi32, #tpu.memory_space<vmem>>
        %dma_start3A_72 = arith.constant 0 : i32
        %dma_start3A_73 = arith.constant 0 : i32
        %dma_start3A_74 = tpu.memref_slice %arg7[%dma_start3A_72, %dma_start3A_73] : memref<10240x16xf32, #tpu.memory_space<vmem_shared>> -> memref<10240x16xf32, #tpu.memory_space<vmem_shared>>
        tpu.enqueue_indirect_dma source(%arg5 : memref<125x16xf32, #tpu.memory_space<vmem>>) target(%dma_start3A_74 : memref<10240x16xf32, #tpu.memory_space<vmem_shared>>) offsets(%dma_start3A_71 : memref<125xi32, #tpu.memory_space<vmem>>) semaphore(%run_scoped3A_37 : memref<!tpu.dma_semaphore, #tpu.memory_space<semaphore_mem>>) {add = true}
        %dma_start3A_75 = arith.constant 5 : i32
        %dma_start3A_76 = arith.constant 0 : i32
        %dma_start3A_77 = tpu.memref_slice %arg4[%scan3A_33, %dma_start3A_75, %dma_start3A_76] : memref<10x8x125xi32, #tpu.memory_space<vmem>> -> memref<1x1x125xi32, #tpu.memory_space<vmem>>
        %dma_start3A_78 = tpu.memref_squeeze %dma_start3A_77 : memref<1x1x125xi32, #tpu.memory_space<vmem>> -> memref<125xi32, #tpu.memory_space<vmem>>
        %dma_start3A_79 = arith.constant 0 : i32
        %dma_start3A_80 = arith.constant 0 : i32
        %dma_start3A_81 = tpu.memref_slice %arg7[%dma_start3A_79, %dma_start3A_80] : memref<10240x16xf32, #tpu.memory_space<vmem_shared>> -> memref<10240x16xf32, #tpu.memory_space<vmem_shared>>
        tpu.enqueue_indirect_dma source(%arg5 : memref<125x16xf32, #tpu.memory_space<vmem>>) target(%dma_start3A_81 : memref<10240x16xf32, #tpu.memory_space<vmem_shared>>) offsets(%dma_start3A_78 : memref<125xi32, #tpu.memory_space<vmem>>) semaphore(%run_scoped3A_38 : memref<!tpu.dma_semaphore, #tpu.memory_space<semaphore_mem>>) {add = true}
        %dma_start3A_82 = arith.constant 6 : i32
        %dma_start3A_83 = arith.constant 0 : i32
        %dma_start3A_84 = tpu.memref_slice %arg4[%scan3A_33, %dma_start3A_82, %dma_start3A_83] : memref<10x8x125xi32, #tpu.memory_space<vmem>> -> memref<1x1x125xi32, #tpu.memory_space<vmem>>
        %dma_start3A_85 = tpu.memref_squeeze %dma_start3A_84 : memref<1x1x125xi32, #tpu.memory_space<vmem>> -> memref<125xi32, #tpu.memory_space<vmem>>
        %dma_start3A_86 = arith.constant 0 : i32
        %dma_start3A_87 = arith.constant 0 : i32
        %dma_start3A_88 = tpu.memref_slice %arg7[%dma_start3A_86, %dma_start3A_87] : memref<10240x16xf32, #tpu.memory_space<vmem_shared>> -> memref<10240x16xf32, #tpu.memory_space<vmem_shared>>
        tpu.enqueue_indirect_dma source(%arg5 : memref<125x16xf32, #tpu.memory_space<vmem>>) target(%dma_start3A_88 : memref<10240x16xf32, #tpu.memory_space<vmem_shared>>) offsets(%dma_start3A_85 : memref<125xi32, #tpu.memory_space<vmem>>) semaphore(%run_scoped3A_39 : memref<!tpu.dma_semaphore, #tpu.memory_space<semaphore_mem>>) {add = true}
        %dma_start3A_89 = arith.constant 7 : i32
        %dma_start3A_90 = arith.constant 0 : i32
        %dma_start3A_91 = tpu.memref_slice %arg4[%scan3A_33, %dma_start3A_89, %dma_start3A_90] : memref<10x8x125xi32, #tpu.memory_space<vmem>> -> memref<1x1x125xi32, #tpu.memory_space<vmem>>
        %dma_start3A_92 = tpu.memref_squeeze %dma_start3A_91 : memref<1x1x125xi32, #tpu.memory_space<vmem>> -> memref<125xi32, #tpu.memory_space<vmem>>
        %dma_start3A_93 = arith.constant 0 : i32
        %dma_start3A_94 = arith.constant 0 : i32
        %dma_start3A_95 = tpu.memref_slice %arg7[%dma_start3A_93, %dma_start3A_94] : memref<10240x16xf32, #tpu.memory_space<vmem_shared>> -> memref<10240x16xf32, #tpu.memory_space<vmem_shared>>
        tpu.enqueue_indirect_dma source(%arg5 : memref<125x16xf32, #tpu.memory_space<vmem>>) target(%dma_start3A_95 : memref<10240x16xf32, #tpu.memory_space<vmem_shared>>) offsets(%dma_start3A_92 : memref<125xi32, #tpu.memory_space<vmem>>) semaphore(%run_scoped3A_40 : memref<!tpu.dma_semaphore, #tpu.memory_space<semaphore_mem>>) {add = true}
        %dma_wait3A = arith.constant 0 : i32
        %dma_wait3A_96 = arith.constant 0 : i32
        %dma_wait3A_97 = tpu.memref_slice %arg4[%scan3A_33, %dma_wait3A, %dma_wait3A_96] : memref<10x8x125xi32, #tpu.memory_space<vmem>> -> memref<1x1x125xi32, #tpu.memory_space<vmem>>
        %dma_wait3A_98 = tpu.memref_squeeze %dma_wait3A_97 : memref<1x1x125xi32, #tpu.memory_space<vmem>> -> memref<125xi32, #tpu.memory_space<vmem>>
        %dma_wait3A_99 = arith.constant 0 : i32
        %dma_wait3A_100 = arith.constant 0 : i32
        %dma_wait3A_101 = tpu.memref_slice %arg7[%dma_wait3A_99, %dma_wait3A_100] : memref<10240x16xf32, #tpu.memory_space<vmem_shared>> -> memref<10240x16xf32, #tpu.memory_space<vmem_shared>>
        tpu.wait_indirect_dma semaphore(%run_scoped3A : memref<!tpu.dma_semaphore, #tpu.memory_space<semaphore_mem>>) src(%arg5 : memref<125x16xf32, #tpu.memory_space<vmem>>) dst(%dma_wait3A_101 : memref<10240x16xf32, #tpu.memory_space<vmem_shared>>)
        %dma_wait3A_102 = arith.constant 1 : i32
        %dma_wait3A_103 = arith.constant 0 : i32
        %dma_wait3A_104 = tpu.memref_slice %arg4[%scan3A_33, %dma_wait3A_102, %dma_wait3A_103] : memref<10x8x125xi32, #tpu.memory_space<vmem>> -> memref<1x1x125xi32, #tpu.memory_space<vmem>>
        %dma_wait3A_105 = tpu.memref_squeeze %dma_wait3A_104 : memref<1x1x125xi32, #tpu.memory_space<vmem>> -> memref<125xi32, #tpu.memory_space<vmem>>
        %dma_wait3A_106 = arith.constant 0 : i32
        %dma_wait3A_107 = arith.constant 0 : i32
        %dma_wait3A_108 = tpu.memref_slice %arg7[%dma_wait3A_106, %dma_wait3A_107] : memref<10240x16xf32, #tpu.memory_space<vmem_shared>> -> memref<10240x16xf32, #tpu.memory_space<vmem_shared>>
        tpu.wait_indirect_dma semaphore(%run_scoped3A_34 : memref<!tpu.dma_semaphore, #tpu.memory_space<semaphore_mem>>) src(%arg5 : memref<125x16xf32, #tpu.memory_space<vmem>>) dst(%dma_wait3A_108 : memref<10240x16xf32, #tpu.memory_space<vmem_shared>>)
        %dma_wait3A_109 = arith.constant 2 : i32
        %dma_wait3A_110 = arith.constant 0 : i32
        %dma_wait3A_111 = tpu.memref_slice %arg4[%scan3A_33, %dma_wait3A_109, %dma_wait3A_110] : memref<10x8x125xi32, #tpu.memory_space<vmem>> -> memref<1x1x125xi32, #tpu.memory_space<vmem>>
        %dma_wait3A_112 = tpu.memref_squeeze %dma_wait3A_111 : memref<1x1x125xi32, #tpu.memory_space<vmem>> -> memref<125xi32, #tpu.memory_space<vmem>>
        %dma_wait3A_113 = arith.constant 0 : i32
        %dma_wait3A_114 = arith.constant 0 : i32
        %dma_wait3A_115 = tpu.memref_slice %arg7[%dma_wait3A_113, %dma_wait3A_114] : memref<10240x16xf32, #tpu.memory_space<vmem_shared>> -> memref<10240x16xf32, #tpu.memory_space<vmem_shared>>
        tpu.wait_indirect_dma semaphore(%run_scoped3A_35 : memref<!tpu.dma_semaphore, #tpu.memory_space<semaphore_mem>>) src(%arg5 : memref<125x16xf32, #tpu.memory_space<vmem>>) dst(%dma_wait3A_115 : memref<10240x16xf32, #tpu.memory_space<vmem_shared>>)
        %dma_wait3A_116 = arith.constant 3 : i32
        %dma_wait3A_117 = arith.constant 0 : i32
        %dma_wait3A_118 = tpu.memref_slice %arg4[%scan3A_33, %dma_wait3A_116, %dma_wait3A_117] : memref<10x8x125xi32, #tpu.memory_space<vmem>> -> memref<1x1x125xi32, #tpu.memory_space<vmem>>
        %dma_wait3A_119 = tpu.memref_squeeze %dma_wait3A_118 : memref<1x1x125xi32, #tpu.memory_space<vmem>> -> memref<125xi32, #tpu.memory_space<vmem>>
        %dma_wait3A_120 = arith.constant 0 : i32
        %dma_wait3A_121 = arith.constant 0 : i32
        %dma_wait3A_122 = tpu.memref_slice %arg7[%dma_wait3A_120, %dma_wait3A_121] : memref<10240x16xf32, #tpu.memory_space<vmem_shared>> -> memref<10240x16xf32, #tpu.memory_space<vmem_shared>>
        tpu.wait_indirect_dma semaphore(%run_scoped3A_36 : memref<!tpu.dma_semaphore, #tpu.memory_space<semaphore_mem>>) src(%arg5 : memref<125x16xf32, #tpu.memory_space<vmem>>) dst(%dma_wait3A_122 : memref<10240x16xf32, #tpu.memory_space<vmem_shared>>)
        %dma_wait3A_123 = arith.constant 4 : i32
        %dma_wait3A_124 = arith.constant 0 : i32
        %dma_wait3A_125 = tpu.memref_slice %arg4[%scan3A_33, %dma_wait3A_123, %dma_wait3A_124] : memref<10x8x125xi32, #tpu.memory_space<vmem>> -> memref<1x1x125xi32, #tpu.memory_space<vmem>>
        %dma_wait3A_126 = tpu.memref_squeeze %dma_wait3A_125 : memref<1x1x125xi32, #tpu.memory_space<vmem>> -> memref<125xi32, #tpu.memory_space<vmem>>
        %dma_wait3A_127 = arith.constant 0 : i32
        %dma_wait3A_128 = arith.constant 0 : i32
        %dma_wait3A_129 = tpu.memref_slice %arg7[%dma_wait3A_127, %dma_wait3A_128] : memref<10240x16xf32, #tpu.memory_space<vmem_shared>> -> memref<10240x16xf32, #tpu.memory_space<vmem_shared>>
        tpu.wait_indirect_dma semaphore(%run_scoped3A_37 : memref<!tpu.dma_semaphore, #tpu.memory_space<semaphore_mem>>) src(%arg5 : memref<125x16xf32, #tpu.memory_space<vmem>>) dst(%dma_wait3A_129 : memref<10240x16xf32, #tpu.memory_space<vmem_shared>>)
        %dma_wait3A_130 = arith.constant 5 : i32
        %dma_wait3A_131 = arith.constant 0 : i32
        %dma_wait3A_132 = tpu.memref_slice %arg4[%scan3A_33, %dma_wait3A_130, %dma_wait3A_131] : memref<10x8x125xi32, #tpu.memory_space<vmem>> -> memref<1x1x125xi32, #tpu.memory_space<vmem>>
        %dma_wait3A_133 = tpu.memref_squeeze %dma_wait3A_132 : memref<1x1x125xi32, #tpu.memory_space<vmem>> -> memref<125xi32, #tpu.memory_space<vmem>>
        %dma_wait3A_134 = arith.constant 0 : i32
        %dma_wait3A_135 = arith.constant 0 : i32
        %dma_wait3A_136 = tpu.memref_slice %arg7[%dma_wait3A_134, %dma_wait3A_135] : memref<10240x16xf32, #tpu.memory_space<vmem_shared>> -> memref<10240x16xf32, #tpu.memory_space<vmem_shared>>
        tpu.wait_indirect_dma semaphore(%run_scoped3A_38 : memref<!tpu.dma_semaphore, #tpu.memory_space<semaphore_mem>>) src(%arg5 : memref<125x16xf32, #tpu.memory_space<vmem>>) dst(%dma_wait3A_136 : memref<10240x16xf32, #tpu.memory_space<vmem_shared>>)
        %dma_wait3A_137 = arith.constant 6 : i32
        %dma_wait3A_138 = arith.constant 0 : i32
        %dma_wait3A_139 = tpu.memref_slice %arg4[%scan3A_33, %dma_wait3A_137, %dma_wait3A_138] : memref<10x8x125xi32, #tpu.memory_space<vmem>> -> memref<1x1x125xi32, #tpu.memory_space<vmem>>
        %dma_wait3A_140 = tpu.memref_squeeze %dma_wait3A_139 : memref<1x1x125xi32, #tpu.memory_space<vmem>> -> memref<125xi32, #tpu.memory_space<vmem>>
        %dma_wait3A_141 = arith.constant 0 : i32
        %dma_wait3A_142 = arith.constant 0 : i32
        %dma_wait3A_143 = tpu.memref_slice %arg7[%dma_wait3A_141, %dma_wait3A_142] : memref<10240x16xf32, #tpu.memory_space<vmem_shared>> -> memref<10240x16xf32, #tpu.memory_space<vmem_shared>>
        tpu.wait_indirect_dma semaphore(%run_scoped3A_39 : memref<!tpu.dma_semaphore, #tpu.memory_space<semaphore_mem>>) src(%arg5 : memref<125x16xf32, #tpu.memory_space<vmem>>) dst(%dma_wait3A_143 : memref<10240x16xf32, #tpu.memory_space<vmem_shared>>)
        %dma_wait3A_144 = arith.constant 7 : i32
        %dma_wait3A_145 = arith.constant 0 : i32
        %dma_wait3A_146 = tpu.memref_slice %arg4[%scan3A_33, %dma_wait3A_144, %dma_wait3A_145] : memref<10x8x125xi32, #tpu.memory_space<vmem>> -> memref<1x1x125xi32, #tpu.memory_space<vmem>>
        %dma_wait3A_147 = tpu.memref_squeeze %dma_wait3A_146 : memref<1x1x125xi32, #tpu.memory_space<vmem>> -> memref<125xi32, #tpu.memory_space<vmem>>
        %dma_wait3A_148 = arith.constant 0 : i32
        %dma_wait3A_149 = arith.constant 0 : i32
        %dma_wait3A_150 = tpu.memref_slice %arg7[%dma_wait3A_148, %dma_wait3A_149] : memref<10240x16xf32, #tpu.memory_space<vmem_shared>> -> memref<10240x16xf32, #tpu.memory_space<vmem_shared>>
        tpu.wait_indirect_dma semaphore(%run_scoped3A_40 : memref<!tpu.dma_semaphore, #tpu.memory_space<semaphore_mem>>) src(%arg5 : memref<125x16xf32, #tpu.memory_space<vmem>>) dst(%dma_wait3A_150 : memref<10240x16xf32, #tpu.memory_space<vmem_shared>>)
        tpu.yield
      }) : () -> ()
    }
    %scan3A_25 = arith.constant 10 : i32
    %barrier3A_26 = arith.constant 0 : index
    tpu.barrier barrier_id(%barrier3A_26)
    %lt3A = arith.constant 15 : i32
    %lt3A_27 = arith.cmpi slt, %arg1, %lt3A : i32
    %convert_element_type3A = arith.extui %lt3A_27 : i1 to i32
    %cond3A = arith.constant 0 : i32
    %cond3A_28 = arith.cmpi ne, %convert_element_type3A, %cond3A : i32
    scf.if %cond3A_28 {
      "tpu.region"() ({
        %run_scoped3A = tpu.sem_alloc : memref<!tpu.dma_semaphore, #tpu.memory_space<semaphore_mem>>
        %dma_start3A = arith.constant 0 : i32
        %dma_start3A_33 = tpu.memref_slice %arg3[%arg0, %mul3A_13, %dma_start3A] : memref<2x10000x16xf32, #tpu.memory_space<hbm>> -> memref<1x640x16xf32, #tpu.memory_space<hbm>>
        %dma_start3A_34 = tpu.memref_squeeze %dma_start3A_33 : memref<1x640x16xf32, #tpu.memory_space<hbm>> -> memref<640x16xf32, #tpu.memory_space<hbm>>
        %dma_start3A_35 = arith.constant 0 : i32
        %dma_start3A_36 = tpu.memref_slice %arg7[%mul3A_13, %dma_start3A_35] : memref<10240x16xf32, #tpu.memory_space<vmem_shared>> -> memref<640x16xf32, #tpu.memory_space<vmem_shared>>
        tpu.enqueue_dma source(%dma_start3A_36 : memref<640x16xf32, #tpu.memory_space<vmem_shared>>) target(%dma_start3A_34 : memref<640x16xf32, #tpu.memory_space<hbm>>) target_semaphore(%run_scoped3A : memref<!tpu.dma_semaphore, #tpu.memory_space<semaphore_mem>>)
        %dma_wait3A = arith.constant 0 : i32
        %dma_wait3A_37 = tpu.memref_slice %arg3[%arg0, %mul3A_13, %dma_wait3A] : memref<2x10000x16xf32, #tpu.memory_space<hbm>> -> memref<1x640x16xf32, #tpu.memory_space<hbm>>
        %dma_wait3A_38 = tpu.memref_squeeze %dma_wait3A_37 : memref<1x640x16xf32, #tpu.memory_space<hbm>> -> memref<640x16xf32, #tpu.memory_space<hbm>>
        %dma_wait3A_39 = arith.constant 0 : i32
        %dma_wait3A_40 = tpu.memref_slice %arg7[%mul3A_13, %dma_wait3A_39] : memref<10240x16xf32, #tpu.memory_space<vmem_shared>> -> memref<640x16xf32, #tpu.memory_space<vmem_shared>>
        tpu.wait_dma2 semaphore(%run_scoped3A : memref<!tpu.dma_semaphore, #tpu.memory_space<semaphore_mem>>) src(%dma_wait3A_40 : memref<640x16xf32, #tpu.memory_space<vmem_shared>>) dst(%dma_wait3A_38 : memref<640x16xf32, #tpu.memory_space<hbm>>)
        tpu.yield
      }) : () -> ()
    } else {
    }
    %eq3A = arith.constant 15 : i32
    %eq3A_29 = arith.cmpi eq, %arg1, %eq3A : i32
    %convert_element_type3A_30 = arith.extui %eq3A_29 : i1 to i32
    %cond3A_31 = arith.constant 0 : i32
    %cond3A_32 = arith.cmpi ne, %convert_element_type3A_30, %cond3A_31 : i32
    scf.if %cond3A_32 {
      "tpu.region"() ({
        %run_scoped3A = tpu.sem_alloc : memref<!tpu.dma_semaphore, #tpu.memory_space<semaphore_mem>>
        %dma_start3A = arith.constant 0 : i32
        %dma_start3A_33 = tpu.memref_slice %arg3[%arg0, %mul3A_13, %dma_start3A] : memref<2x10000x16xf32, #tpu.memory_space<hbm>> -> memref<1x400x16xf32, #tpu.memory_space<hbm>>
        %dma_start3A_34 = tpu.memref_squeeze %dma_start3A_33 : memref<1x400x16xf32, #tpu.memory_space<hbm>> -> memref<400x16xf32, #tpu.memory_space<hbm>>
        %dma_start3A_35 = arith.constant 0 : i32
        %dma_start3A_36 = tpu.memref_slice %arg7[%mul3A_13, %dma_start3A_35] : memref<10240x16xf32, #tpu.memory_space<vmem_shared>> -> memref<400x16xf32, #tpu.memory_space<vmem_shared>>
        tpu.enqueue_dma source(%dma_start3A_36 : memref<400x16xf32, #tpu.memory_space<vmem_shared>>) target(%dma_start3A_34 : memref<400x16xf32, #tpu.memory_space<hbm>>) target_semaphore(%run_scoped3A : memref<!tpu.dma_semaphore, #tpu.memory_space<semaphore_mem>>)
        %dma_wait3A = arith.constant 0 : i32
        %dma_wait3A_37 = tpu.memref_slice %arg3[%arg0, %mul3A_13, %dma_wait3A] : memref<2x10000x16xf32, #tpu.memory_space<hbm>> -> memref<1x400x16xf32, #tpu.memory_space<hbm>>
        %dma_wait3A_38 = tpu.memref_squeeze %dma_wait3A_37 : memref<1x400x16xf32, #tpu.memory_space<hbm>> -> memref<400x16xf32, #tpu.memory_space<hbm>>
        %dma_wait3A_39 = arith.constant 0 : i32
        %dma_wait3A_40 = tpu.memref_slice %arg7[%mul3A_13, %dma_wait3A_39] : memref<10240x16xf32, #tpu.memory_space<vmem_shared>> -> memref<400x16xf32, #tpu.memory_space<vmem_shared>>
        tpu.wait_dma2 semaphore(%run_scoped3A : memref<!tpu.dma_semaphore, #tpu.memory_space<semaphore_mem>>) src(%dma_wait3A_40 : memref<400x16xf32, #tpu.memory_space<vmem_shared>>) dst(%dma_wait3A_38 : memref<400x16xf32, #tpu.memory_space<hbm>>)
        tpu.yield
      }) : () -> ()
    } else {
    }
    return
  }
}

#map = affine_map<(d0, d1) -> (0, 0)>
#map1 = affine_map<(d0, d1) -> (0, 0, 0)>
#map2 = affine_map<(d0, d1) -> (0, 0, 0, 0)>
module attributes {stable_mosaic.version = 14 : i64} {
  func.func @_agg_body(%arg0: i32, %arg1: i32, %arg2: memref<10000x128xf32, #tpu.memory_space<hbm>>, %arg3: memref<32x80x125xi32, #tpu.memory_space<hbm>>, %arg4: memref<32x10x8x125xi32, #tpu.memory_space<hbm>>, %arg5: memref<2x10000x128xf32, #tpu.memory_space<hbm>>, %arg6: memref<80x125xi32, #tpu.memory_space<vmem>>, %arg7: memref<8x125xi32, #tpu.memory_space<vmem>>, %arg8: memref<2x125x128xf32, #tpu.memory_space<vmem>>, %arg9: memref<10240x128xf32, #tpu.memory_space<vmem_shared>>) attributes {dimension_semantics = [#tpu.dimension_semantics<core_parallel>, #tpu.dimension_semantics<subcore_parallel>], iteration_bounds = array<i64: 2, 16>, scalar_prefetch = 0 : i64, scratch_operands = 4 : i64, tpu.core_type = #tpu.core_type<sc_vector_subcore>, window_params = [{transform_indices = #map}, {transform_indices = #map1}, {transform_indices = #map2}, {transform_indices = #map1}]} {
    %mul3A = arith.constant 16 : i32
    %mul3A_0 = arith.muli %arg0, %mul3A : i32
    %add3A = arith.addi %mul3A_0, %arg1 : i32
    "tpu.region"() ({
      %run_scoped3A_28 = tpu.sem_alloc : memref<!tpu.dma_semaphore, #tpu.memory_space<semaphore_mem>>
      %dma_start3A = arith.constant 0 : i32
      %dma_start3A_29 = arith.constant 0 : i32
      %dma_start3A_30 = tpu.memref_slice %arg3[%add3A, %dma_start3A, %dma_start3A_29] : memref<32x80x125xi32, #tpu.memory_space<hbm>> -> memref<1x80x125xi32, #tpu.memory_space<hbm>>
      %dma_start3A_31 = tpu.memref_squeeze %dma_start3A_30 : memref<1x80x125xi32, #tpu.memory_space<hbm>> -> memref<80x125xi32, #tpu.memory_space<hbm>>
      %dma_start3A_32 = arith.constant 0 : i32
      %dma_start3A_33 = arith.constant 0 : i32
      %dma_start3A_34 = tpu.memref_slice %arg3[%add3A, %dma_start3A_32, %dma_start3A_33] : memref<32x80x125xi32, #tpu.memory_space<hbm>> -> memref<1x80x125xi32, #tpu.memory_space<hbm>>
      %dma_start3A_35 = tpu.memref_squeeze %dma_start3A_34 : memref<1x80x125xi32, #tpu.memory_space<hbm>> -> memref<80x125xi32, #tpu.memory_space<hbm>>
      tpu.enqueue_dma source(%dma_start3A_35 : memref<80x125xi32, #tpu.memory_space<hbm>>) target(%arg6 : memref<80x125xi32, #tpu.memory_space<vmem>>) target_semaphore(%run_scoped3A_28 : memref<!tpu.dma_semaphore, #tpu.memory_space<semaphore_mem>>)
      %dma_wait3A = arith.constant 0 : i32
      %dma_wait3A_36 = arith.constant 0 : i32
      %dma_wait3A_37 = tpu.memref_slice %arg3[%add3A, %dma_wait3A, %dma_wait3A_36] : memref<32x80x125xi32, #tpu.memory_space<hbm>> -> memref<1x80x125xi32, #tpu.memory_space<hbm>>
      %dma_wait3A_38 = tpu.memref_squeeze %dma_wait3A_37 : memref<1x80x125xi32, #tpu.memory_space<hbm>> -> memref<80x125xi32, #tpu.memory_space<hbm>>
      %dma_wait3A_39 = arith.constant 0 : i32
      %dma_wait3A_40 = arith.constant 0 : i32
      %dma_wait3A_41 = tpu.memref_slice %arg3[%add3A, %dma_wait3A_39, %dma_wait3A_40] : memref<32x80x125xi32, #tpu.memory_space<hbm>> -> memref<1x80x125xi32, #tpu.memory_space<hbm>>
      %dma_wait3A_42 = tpu.memref_squeeze %dma_wait3A_41 : memref<1x80x125xi32, #tpu.memory_space<hbm>> -> memref<80x125xi32, #tpu.memory_space<hbm>>
      tpu.wait_dma2 semaphore(%run_scoped3A_28 : memref<!tpu.dma_semaphore, #tpu.memory_space<semaphore_mem>>) src(%dma_wait3A_42 : memref<80x125xi32, #tpu.memory_space<hbm>>) dst(%arg6 : memref<80x125xi32, #tpu.memory_space<vmem>>)
      tpu.yield
    }) : () -> ()
    %scan3A = arith.constant 0 : i32
    %scan3A_1 = arith.constant 0 : i32
    %scan3A_2 = arith.constant 64 : i32
    %scan3A_3 = arith.addi %scan3A_1, %scan3A_2 : i32
    %scan3A_4 = arith.constant 1 : i32
    scf.for %scan3A_28 = %scan3A_1 to %scan3A_3 step %scan3A_4  : i32 {
      %broadcast_in_dim3A = arith.constant 0.000000e+00 : f32
      %broadcast_in_dim3A_29 = vector.broadcast %broadcast_in_dim3A : f32 to vector<16xf32>
      %swap3A = arith.constant 0 : i32
      %swap3A_30 = arith.index_cast %swap3A : i32 to index
      %swap3A_31 = arith.index_cast %scan3A_28 : i32 to index
      %swap3A_32 = arith.constant 0 : index
      %swap3A_33 = tpu.vector_load %arg8[%swap3A_30, %swap3A_31, %swap3A_32] {strides = array<i32>} : memref<2x125x128xf32, #tpu.memory_space<vmem>>, vector<1x1x16xf32>,
      %swap3A_34 = vector.shape_cast %swap3A_33 : vector<1x1x16xf32> to vector<16xf32>
      %swap3A_35 = vector.shape_cast %broadcast_in_dim3A_29 : vector<16xf32> to vector<1x1x16xf32>
      tpu.vector_store %arg8[%swap3A_30, %swap3A_31, %swap3A_32], %swap3A_35 {strides = array<i32>} : memref<2x125x128xf32, #tpu.memory_space<vmem>>, vector<1x1x16xf32>,
      %broadcast_in_dim3A_36 = arith.constant 0.000000e+00 : f32
      %broadcast_in_dim3A_37 = vector.broadcast %broadcast_in_dim3A_36 : f32 to vector<16xf32>
      %swap3A_38 = arith.constant 0 : i32
      %swap3A_39 = arith.index_cast %swap3A_38 : i32 to index
      %swap3A_40 = arith.index_cast %scan3A_28 : i32 to index
      %swap3A_41 = arith.constant 16 : index
      %swap3A_42 = tpu.vector_load %arg8[%swap3A_39, %swap3A_40, %swap3A_41] {strides = array<i32>} : memref<2x125x128xf32, #tpu.memory_space<vmem>>, vector<1x1x16xf32>,
      %swap3A_43 = vector.shape_cast %swap3A_42 : vector<1x1x16xf32> to vector<16xf32>
      %swap3A_44 = vector.shape_cast %broadcast_in_dim3A_37 : vector<16xf32> to vector<1x1x16xf32>
      tpu.vector_store %arg8[%swap3A_39, %swap3A_40, %swap3A_41], %swap3A_44 {strides = array<i32>} : memref<2x125x128xf32, #tpu.memory_space<vmem>>, vector<1x1x16xf32>,
      %broadcast_in_dim3A_45 = arith.constant 0.000000e+00 : f32
      %broadcast_in_dim3A_46 = vector.broadcast %broadcast_in_dim3A_45 : f32 to vector<16xf32>
      %swap3A_47 = arith.constant 0 : i32
      %swap3A_48 = arith.index_cast %swap3A_47 : i32 to index
      %swap3A_49 = arith.index_cast %scan3A_28 : i32 to index
      %swap3A_50 = arith.constant 32 : index
      %swap3A_51 = tpu.vector_load %arg8[%swap3A_48, %swap3A_49, %swap3A_50] {strides = array<i32>} : memref<2x125x128xf32, #tpu.memory_space<vmem>>, vector<1x1x16xf32>,
      %swap3A_52 = vector.shape_cast %swap3A_51 : vector<1x1x16xf32> to vector<16xf32>
      %swap3A_53 = vector.shape_cast %broadcast_in_dim3A_46 : vector<16xf32> to vector<1x1x16xf32>
      tpu.vector_store %arg8[%swap3A_48, %swap3A_49, %swap3A_50], %swap3A_53 {strides = array<i32>} : memref<2x125x128xf32, #tpu.memory_space<vmem>>, vector<1x1x16xf32>,
      %broadcast_in_dim3A_54 = arith.constant 0.000000e+00 : f32
      %broadcast_in_dim3A_55 = vector.broadcast %broadcast_in_dim3A_54 : f32 to vector<16xf32>
      %swap3A_56 = arith.constant 0 : i32
      %swap3A_57 = arith.index_cast %swap3A_56 : i32 to index
      %swap3A_58 = arith.index_cast %scan3A_28 : i32 to index
      %swap3A_59 = arith.constant 48 : index
      %swap3A_60 = tpu.vector_load %arg8[%swap3A_57, %swap3A_58, %swap3A_59] {strides = array<i32>} : memref<2x125x128xf32, #tpu.memory_space<vmem>>, vector<1x1x16xf32>,
      %swap3A_61 = vector.shape_cast %swap3A_60 : vector<1x1x16xf32> to vector<16xf32>
      %swap3A_62 = vector.shape_cast %broadcast_in_dim3A_55 : vector<16xf32> to vector<1x1x16xf32>
      tpu.vector_store %arg8[%swap3A_57, %swap3A_58, %swap3A_59], %swap3A_62 {strides = array<i32>} : memref<2x125x128xf32, #tpu.memory_space<vmem>>, vector<1x1x16xf32>,
      %broadcast_in_dim3A_63 = arith.constant 0.000000e+00 : f32
      %broadcast_in_dim3A_64 = vector.broadcast %broadcast_in_dim3A_63 : f32 to vector<16xf32>
      %swap3A_65 = arith.constant 0 : i32
      %swap3A_66 = arith.index_cast %swap3A_65 : i32 to index
      %swap3A_67 = arith.index_cast %scan3A_28 : i32 to index
      %swap3A_68 = arith.constant 64 : index
      %swap3A_69 = tpu.vector_load %arg8[%swap3A_66, %swap3A_67, %swap3A_68] {strides = array<i32>} : memref<2x125x128xf32, #tpu.memory_space<vmem>>, vector<1x1x16xf32>,
      %swap3A_70 = vector.shape_cast %swap3A_69 : vector<1x1x16xf32> to vector<16xf32>
      %swap3A_71 = vector.shape_cast %broadcast_in_dim3A_64 : vector<16xf32> to vector<1x1x16xf32>
      tpu.vector_store %arg8[%swap3A_66, %swap3A_67, %swap3A_68], %swap3A_71 {strides = array<i32>} : memref<2x125x128xf32, #tpu.memory_space<vmem>>, vector<1x1x16xf32>,
      %broadcast_in_dim3A_72 = arith.constant 0.000000e+00 : f32
      %broadcast_in_dim3A_73 = vector.broadcast %broadcast_in_dim3A_72 : f32 to vector<16xf32>
      %swap3A_74 = arith.constant 0 : i32
      %swap3A_75 = arith.index_cast %swap3A_74 : i32 to index
      %swap3A_76 = arith.index_cast %scan3A_28 : i32 to index
      %swap3A_77 = arith.constant 80 : index
      %swap3A_78 = tpu.vector_load %arg8[%swap3A_75, %swap3A_76, %swap3A_77] {strides = array<i32>} : memref<2x125x128xf32, #tpu.memory_space<vmem>>, vector<1x1x16xf32>,
      %swap3A_79 = vector.shape_cast %swap3A_78 : vector<1x1x16xf32> to vector<16xf32>
      %swap3A_80 = vector.shape_cast %broadcast_in_dim3A_73 : vector<16xf32> to vector<1x1x16xf32>
      tpu.vector_store %arg8[%swap3A_75, %swap3A_76, %swap3A_77], %swap3A_80 {strides = array<i32>} : memref<2x125x128xf32, #tpu.memory_space<vmem>>, vector<1x1x16xf32>,
      %broadcast_in_dim3A_81 = arith.constant 0.000000e+00 : f32
      %broadcast_in_dim3A_82 = vector.broadcast %broadcast_in_dim3A_81 : f32 to vector<16xf32>
      %swap3A_83 = arith.constant 0 : i32
      %swap3A_84 = arith.index_cast %swap3A_83 : i32 to index
      %swap3A_85 = arith.index_cast %scan3A_28 : i32 to index
      %swap3A_86 = arith.constant 96 : index
      %swap3A_87 = tpu.vector_load %arg8[%swap3A_84, %swap3A_85, %swap3A_86] {strides = array<i32>} : memref<2x125x128xf32, #tpu.memory_space<vmem>>, vector<1x1x16xf32>,
      %swap3A_88 = vector.shape_cast %swap3A_87 : vector<1x1x16xf32> to vector<16xf32>
      %swap3A_89 = vector.shape_cast %broadcast_in_dim3A_82 : vector<16xf32> to vector<1x1x16xf32>
      tpu.vector_store %arg8[%swap3A_84, %swap3A_85, %swap3A_86], %swap3A_89 {strides = array<i32>} : memref<2x125x128xf32, #tpu.memory_space<vmem>>, vector<1x1x16xf32>,
      %broadcast_in_dim3A_90 = arith.constant 0.000000e+00 : f32
      %broadcast_in_dim3A_91 = vector.broadcast %broadcast_in_dim3A_90 : f32 to vector<16xf32>
      %swap3A_92 = arith.constant 0 : i32
      %swap3A_93 = arith.index_cast %swap3A_92 : i32 to index
      %swap3A_94 = arith.index_cast %scan3A_28 : i32 to index
      %swap3A_95 = arith.constant 112 : index
      %swap3A_96 = tpu.vector_load %arg8[%swap3A_93, %swap3A_94, %swap3A_95] {strides = array<i32>} : memref<2x125x128xf32, #tpu.memory_space<vmem>>, vector<1x1x16xf32>,
      %swap3A_97 = vector.shape_cast %swap3A_96 : vector<1x1x16xf32> to vector<16xf32>
      %swap3A_98 = vector.shape_cast %broadcast_in_dim3A_91 : vector<16xf32> to vector<1x1x16xf32>
      tpu.vector_store %arg8[%swap3A_93, %swap3A_94, %swap3A_95], %swap3A_98 {strides = array<i32>} : memref<2x125x128xf32, #tpu.memory_space<vmem>>, vector<1x1x16xf32>,
    }
    %scan3A_5 = arith.constant 64 : i32
    %mul3A_6 = arith.constant 640 : i32
    %mul3A_7 = arith.muli %arg1, %mul3A_6 : i32
    %scan3A_8 = arith.constant 0 : i32
    %scan3A_9 = arith.constant 0 : i32
    %scan3A_10 = arith.constant 10 : i32
    %scan3A_11 = arith.addi %scan3A_9, %scan3A_10 : i32
    %scan3A_12 = arith.constant 1 : i32
    scf.for %scan3A_28 = %scan3A_9 to %scan3A_11 step %scan3A_12  : i32 {
      %mul3A_29 = arith.constant 64 : i32
      %mul3A_30 = arith.muli %scan3A_28, %mul3A_29 : i32
      %add3A_31 = arith.addi %mul3A_7, %mul3A_30 : i32
      %run_scoped3A_32 = arith.constant 0 : i32
      "tpu.region"() ({
        %run_scoped3A_33 = tpu.sem_alloc : memref<!tpu.dma_semaphore, #tpu.memory_space<semaphore_mem>>
        %dma_start3A = arith.constant 0 : i32
        %dma_start3A_34 = arith.constant 0 : i32
        %dma_start3A_35 = tpu.memref_slice %arg8[%run_scoped3A_32, %dma_start3A, %dma_start3A_34] : memref<2x125x128xf32, #tpu.memory_space<vmem>> -> memref<1x64x128xf32, #tpu.memory_space<vmem>>
        %dma_start3A_36 = tpu.memref_squeeze %dma_start3A_35 : memref<1x64x128xf32, #tpu.memory_space<vmem>> -> memref<64x128xf32, #tpu.memory_space<vmem>>
        %dma_start3A_37 = arith.constant 0 : i32
        %dma_start3A_38 = tpu.memref_slice %arg9[%add3A_31, %dma_start3A_37] : memref<10240x128xf32, #tpu.memory_space<vmem_shared>> -> memref<64x128xf32, #tpu.memory_space<vmem_shared>>
        %dma_start3A_39 = arith.constant 0 : i32
        %dma_start3A_40 = tpu.memref_slice %arg9[%add3A_31, %dma_start3A_39] : memref<10240x128xf32, #tpu.memory_space<vmem_shared>> -> memref<64x128xf32, #tpu.memory_space<vmem_shared>>
        %dma_start3A_41 = arith.constant 0 : i32
        %dma_start3A_42 = arith.constant 0 : i32
        %dma_start3A_43 = tpu.memref_slice %arg8[%run_scoped3A_32, %dma_start3A_41, %dma_start3A_42] : memref<2x125x128xf32, #tpu.memory_space<vmem>> -> memref<1x64x128xf32, #tpu.memory_space<vmem>>
        %dma_start3A_44 = tpu.memref_squeeze %dma_start3A_43 : memref<1x64x128xf32, #tpu.memory_space<vmem>> -> memref<64x128xf32, #tpu.memory_space<vmem>>
        tpu.enqueue_dma source(%dma_start3A_44 : memref<64x128xf32, #tpu.memory_space<vmem>>) target(%dma_start3A_40 : memref<64x128xf32, #tpu.memory_space<vmem_shared>>) target_semaphore(%run_scoped3A_33 : memref<!tpu.dma_semaphore, #tpu.memory_space<semaphore_mem>>)
        %dma_wait3A = arith.constant 0 : i32
        %dma_wait3A_45 = arith.constant 0 : i32
        %dma_wait3A_46 = tpu.memref_slice %arg8[%run_scoped3A_32, %dma_wait3A, %dma_wait3A_45] : memref<2x125x128xf32, #tpu.memory_space<vmem>> -> memref<1x64x128xf32, #tpu.memory_space<vmem>>
        %dma_wait3A_47 = tpu.memref_squeeze %dma_wait3A_46 : memref<1x64x128xf32, #tpu.memory_space<vmem>> -> memref<64x128xf32, #tpu.memory_space<vmem>>
        %dma_wait3A_48 = arith.constant 0 : i32
        %dma_wait3A_49 = tpu.memref_slice %arg9[%add3A_31, %dma_wait3A_48] : memref<10240x128xf32, #tpu.memory_space<vmem_shared>> -> memref<64x128xf32, #tpu.memory_space<vmem_shared>>
        %dma_wait3A_50 = arith.constant 0 : i32
        %dma_wait3A_51 = tpu.memref_slice %arg9[%add3A_31, %dma_wait3A_50] : memref<10240x128xf32, #tpu.memory_space<vmem_shared>> -> memref<64x128xf32, #tpu.memory_space<vmem_shared>>
        %dma_wait3A_52 = arith.constant 0 : i32
        %dma_wait3A_53 = arith.constant 0 : i32
        %dma_wait3A_54 = tpu.memref_slice %arg8[%run_scoped3A_32, %dma_wait3A_52, %dma_wait3A_53] : memref<2x125x128xf32, #tpu.memory_space<vmem>> -> memref<1x64x128xf32, #tpu.memory_space<vmem>>
        %dma_wait3A_55 = tpu.memref_squeeze %dma_wait3A_54 : memref<1x64x128xf32, #tpu.memory_space<vmem>> -> memref<64x128xf32, #tpu.memory_space<vmem>>
        tpu.wait_dma2 semaphore(%run_scoped3A_33 : memref<!tpu.dma_semaphore, #tpu.memory_space<semaphore_mem>>) src(%dma_wait3A_55 : memref<64x128xf32, #tpu.memory_space<vmem>>) dst(%dma_wait3A_51 : memref<64x128xf32, #tpu.memory_space<vmem_shared>>)
        tpu.yield
      }) : () -> ()
    }
    %scan3A_13 = arith.constant 10 : i32
    %barrier3A = arith.constant 0 : index
    tpu.barrier barrier_id(%barrier3A)
    %run_scoped3A = arith.constant 0 : i32
    %run_scoped3A_14 = arith.constant 0 : i32
    "tpu.region"() ({
      %run_scoped3A_28 = tpu.sem_alloc : memref<!tpu.dma_semaphore, #tpu.memory_space<semaphore_mem>>
      %dma_start3A = arith.constant 0 : i32
      %dma_start3A_29 = arith.constant 0 : i32
      %dma_start3A_30 = tpu.memref_slice %arg8[%run_scoped3A_14, %dma_start3A, %dma_start3A_29] : memref<2x125x128xf32, #tpu.memory_space<vmem>> -> memref<1x125x128xf32, #tpu.memory_space<vmem>>
      %dma_start3A_31 = tpu.memref_squeeze %dma_start3A_30 : memref<1x125x128xf32, #tpu.memory_space<vmem>> -> memref<125x128xf32, #tpu.memory_space<vmem>>
      %dma_start3A_32 = arith.constant 0 : i32
      %dma_start3A_33 = tpu.memref_slice %arg6[%run_scoped3A, %dma_start3A_32] : memref<80x125xi32, #tpu.memory_space<vmem>> -> memref<1x125xi32, #tpu.memory_space<vmem>>
      %dma_start3A_34 = tpu.memref_squeeze %dma_start3A_33 : memref<1x125xi32, #tpu.memory_space<vmem>> -> memref<125xi32, #tpu.memory_space<vmem>>
      %dma_start3A_35 = arith.constant 0 : i32
      %dma_start3A_36 = arith.constant 0 : i32
      %dma_start3A_37 = tpu.memref_slice %arg2[%dma_start3A_35, %dma_start3A_36] : memref<10000x128xf32, #tpu.memory_space<hbm>> -> memref<10000x128xf32, #tpu.memory_space<hbm>>
      tpu.enqueue_indirect_dma source(%dma_start3A_37 : memref<10000x128xf32, #tpu.memory_space<hbm>>) target(%dma_start3A_31 : memref<125x128xf32, #tpu.memory_space<vmem>>) offsets(%dma_start3A_34 : memref<125xi32, #tpu.memory_space<vmem>>) semaphore(%run_scoped3A_28 : memref<!tpu.dma_semaphore, #tpu.memory_space<semaphore_mem>>)
      %dma_wait3A = arith.constant 0 : i32
      %dma_wait3A_38 = arith.constant 0 : i32
      %dma_wait3A_39 = tpu.memref_slice %arg8[%run_scoped3A_14, %dma_wait3A, %dma_wait3A_38] : memref<2x125x128xf32, #tpu.memory_space<vmem>> -> memref<1x125x128xf32, #tpu.memory_space<vmem>>
      %dma_wait3A_40 = tpu.memref_squeeze %dma_wait3A_39 : memref<1x125x128xf32, #tpu.memory_space<vmem>> -> memref<125x128xf32, #tpu.memory_space<vmem>>
      %dma_wait3A_41 = arith.constant 0 : i32
      %dma_wait3A_42 = tpu.memref_slice %arg6[%run_scoped3A, %dma_wait3A_41] : memref<80x125xi32, #tpu.memory_space<vmem>> -> memref<1x125xi32, #tpu.memory_space<vmem>>
      %dma_wait3A_43 = tpu.memref_squeeze %dma_wait3A_42 : memref<1x125xi32, #tpu.memory_space<vmem>> -> memref<125xi32, #tpu.memory_space<vmem>>
      %dma_wait3A_44 = arith.constant 0 : i32
      %dma_wait3A_45 = arith.constant 0 : i32
      %dma_wait3A_46 = tpu.memref_slice %arg2[%dma_wait3A_44, %dma_wait3A_45] : memref<10000x128xf32, #tpu.memory_space<hbm>> -> memref<10000x128xf32, #tpu.memory_space<hbm>>
      tpu.wait_indirect_dma semaphore(%run_scoped3A_28 : memref<!tpu.dma_semaphore, #tpu.memory_space<semaphore_mem>>) src(%dma_wait3A_46 : memref<10000x128xf32, #tpu.memory_space<hbm>>) dst(%dma_wait3A_40 : memref<125x128xf32, #tpu.memory_space<vmem>>)
      tpu.yield
    }) : () -> ()
    %scan3A_15 = arith.constant 0 : i32
    %scan3A_16 = arith.constant 0 : i32
    %scan3A_17 = arith.constant 10 : i32
    %scan3A_18 = arith.addi %scan3A_16, %scan3A_17 : i32
    %scan3A_19 = arith.constant 1 : i32
    scf.for %scan3A_28 = %scan3A_16 to %scan3A_18 step %scan3A_19  : i32 {
      "tpu.region"() ({
        %run_scoped3A_35 = tpu.sem_alloc : memref<!tpu.dma_semaphore, #tpu.memory_space<semaphore_mem>>
        %dma_start3A = arith.constant 0 : i32
        %dma_start3A_36 = arith.constant 0 : i32
        %dma_start3A_37 = tpu.memref_slice %arg4[%add3A, %scan3A_28, %dma_start3A, %dma_start3A_36] : memref<32x10x8x125xi32, #tpu.memory_space<hbm>> -> memref<1x1x8x125xi32, #tpu.memory_space<hbm>>
        %dma_start3A_38 = tpu.memref_squeeze %dma_start3A_37 : memref<1x1x8x125xi32, #tpu.memory_space<hbm>> -> memref<8x125xi32, #tpu.memory_space<hbm>>
        %dma_start3A_39 = arith.constant 0 : i32
        %dma_start3A_40 = arith.constant 0 : i32
        %dma_start3A_41 = tpu.memref_slice %arg4[%add3A, %scan3A_28, %dma_start3A_39, %dma_start3A_40] : memref<32x10x8x125xi32, #tpu.memory_space<hbm>> -> memref<1x1x8x125xi32, #tpu.memory_space<hbm>>
        %dma_start3A_42 = tpu.memref_squeeze %dma_start3A_41 : memref<1x1x8x125xi32, #tpu.memory_space<hbm>> -> memref<8x125xi32, #tpu.memory_space<hbm>>
        tpu.enqueue_dma source(%dma_start3A_42 : memref<8x125xi32, #tpu.memory_space<hbm>>) target(%arg7 : memref<8x125xi32, #tpu.memory_space<vmem>>) target_semaphore(%run_scoped3A_35 : memref<!tpu.dma_semaphore, #tpu.memory_space<semaphore_mem>>)
        %dma_wait3A = arith.constant 0 : i32
        %dma_wait3A_43 = arith.constant 0 : i32
        %dma_wait3A_44 = tpu.memref_slice %arg4[%add3A, %scan3A_28, %dma_wait3A, %dma_wait3A_43] : memref<32x10x8x125xi32, #tpu.memory_space<hbm>> -> memref<1x1x8x125xi32, #tpu.memory_space<hbm>>
        %dma_wait3A_45 = tpu.memref_squeeze %dma_wait3A_44 : memref<1x1x8x125xi32, #tpu.memory_space<hbm>> -> memref<8x125xi32, #tpu.memory_space<hbm>>
        %dma_wait3A_46 = arith.constant 0 : i32
        %dma_wait3A_47 = arith.constant 0 : i32
        %dma_wait3A_48 = tpu.memref_slice %arg4[%add3A, %scan3A_28, %dma_wait3A_46, %dma_wait3A_47] : memref<32x10x8x125xi32, #tpu.memory_space<hbm>> -> memref<1x1x8x125xi32, #tpu.memory_space<hbm>>
        %dma_wait3A_49 = tpu.memref_squeeze %dma_wait3A_48 : memref<1x1x8x125xi32, #tpu.memory_space<hbm>> -> memref<8x125xi32, #tpu.memory_space<hbm>>
        tpu.wait_dma2 semaphore(%run_scoped3A_35 : memref<!tpu.dma_semaphore, #tpu.memory_space<semaphore_mem>>) src(%dma_wait3A_49 : memref<8x125xi32, #tpu.memory_space<hbm>>) dst(%arg7 : memref<8x125xi32, #tpu.memory_space<vmem>>)
        tpu.yield
      }) : () -> ()
      %scan3A_29 = arith.constant 0 : i32
      %scan3A_30 = arith.constant 0 : i32
      %scan3A_31 = arith.constant 4 : i32
      %scan3A_32 = arith.addi %scan3A_30, %scan3A_31 : i32
      %scan3A_33 = arith.constant 1 : i32
      scf.for %scan3A_35 = %scan3A_30 to %scan3A_32 step %scan3A_33  : i32 {
        %mul3A_36 = arith.constant 8 : i32
        %mul3A_37 = arith.muli %scan3A_28, %mul3A_36 : i32
        %mul3A_38 = arith.constant 2 : i32
        %mul3A_39 = arith.muli %mul3A_38, %scan3A_35 : i32
        %add3A_40 = arith.addi %mul3A_37, %mul3A_39 : i32
        %add3A_41 = arith.constant 1 : i32
        %add3A_42 = arith.addi %add3A_40, %add3A_41 : i32
        %add3A_43 = arith.constant 1 : i32
        %add3A_44 = arith.addi %add3A_40, %add3A_43 : i32
        %lt3A_45 = arith.constant 80 : i32
        %lt3A_46 = arith.cmpi slt, %add3A_44, %lt3A_45 : i32
        %mul3A_47 = arith.constant 2 : i32
        %mul3A_48 = arith.muli %mul3A_47, %scan3A_35 : i32
        "tpu.region"() ({
          %run_scoped3A_59 = tpu.sem_alloc : memref<!tpu.dma_semaphore, #tpu.memory_space<semaphore_mem>>
          %convert_element_type3A_60 = arith.extui %lt3A_46 : i1 to i32
          %cond3A_61 = arith.constant 0 : i32
          %cond3A_62 = arith.cmpi ne, %convert_element_type3A_60, %cond3A_61 : i32
          scf.if %cond3A_62 {
            %dma_start3A = arith.constant 1 : i32
            %dma_start3A_67 = arith.constant 0 : i32
            %dma_start3A_68 = arith.constant 0 : i32
            %dma_start3A_69 = tpu.memref_slice %arg8[%dma_start3A, %dma_start3A_67, %dma_start3A_68] : memref<2x125x128xf32, #tpu.memory_space<vmem>> -> memref<1x125x128xf32, #tpu.memory_space<vmem>>
            %dma_start3A_70 = tpu.memref_squeeze %dma_start3A_69 : memref<1x125x128xf32, #tpu.memory_space<vmem>> -> memref<125x128xf32, #tpu.memory_space<vmem>>
            %dma_start3A_71 = arith.constant 0 : i32
            %dma_start3A_72 = tpu.memref_slice %arg6[%add3A_42, %dma_start3A_71] : memref<80x125xi32, #tpu.memory_space<vmem>> -> memref<1x125xi32, #tpu.memory_space<vmem>>
            %dma_start3A_73 = tpu.memref_squeeze %dma_start3A_72 : memref<1x125xi32, #tpu.memory_space<vmem>> -> memref<125xi32, #tpu.memory_space<vmem>>
            %dma_start3A_74 = arith.constant 0 : i32
            %dma_start3A_75 = arith.constant 0 : i32
            %dma_start3A_76 = tpu.memref_slice %arg2[%dma_start3A_74, %dma_start3A_75] : memref<10000x128xf32, #tpu.memory_space<hbm>> -> memref<10000x128xf32, #tpu.memory_space<hbm>>
            tpu.enqueue_indirect_dma source(%dma_start3A_76 : memref<10000x128xf32, #tpu.memory_space<hbm>>) target(%dma_start3A_70 : memref<125x128xf32, #tpu.memory_space<vmem>>) offsets(%dma_start3A_73 : memref<125xi32, #tpu.memory_space<vmem>>) semaphore(%run_scoped3A_59 : memref<!tpu.dma_semaphore, #tpu.memory_space<semaphore_mem>>)
          } else {
          }
          %run_scoped3A_63 = arith.constant 0 : i32
          "tpu.region"() ({
            %run_scoped3A_67 = tpu.sem_alloc : memref<!tpu.dma_semaphore, #tpu.memory_space<semaphore_mem>>
            %dma_start3A = arith.constant 0 : i32
            %dma_start3A_68 = arith.constant 0 : i32
            %dma_start3A_69 = tpu.memref_slice %arg8[%run_scoped3A_63, %dma_start3A, %dma_start3A_68] : memref<2x125x128xf32, #tpu.memory_space<vmem>> -> memref<1x125x128xf32, #tpu.memory_space<vmem>>
            %dma_start3A_70 = tpu.memref_squeeze %dma_start3A_69 : memref<1x125x128xf32, #tpu.memory_space<vmem>> -> memref<125x128xf32, #tpu.memory_space<vmem>>
            %dma_start3A_71 = arith.constant 0 : i32
            %dma_start3A_72 = tpu.memref_slice %arg7[%mul3A_48, %dma_start3A_71] : memref<8x125xi32, #tpu.memory_space<vmem>> -> memref<1x125xi32, #tpu.memory_space<vmem>>
            %dma_start3A_73 = tpu.memref_squeeze %dma_start3A_72 : memref<1x125xi32, #tpu.memory_space<vmem>> -> memref<125xi32, #tpu.memory_space<vmem>>
            %dma_start3A_74 = arith.constant 0 : i32
            %dma_start3A_75 = arith.constant 0 : i32
            %dma_start3A_76 = tpu.memref_slice %arg9[%dma_start3A_74, %dma_start3A_75] : memref<10240x128xf32, #tpu.memory_space<vmem_shared>> -> memref<10240x128xf32, #tpu.memory_space<vmem_shared>>
            tpu.enqueue_indirect_dma source(%dma_start3A_70 : memref<125x128xf32, #tpu.memory_space<vmem>>) target(%dma_start3A_76 : memref<10240x128xf32, #tpu.memory_space<vmem_shared>>) offsets(%dma_start3A_73 : memref<125xi32, #tpu.memory_space<vmem>>) semaphore(%run_scoped3A_67 : memref<!tpu.dma_semaphore, #tpu.memory_space<semaphore_mem>>) {add = true}
            %dma_wait3A = arith.constant 0 : i32
            %dma_wait3A_77 = arith.constant 0 : i32
            %dma_wait3A_78 = tpu.memref_slice %arg8[%run_scoped3A_63, %dma_wait3A, %dma_wait3A_77] : memref<2x125x128xf32, #tpu.memory_space<vmem>> -> memref<1x125x128xf32, #tpu.memory_space<vmem>>
            %dma_wait3A_79 = tpu.memref_squeeze %dma_wait3A_78 : memref<1x125x128xf32, #tpu.memory_space<vmem>> -> memref<125x128xf32, #tpu.memory_space<vmem>>
            %dma_wait3A_80 = arith.constant 0 : i32
            %dma_wait3A_81 = tpu.memref_slice %arg7[%mul3A_48, %dma_wait3A_80] : memref<8x125xi32, #tpu.memory_space<vmem>> -> memref<1x125xi32, #tpu.memory_space<vmem>>
            %dma_wait3A_82 = tpu.memref_squeeze %dma_wait3A_81 : memref<1x125xi32, #tpu.memory_space<vmem>> -> memref<125xi32, #tpu.memory_space<vmem>>
            %dma_wait3A_83 = arith.constant 0 : i32
            %dma_wait3A_84 = arith.constant 0 : i32
            %dma_wait3A_85 = tpu.memref_slice %arg9[%dma_wait3A_83, %dma_wait3A_84] : memref<10240x128xf32, #tpu.memory_space<vmem_shared>> -> memref<10240x128xf32, #tpu.memory_space<vmem_shared>>
            tpu.wait_indirect_dma semaphore(%run_scoped3A_67 : memref<!tpu.dma_semaphore, #tpu.memory_space<semaphore_mem>>) src(%dma_wait3A_79 : memref<125x128xf32, #tpu.memory_space<vmem>>) dst(%dma_wait3A_85 : memref<10240x128xf32, #tpu.memory_space<vmem_shared>>)
            tpu.yield
          }) : () -> ()
          %convert_element_type3A_64 = arith.extui %lt3A_46 : i1 to i32
          %cond3A_65 = arith.constant 0 : i32
          %cond3A_66 = arith.cmpi ne, %convert_element_type3A_64, %cond3A_65 : i32
          scf.if %cond3A_66 {
            %dma_wait3A = arith.constant 1 : i32
            %dma_wait3A_67 = arith.constant 0 : i32
            %dma_wait3A_68 = arith.constant 0 : i32
            %dma_wait3A_69 = tpu.memref_slice %arg8[%dma_wait3A, %dma_wait3A_67, %dma_wait3A_68] : memref<2x125x128xf32, #tpu.memory_space<vmem>> -> memref<1x125x128xf32, #tpu.memory_space<vmem>>
            %dma_wait3A_70 = tpu.memref_squeeze %dma_wait3A_69 : memref<1x125x128xf32, #tpu.memory_space<vmem>> -> memref<125x128xf32, #tpu.memory_space<vmem>>
            %dma_wait3A_71 = arith.constant 0 : i32
            %dma_wait3A_72 = tpu.memref_slice %arg6[%add3A_42, %dma_wait3A_71] : memref<80x125xi32, #tpu.memory_space<vmem>> -> memref<1x125xi32, #tpu.memory_space<vmem>>
            %dma_wait3A_73 = tpu.memref_squeeze %dma_wait3A_72 : memref<1x125xi32, #tpu.memory_space<vmem>> -> memref<125xi32, #tpu.memory_space<vmem>>
            %dma_wait3A_74 = arith.constant 0 : i32
            %dma_wait3A_75 = arith.constant 0 : i32
            %dma_wait3A_76 = tpu.memref_slice %arg2[%dma_wait3A_74, %dma_wait3A_75] : memref<10000x128xf32, #tpu.memory_space<hbm>> -> memref<10000x128xf32, #tpu.memory_space<hbm>>
            tpu.wait_indirect_dma semaphore(%run_scoped3A_59 : memref<!tpu.dma_semaphore, #tpu.memory_space<semaphore_mem>>) src(%dma_wait3A_76 : memref<10000x128xf32, #tpu.memory_space<hbm>>) dst(%dma_wait3A_70 : memref<125x128xf32, #tpu.memory_space<vmem>>)
          } else {
          }
          tpu.yield
        }) : () -> ()
        %add3A_49 = arith.constant 2 : i32
        %add3A_50 = arith.addi %add3A_40, %add3A_49 : i32
        %add3A_51 = arith.constant 2 : i32
        %add3A_52 = arith.addi %add3A_40, %add3A_51 : i32
        %lt3A_53 = arith.constant 80 : i32
        %lt3A_54 = arith.cmpi slt, %add3A_52, %lt3A_53 : i32
        %mul3A_55 = arith.constant 2 : i32
        %mul3A_56 = arith.muli %mul3A_55, %scan3A_35 : i32
        %add3A_57 = arith.constant 1 : i32
        %add3A_58 = arith.addi %mul3A_56, %add3A_57 : i32
        "tpu.region"() ({
          %run_scoped3A_59 = tpu.sem_alloc : memref<!tpu.dma_semaphore, #tpu.memory_space<semaphore_mem>>
          %convert_element_type3A_60 = arith.extui %lt3A_54 : i1 to i32
          %cond3A_61 = arith.constant 0 : i32
          %cond3A_62 = arith.cmpi ne, %convert_element_type3A_60, %cond3A_61 : i32
          scf.if %cond3A_62 {
            %dma_start3A = arith.constant 0 : i32
            %dma_start3A_67 = arith.constant 0 : i32
            %dma_start3A_68 = arith.constant 0 : i32
            %dma_start3A_69 = tpu.memref_slice %arg8[%dma_start3A, %dma_start3A_67, %dma_start3A_68] : memref<2x125x128xf32, #tpu.memory_space<vmem>> -> memref<1x125x128xf32, #tpu.memory_space<vmem>>
            %dma_start3A_70 = tpu.memref_squeeze %dma_start3A_69 : memref<1x125x128xf32, #tpu.memory_space<vmem>> -> memref<125x128xf32, #tpu.memory_space<vmem>>
            %dma_start3A_71 = arith.constant 0 : i32
            %dma_start3A_72 = tpu.memref_slice %arg6[%add3A_50, %dma_start3A_71] : memref<80x125xi32, #tpu.memory_space<vmem>> -> memref<1x125xi32, #tpu.memory_space<vmem>>
            %dma_start3A_73 = tpu.memref_squeeze %dma_start3A_72 : memref<1x125xi32, #tpu.memory_space<vmem>> -> memref<125xi32, #tpu.memory_space<vmem>>
            %dma_start3A_74 = arith.constant 0 : i32
            %dma_start3A_75 = arith.constant 0 : i32
            %dma_start3A_76 = tpu.memref_slice %arg2[%dma_start3A_74, %dma_start3A_75] : memref<10000x128xf32, #tpu.memory_space<hbm>> -> memref<10000x128xf32, #tpu.memory_space<hbm>>
            tpu.enqueue_indirect_dma source(%dma_start3A_76 : memref<10000x128xf32, #tpu.memory_space<hbm>>) target(%dma_start3A_70 : memref<125x128xf32, #tpu.memory_space<vmem>>) offsets(%dma_start3A_73 : memref<125xi32, #tpu.memory_space<vmem>>) semaphore(%run_scoped3A_59 : memref<!tpu.dma_semaphore, #tpu.memory_space<semaphore_mem>>)
          } else {
          }
          %run_scoped3A_63 = arith.constant 1 : i32
          "tpu.region"() ({
            %run_scoped3A_67 = tpu.sem_alloc : memref<!tpu.dma_semaphore, #tpu.memory_space<semaphore_mem>>
            %dma_start3A = arith.constant 0 : i32
            %dma_start3A_68 = arith.constant 0 : i32
            %dma_start3A_69 = tpu.memref_slice %arg8[%run_scoped3A_63, %dma_start3A, %dma_start3A_68] : memref<2x125x128xf32, #tpu.memory_space<vmem>> -> memref<1x125x128xf32, #tpu.memory_space<vmem>>
            %dma_start3A_70 = tpu.memref_squeeze %dma_start3A_69 : memref<1x125x128xf32, #tpu.memory_space<vmem>> -> memref<125x128xf32, #tpu.memory_space<vmem>>
            %dma_start3A_71 = arith.constant 0 : i32
            %dma_start3A_72 = tpu.memref_slice %arg7[%add3A_58, %dma_start3A_71] : memref<8x125xi32, #tpu.memory_space<vmem>> -> memref<1x125xi32, #tpu.memory_space<vmem>>
            %dma_start3A_73 = tpu.memref_squeeze %dma_start3A_72 : memref<1x125xi32, #tpu.memory_space<vmem>> -> memref<125xi32, #tpu.memory_space<vmem>>
            %dma_start3A_74 = arith.constant 0 : i32
            %dma_start3A_75 = arith.constant 0 : i32
            %dma_start3A_76 = tpu.memref_slice %arg9[%dma_start3A_74, %dma_start3A_75] : memref<10240x128xf32, #tpu.memory_space<vmem_shared>> -> memref<10240x128xf32, #tpu.memory_space<vmem_shared>>
            tpu.enqueue_indirect_dma source(%dma_start3A_70 : memref<125x128xf32, #tpu.memory_space<vmem>>) target(%dma_start3A_76 : memref<10240x128xf32, #tpu.memory_space<vmem_shared>>) offsets(%dma_start3A_73 : memref<125xi32, #tpu.memory_space<vmem>>) semaphore(%run_scoped3A_67 : memref<!tpu.dma_semaphore, #tpu.memory_space<semaphore_mem>>) {add = true}
            %dma_wait3A = arith.constant 0 : i32
            %dma_wait3A_77 = arith.constant 0 : i32
            %dma_wait3A_78 = tpu.memref_slice %arg8[%run_scoped3A_63, %dma_wait3A, %dma_wait3A_77] : memref<2x125x128xf32, #tpu.memory_space<vmem>> -> memref<1x125x128xf32, #tpu.memory_space<vmem>>
            %dma_wait3A_79 = tpu.memref_squeeze %dma_wait3A_78 : memref<1x125x128xf32, #tpu.memory_space<vmem>> -> memref<125x128xf32, #tpu.memory_space<vmem>>
            %dma_wait3A_80 = arith.constant 0 : i32
            %dma_wait3A_81 = tpu.memref_slice %arg7[%add3A_58, %dma_wait3A_80] : memref<8x125xi32, #tpu.memory_space<vmem>> -> memref<1x125xi32, #tpu.memory_space<vmem>>
            %dma_wait3A_82 = tpu.memref_squeeze %dma_wait3A_81 : memref<1x125xi32, #tpu.memory_space<vmem>> -> memref<125xi32, #tpu.memory_space<vmem>>
            %dma_wait3A_83 = arith.constant 0 : i32
            %dma_wait3A_84 = arith.constant 0 : i32
            %dma_wait3A_85 = tpu.memref_slice %arg9[%dma_wait3A_83, %dma_wait3A_84] : memref<10240x128xf32, #tpu.memory_space<vmem_shared>> -> memref<10240x128xf32, #tpu.memory_space<vmem_shared>>
            tpu.wait_indirect_dma semaphore(%run_scoped3A_67 : memref<!tpu.dma_semaphore, #tpu.memory_space<semaphore_mem>>) src(%dma_wait3A_79 : memref<125x128xf32, #tpu.memory_space<vmem>>) dst(%dma_wait3A_85 : memref<10240x128xf32, #tpu.memory_space<vmem_shared>>)
            tpu.yield
          }) : () -> ()
          %convert_element_type3A_64 = arith.extui %lt3A_54 : i1 to i32
          %cond3A_65 = arith.constant 0 : i32
          %cond3A_66 = arith.cmpi ne, %convert_element_type3A_64, %cond3A_65 : i32
          scf.if %cond3A_66 {
            %dma_wait3A = arith.constant 0 : i32
            %dma_wait3A_67 = arith.constant 0 : i32
            %dma_wait3A_68 = arith.constant 0 : i32
            %dma_wait3A_69 = tpu.memref_slice %arg8[%dma_wait3A, %dma_wait3A_67, %dma_wait3A_68] : memref<2x125x128xf32, #tpu.memory_space<vmem>> -> memref<1x125x128xf32, #tpu.memory_space<vmem>>
            %dma_wait3A_70 = tpu.memref_squeeze %dma_wait3A_69 : memref<1x125x128xf32, #tpu.memory_space<vmem>> -> memref<125x128xf32, #tpu.memory_space<vmem>>
            %dma_wait3A_71 = arith.constant 0 : i32
            %dma_wait3A_72 = tpu.memref_slice %arg6[%add3A_50, %dma_wait3A_71] : memref<80x125xi32, #tpu.memory_space<vmem>> -> memref<1x125xi32, #tpu.memory_space<vmem>>
            %dma_wait3A_73 = tpu.memref_squeeze %dma_wait3A_72 : memref<1x125xi32, #tpu.memory_space<vmem>> -> memref<125xi32, #tpu.memory_space<vmem>>
            %dma_wait3A_74 = arith.constant 0 : i32
            %dma_wait3A_75 = arith.constant 0 : i32
            %dma_wait3A_76 = tpu.memref_slice %arg2[%dma_wait3A_74, %dma_wait3A_75] : memref<10000x128xf32, #tpu.memory_space<hbm>> -> memref<10000x128xf32, #tpu.memory_space<hbm>>
            tpu.wait_indirect_dma semaphore(%run_scoped3A_59 : memref<!tpu.dma_semaphore, #tpu.memory_space<semaphore_mem>>) src(%dma_wait3A_76 : memref<10000x128xf32, #tpu.memory_space<hbm>>) dst(%dma_wait3A_70 : memref<125x128xf32, #tpu.memory_space<vmem>>)
          } else {
          }
          tpu.yield
        }) : () -> ()
      }
      %scan3A_34 = arith.constant 4 : i32
    }
    %scan3A_20 = arith.constant 10 : i32
    %barrier3A_21 = arith.constant 0 : index
    tpu.barrier barrier_id(%barrier3A_21)
    %lt3A = arith.constant 15 : i32
    %lt3A_22 = arith.cmpi slt, %arg1, %lt3A : i32
    %convert_element_type3A = arith.extui %lt3A_22 : i1 to i32
    %cond3A = arith.constant 0 : i32
    %cond3A_23 = arith.cmpi ne, %convert_element_type3A, %cond3A : i32
    scf.if %cond3A_23 {
      "tpu.region"() ({
        %run_scoped3A_28 = tpu.sem_alloc : memref<!tpu.dma_semaphore, #tpu.memory_space<semaphore_mem>>
        %dma_start3A = arith.constant 0 : i32
        %dma_start3A_29 = tpu.memref_slice %arg5[%arg0, %mul3A_7, %dma_start3A] : memref<2x10000x128xf32, #tpu.memory_space<hbm>> -> memref<1x640x128xf32, #tpu.memory_space<hbm>>
        %dma_start3A_30 = tpu.memref_squeeze %dma_start3A_29 : memref<1x640x128xf32, #tpu.memory_space<hbm>> -> memref<640x128xf32, #tpu.memory_space<hbm>>
        %dma_start3A_31 = arith.constant 0 : i32
        %dma_start3A_32 = tpu.memref_slice %arg9[%mul3A_7, %dma_start3A_31] : memref<10240x128xf32, #tpu.memory_space<vmem_shared>> -> memref<640x128xf32, #tpu.memory_space<vmem_shared>>
        tpu.enqueue_dma source(%dma_start3A_32 : memref<640x128xf32, #tpu.memory_space<vmem_shared>>) target(%dma_start3A_30 : memref<640x128xf32, #tpu.memory_space<hbm>>) target_semaphore(%run_scoped3A_28 : memref<!tpu.dma_semaphore, #tpu.memory_space<semaphore_mem>>)
        %dma_wait3A = arith.constant 0 : i32
        %dma_wait3A_33 = tpu.memref_slice %arg5[%arg0, %mul3A_7, %dma_wait3A] : memref<2x10000x128xf32, #tpu.memory_space<hbm>> -> memref<1x640x128xf32, #tpu.memory_space<hbm>>
        %dma_wait3A_34 = tpu.memref_squeeze %dma_wait3A_33 : memref<1x640x128xf32, #tpu.memory_space<hbm>> -> memref<640x128xf32, #tpu.memory_space<hbm>>
        %dma_wait3A_35 = arith.constant 0 : i32
        %dma_wait3A_36 = tpu.memref_slice %arg9[%mul3A_7, %dma_wait3A_35] : memref<10240x128xf32, #tpu.memory_space<vmem_shared>> -> memref<640x128xf32, #tpu.memory_space<vmem_shared>>
        tpu.wait_dma2 semaphore(%run_scoped3A_28 : memref<!tpu.dma_semaphore, #tpu.memory_space<semaphore_mem>>) src(%dma_wait3A_36 : memref<640x128xf32, #tpu.memory_space<vmem_shared>>) dst(%dma_wait3A_34 : memref<640x128xf32, #tpu.memory_space<hbm>>)
        tpu.yield
      }) : () -> ()
    } else {
    }
    %eq3A = arith.constant 15 : i32
    %eq3A_24 = arith.cmpi eq, %arg1, %eq3A : i32
    %convert_element_type3A_25 = arith.extui %eq3A_24 : i1 to i32
    %cond3A_26 = arith.constant 0 : i32
    %cond3A_27 = arith.cmpi ne, %convert_element_type3A_25, %cond3A_26 : i32
    scf.if %cond3A_27 {
      "tpu.region"() ({
        %run_scoped3A_28 = tpu.sem_alloc : memref<!tpu.dma_semaphore, #tpu.memory_space<semaphore_mem>>
        %dma_start3A = arith.constant 0 : i32
        %dma_start3A_29 = tpu.memref_slice %arg5[%arg0, %mul3A_7, %dma_start3A] : memref<2x10000x128xf32, #tpu.memory_space<hbm>> -> memref<1x400x128xf32, #tpu.memory_space<hbm>>
        %dma_start3A_30 = tpu.memref_squeeze %dma_start3A_29 : memref<1x400x128xf32, #tpu.memory_space<hbm>> -> memref<400x128xf32, #tpu.memory_space<hbm>>
        %dma_start3A_31 = arith.constant 0 : i32
        %dma_start3A_32 = tpu.memref_slice %arg9[%mul3A_7, %dma_start3A_31] : memref<10240x128xf32, #tpu.memory_space<vmem_shared>> -> memref<400x128xf32, #tpu.memory_space<vmem_shared>>
        tpu.enqueue_dma source(%dma_start3A_32 : memref<400x128xf32, #tpu.memory_space<vmem_shared>>) target(%dma_start3A_30 : memref<400x128xf32, #tpu.memory_space<hbm>>) target_semaphore(%run_scoped3A_28 : memref<!tpu.dma_semaphore, #tpu.memory_space<semaphore_mem>>)
        %dma_wait3A = arith.constant 0 : i32
        %dma_wait3A_33 = tpu.memref_slice %arg5[%arg0, %mul3A_7, %dma_wait3A] : memref<2x10000x128xf32, #tpu.memory_space<hbm>> -> memref<1x400x128xf32, #tpu.memory_space<hbm>>
        %dma_wait3A_34 = tpu.memref_squeeze %dma_wait3A_33 : memref<1x400x128xf32, #tpu.memory_space<hbm>> -> memref<400x128xf32, #tpu.memory_space<hbm>>
        %dma_wait3A_35 = arith.constant 0 : i32
        %dma_wait3A_36 = tpu.memref_slice %arg9[%mul3A_7, %dma_wait3A_35] : memref<10240x128xf32, #tpu.memory_space<vmem_shared>> -> memref<400x128xf32, #tpu.memory_space<vmem_shared>>
        tpu.wait_dma2 semaphore(%run_scoped3A_28 : memref<!tpu.dma_semaphore, #tpu.memory_space<semaphore_mem>>) src(%dma_wait3A_36 : memref<400x128xf32, #tpu.memory_space<vmem_shared>>) dst(%dma_wait3A_34 : memref<400x128xf32, #tpu.memory_space<hbm>>)
        tpu.yield
      }) : () -> ()
    } else {
    }
    return
  }
}

module attributes {stable_mosaic.version = 14 : i64} {
  func.func @_mm1_body(%arg0: i32, %arg1: memref<2x400x16xf32, #tpu.memory_space<vmem>>, %arg2: memref<400x128xf32, #tpu.memory_space<vmem>>, %arg3: memref<128x128xf32, #tpu.memory_space<vmem>>, %arg4: memref<400x128xf32, #tpu.memory_space<vmem>>) attributes {dimension_semantics = [#tpu.dimension_semantics<arbitrary>], iteration_bounds = array<i64: 25>, scalar_prefetch = 0 : i64, scratch_operands = 0 : i64, tpu.core_type = #tpu.core_type<tc>, window_params = [{transform_indices = @transform_0, window_bounds = array<i64: 2, 400, 16>}, {transform_indices = @transform_1, window_bounds = array<i64: 400, 128>}, {pipeline_mode = #tpu.pipeline_mode<synchronous>, transform_indices = @transform_2, window_bounds = array<i64: 128, 128>}, {transform_indices = @transform_3, window_bounds = array<i64: 400, 128>}]} {
    %get3A = arith.constant 0 : index
    %get3A_0 = arith.constant 0 : index
    %get3A_1 = arith.constant 0 : index
    %get3A_2 = vector.load %arg1[%get3A, %get3A_0, %get3A_1] : memref<2x400x16xf32, #tpu.memory_space<vmem>>, vector<1x400x1xf32>
    %get3A_3 = vector.shape_cast %get3A_2 : vector<1x400x1xf32> to vector<400x1xf32>
    %add3A = arith.constant 1.000000e+00 : f32
    %add3A_4 = vector.broadcast %add3A : f32 to vector<400x1xf32>
    %add3A_5 = arith.addf %add3A_4, %get3A_3 : vector<400x1xf32>
    %get3A_6 = arith.constant 1 : index
    %get3A_7 = arith.constant 0 : index
    %get3A_8 = arith.constant 0 : index
    %get3A_9 = vector.load %arg1[%get3A_6, %get3A_7, %get3A_8] : memref<2x400x16xf32, #tpu.memory_space<vmem>>, vector<1x400x1xf32>
    %get3A_10 = vector.shape_cast %get3A_9 : vector<1x400x1xf32> to vector<400x1xf32>
    %add3A_11 = arith.addf %add3A_5, %get3A_10 : vector<400x1xf32>
    %rsqrt3A = math.rsqrt %add3A_11 : vector<400x1xf32>
    %get3A_12 = arith.constant 0 : index
    %get3A_13 = arith.constant 0 : index
    %get3A_14 = vector.load %arg2[%get3A_12, %get3A_13] : memref<400x128xf32, #tpu.memory_space<vmem>>, vector<400x128xf32>
    %get3A_15 = arith.constant 0 : index
    %get3A_16 = arith.constant 0 : index
    %get3A_17 = vector.load %arg3[%get3A_15, %get3A_16] : memref<128x128xf32, #tpu.memory_space<vmem>>, vector<128x128xf32>
    %dot_general3A = arith.constant dense<0.000000e+00> : vector<400x128xf32>
    %dot_general3A_18 = tpu.matmul %get3A_14, %get3A_17, %dot_general3A {dimension_numbers = #tpu.dot_dimension_numbers<[1], [0], [0], [1], [0, 0, 1, 1], [], []>, transpose_lhs_hint = false} : vector<400x128xf32>, vector<128x128xf32>, vector<400x128xf32> -> vector<400x128xf32>
    %mul3A = vector.broadcast %rsqrt3A : vector<400x1xf32> to vector<400x128xf32>
    %mul3A_19 = arith.mulf %dot_general3A_18, %mul3A : vector<400x128xf32>
    %swap3A = arith.constant 0 : index
    %swap3A_20 = arith.constant 0 : index
    %swap3A_21 = vector.load %arg4[%swap3A, %swap3A_20] : memref<400x128xf32, #tpu.memory_space<vmem>>, vector<400x128xf32>
    tpu.vector_store %arg4[%swap3A, %swap3A_20], %mul3A_19 {strides = array<i32>} : memref<400x128xf32, #tpu.memory_space<vmem>>, vector<400x128xf32>,
    return
  }
  func.func @transform_0(%arg0: i32) -> (i32, i32, i32) {
    %c0_i32 = arith.constant 0 : i32
    %c0_i32_0 = arith.constant 0 : i32
    %c0_i32_1 = arith.constant 0 : i32
    return %c0_i32, %arg0, %c0_i32_0 : i32, i32, i32
  }
  func.func @transform_1(%arg0: i32) -> (i32, i32) {
    %c0_i32 = arith.constant 0 : i32
    %c0_i32_0 = arith.constant 0 : i32
    return %arg0, %c0_i32 : i32, i32
  }
  func.func @transform_2(%arg0: i32) -> (i32, i32) {
    %c0_i32 = arith.constant 0 : i32
    %c0_i32_0 = arith.constant 0 : i32
    %c0_i32_1 = arith.constant 0 : i32
    return %c0_i32, %c0_i32_0 : i32, i32
  }
  func.func @transform_3(%arg0: i32) -> (i32, i32) {
    %c0_i32 = arith.constant 0 : i32
    %c0_i32_0 = arith.constant 0 : i32
    return %arg0, %c0_i32 : i32, i32
  }
}

module attributes {stable_mosaic.version = 14 : i64} {
  func.func @_l2_body(%arg0: i32, %arg1: memref<2x400x16xf32, #tpu.memory_space<vmem>>, %arg2: memref<2x400x128xf32, #tpu.memory_space<vmem>>, %arg3: memref<400x128xf32, #tpu.memory_space<vmem>>, %arg4: memref<1x128xf32, #tpu.memory_space<vmem>>, %arg5: memref<128x128xf32, #tpu.memory_space<vmem>>, %arg6: memref<400x128xf32, #tpu.memory_space<vmem>>) attributes {dimension_semantics = [#tpu.dimension_semantics<arbitrary>], iteration_bounds = array<i64: 25>, scalar_prefetch = 0 : i64, scratch_operands = 0 : i64, tpu.core_type = #tpu.core_type<tc>, window_params = [{transform_indices = @transform_0, window_bounds = array<i64: 2, 400, 16>}, {transform_indices = @transform_1, window_bounds = array<i64: 2, 400, 128>}, {transform_indices = @transform_2, window_bounds = array<i64: 400, 128>}, {pipeline_mode = #tpu.pipeline_mode<synchronous>, transform_indices = @transform_3, window_bounds = array<i64: 1, 128>}, {pipeline_mode = #tpu.pipeline_mode<synchronous>, transform_indices = @transform_4, window_bounds = array<i64: 128, 128>}, {transform_indices = @transform_5, window_bounds = array<i64: 400, 128>}]} {
    %get3A = arith.constant 0 : index
    %get3A_0 = arith.constant 0 : index
    %get3A_1 = arith.constant 0 : index
    %get3A_2 = vector.load %arg1[%get3A, %get3A_0, %get3A_1] : memref<2x400x16xf32, #tpu.memory_space<vmem>>, vector<1x400x1xf32>
    %get3A_3 = vector.shape_cast %get3A_2 : vector<1x400x1xf32> to vector<400x1xf32>
    %add3A = arith.constant 1.000000e+00 : f32
    %add3A_4 = vector.broadcast %add3A : f32 to vector<400x1xf32>
    %add3A_5 = arith.addf %add3A_4, %get3A_3 : vector<400x1xf32>
    %get3A_6 = arith.constant 1 : index
    %get3A_7 = arith.constant 0 : index
    %get3A_8 = arith.constant 0 : index
    %get3A_9 = vector.load %arg1[%get3A_6, %get3A_7, %get3A_8] : memref<2x400x16xf32, #tpu.memory_space<vmem>>, vector<1x400x1xf32>
    %get3A_10 = vector.shape_cast %get3A_9 : vector<1x400x1xf32> to vector<400x1xf32>
    %add3A_11 = arith.addf %add3A_5, %get3A_10 : vector<400x1xf32>
    %rsqrt3A = math.rsqrt %add3A_11 : vector<400x1xf32>
    %get3A_12 = arith.constant 0 : index
    %get3A_13 = arith.constant 0 : index
    %get3A_14 = arith.constant 0 : index
    %get3A_15 = vector.load %arg2[%get3A_12, %get3A_13, %get3A_14] : memref<2x400x128xf32, #tpu.memory_space<vmem>>, vector<1x400x128xf32>
    %get3A_16 = vector.shape_cast %get3A_15 : vector<1x400x128xf32> to vector<400x128xf32>
    %get3A_17 = arith.constant 1 : index
    %get3A_18 = arith.constant 0 : index
    %get3A_19 = arith.constant 0 : index
    %get3A_20 = vector.load %arg2[%get3A_17, %get3A_18, %get3A_19] : memref<2x400x128xf32, #tpu.memory_space<vmem>>, vector<1x400x128xf32>
    %get3A_21 = vector.shape_cast %get3A_20 : vector<1x400x128xf32> to vector<400x128xf32>
    %add3A_22 = arith.addf %get3A_16, %get3A_21 : vector<400x128xf32>
    %get3A_23 = arith.constant 0 : index
    %get3A_24 = arith.constant 0 : index
    %get3A_25 = vector.load %arg3[%get3A_23, %get3A_24] : memref<400x128xf32, #tpu.memory_space<vmem>>, vector<400x128xf32>
    %add3A_26 = arith.addf %add3A_22, %get3A_25 : vector<400x128xf32>
    %mul3A = vector.broadcast %rsqrt3A : vector<400x1xf32> to vector<400x128xf32>
    %mul3A_27 = arith.mulf %add3A_26, %mul3A : vector<400x128xf32>
    %get3A_28 = arith.constant 0 : index
    %get3A_29 = arith.constant 0 : index
    %get3A_30 = vector.load %arg4[%get3A_28, %get3A_29] : memref<1x128xf32, #tpu.memory_space<vmem>>, vector<1x128xf32>
    %add3A_31 = vector.broadcast %get3A_30 : vector<1x128xf32> to vector<400x128xf32>
    %add3A_32 = arith.addf %mul3A_27, %add3A_31 : vector<400x128xf32>
    %max3A = arith.constant 0.000000e+00 : f32
    %max3A_33 = vector.broadcast %max3A : f32 to vector<400x128xf32>
    %max3A_34 = arith.maximumf %add3A_32, %max3A_33 : vector<400x128xf32>
    %get3A_35 = arith.constant 0 : index
    %get3A_36 = arith.constant 0 : index
    %get3A_37 = vector.load %arg5[%get3A_35, %get3A_36] : memref<128x128xf32, #tpu.memory_space<vmem>>, vector<128x128xf32>
    %dot_general3A = arith.constant dense<0.000000e+00> : vector<400x128xf32>
    %dot_general3A_38 = tpu.matmul %max3A_34, %get3A_37, %dot_general3A {dimension_numbers = #tpu.dot_dimension_numbers<[1], [0], [0], [1], [0, 0, 1, 1], [], []>, transpose_lhs_hint = false} : vector<400x128xf32>, vector<128x128xf32>, vector<400x128xf32> -> vector<400x128xf32>
    %mul3A_39 = vector.broadcast %rsqrt3A : vector<400x1xf32> to vector<400x128xf32>
    %mul3A_40 = arith.mulf %dot_general3A_38, %mul3A_39 : vector<400x128xf32>
    %swap3A = arith.constant 0 : index
    %swap3A_41 = arith.constant 0 : index
    %swap3A_42 = vector.load %arg6[%swap3A, %swap3A_41] : memref<400x128xf32, #tpu.memory_space<vmem>>, vector<400x128xf32>
    tpu.vector_store %arg6[%swap3A, %swap3A_41], %mul3A_40 {strides = array<i32>} : memref<400x128xf32, #tpu.memory_space<vmem>>, vector<400x128xf32>,
    return
  }
  func.func @transform_0(%arg0: i32) -> (i32, i32, i32) {
    %c0_i32 = arith.constant 0 : i32
    %c0_i32_0 = arith.constant 0 : i32
    %c0_i32_1 = arith.constant 0 : i32
    return %c0_i32, %arg0, %c0_i32_0 : i32, i32, i32
  }
  func.func @transform_1(%arg0: i32) -> (i32, i32, i32) {
    %c0_i32 = arith.constant 0 : i32
    %c0_i32_0 = arith.constant 0 : i32
    %c0_i32_1 = arith.constant 0 : i32
    return %c0_i32, %arg0, %c0_i32_0 : i32, i32, i32
  }
  func.func @transform_2(%arg0: i32) -> (i32, i32) {
    %c0_i32 = arith.constant 0 : i32
    %c0_i32_0 = arith.constant 0 : i32
    return %arg0, %c0_i32 : i32, i32
  }
  func.func @transform_3(%arg0: i32) -> (i32, i32) {
    %c0_i32 = arith.constant 0 : i32
    %c0_i32_0 = arith.constant 0 : i32
    %c0_i32_1 = arith.constant 0 : i32
    return %c0_i32, %c0_i32_0 : i32, i32
  }
  func.func @transform_4(%arg0: i32) -> (i32, i32) {
    %c0_i32 = arith.constant 0 : i32
    %c0_i32_0 = arith.constant 0 : i32
    %c0_i32_1 = arith.constant 0 : i32
    return %c0_i32, %c0_i32_0 : i32, i32
  }
  func.func @transform_5(%arg0: i32) -> (i32, i32) {
    %c0_i32 = arith.constant 0 : i32
    %c0_i32_0 = arith.constant 0 : i32
    return %arg0, %c0_i32 : i32, i32
  }
}

module attributes {stable_mosaic.version = 14 : i64} {
  func.func @_fin_body(%arg0: i32, %arg1: memref<2x400x16xf32, #tpu.memory_space<vmem>>, %arg2: memref<2x400x128xf32, #tpu.memory_space<vmem>>, %arg3: memref<400x128xf32, #tpu.memory_space<vmem>>, %arg4: memref<1x128xf32, #tpu.memory_space<vmem>>, %arg5: memref<400x128xf32, #tpu.memory_space<vmem>>) attributes {dimension_semantics = [#tpu.dimension_semantics<arbitrary>], iteration_bounds = array<i64: 25>, scalar_prefetch = 0 : i64, scratch_operands = 0 : i64, tpu.core_type = #tpu.core_type<tc>, window_params = [{transform_indices = @transform_0, window_bounds = array<i64: 2, 400, 16>}, {transform_indices = @transform_1, window_bounds = array<i64: 2, 400, 128>}, {transform_indices = @transform_2, window_bounds = array<i64: 400, 128>}, {pipeline_mode = #tpu.pipeline_mode<synchronous>, transform_indices = @transform_3, window_bounds = array<i64: 1, 128>}, {transform_indices = @transform_4, window_bounds = array<i64: 400, 128>}]} {
    %get3A = arith.constant 0 : index
    %get3A_0 = arith.constant 0 : index
    %get3A_1 = arith.constant 0 : index
    %get3A_2 = vector.load %arg1[%get3A, %get3A_0, %get3A_1] : memref<2x400x16xf32, #tpu.memory_space<vmem>>, vector<1x400x1xf32>
    %get3A_3 = vector.shape_cast %get3A_2 : vector<1x400x1xf32> to vector<400x1xf32>
    %add3A = arith.constant 1.000000e+00 : f32
    %add3A_4 = vector.broadcast %add3A : f32 to vector<400x1xf32>
    %add3A_5 = arith.addf %add3A_4, %get3A_3 : vector<400x1xf32>
    %get3A_6 = arith.constant 1 : index
    %get3A_7 = arith.constant 0 : index
    %get3A_8 = arith.constant 0 : index
    %get3A_9 = vector.load %arg1[%get3A_6, %get3A_7, %get3A_8] : memref<2x400x16xf32, #tpu.memory_space<vmem>>, vector<1x400x1xf32>
    %get3A_10 = vector.shape_cast %get3A_9 : vector<1x400x1xf32> to vector<400x1xf32>
    %add3A_11 = arith.addf %add3A_5, %get3A_10 : vector<400x1xf32>
    %rsqrt3A = math.rsqrt %add3A_11 : vector<400x1xf32>
    %get3A_12 = arith.constant 0 : index
    %get3A_13 = arith.constant 0 : index
    %get3A_14 = arith.constant 0 : index
    %get3A_15 = vector.load %arg2[%get3A_12, %get3A_13, %get3A_14] : memref<2x400x128xf32, #tpu.memory_space<vmem>>, vector<1x400x128xf32>
    %get3A_16 = vector.shape_cast %get3A_15 : vector<1x400x128xf32> to vector<400x128xf32>
    %get3A_17 = arith.constant 1 : index
    %get3A_18 = arith.constant 0 : index
    %get3A_19 = arith.constant 0 : index
    %get3A_20 = vector.load %arg2[%get3A_17, %get3A_18, %get3A_19] : memref<2x400x128xf32, #tpu.memory_space<vmem>>, vector<1x400x128xf32>
    %get3A_21 = vector.shape_cast %get3A_20 : vector<1x400x128xf32> to vector<400x128xf32>
    %add3A_22 = arith.addf %get3A_16, %get3A_21 : vector<400x128xf32>
    %get3A_23 = arith.constant 0 : index
    %get3A_24 = arith.constant 0 : index
    %get3A_25 = vector.load %arg3[%get3A_23, %get3A_24] : memref<400x128xf32, #tpu.memory_space<vmem>>, vector<400x128xf32>
    %add3A_26 = arith.addf %add3A_22, %get3A_25 : vector<400x128xf32>
    %mul3A = vector.broadcast %rsqrt3A : vector<400x1xf32> to vector<400x128xf32>
    %mul3A_27 = arith.mulf %add3A_26, %mul3A : vector<400x128xf32>
    %get3A_28 = arith.constant 0 : index
    %get3A_29 = arith.constant 0 : index
    %get3A_30 = vector.load %arg4[%get3A_28, %get3A_29] : memref<1x128xf32, #tpu.memory_space<vmem>>, vector<1x128xf32>
    %add3A_31 = vector.broadcast %get3A_30 : vector<1x128xf32> to vector<400x128xf32>
    %add3A_32 = arith.addf %mul3A_27, %add3A_31 : vector<400x128xf32>
    %swap3A = arith.constant 0 : index
    %swap3A_33 = arith.constant 0 : index
    %swap3A_34 = vector.load %arg5[%swap3A, %swap3A_33] : memref<400x128xf32, #tpu.memory_space<vmem>>, vector<400x128xf32>
    tpu.vector_store %arg5[%swap3A, %swap3A_33], %add3A_32 {strides = array<i32>} : memref<400x128xf32, #tpu.memory_space<vmem>>, vector<400x128xf32>,
    return
  }
  func.func @transform_0(%arg0: i32) -> (i32, i32, i32) {
    %c0_i32 = arith.constant 0 : i32
    %c0_i32_0 = arith.constant 0 : i32
    %c0_i32_1 = arith.constant 0 : i32
    return %c0_i32, %arg0, %c0_i32_0 : i32, i32, i32
  }
  func.func @transform_1(%arg0: i32) -> (i32, i32, i32) {
    %c0_i32 = arith.constant 0 : i32
    %c0_i32_0 = arith.constant 0 : i32
    %c0_i32_1 = arith.constant 0 : i32
    return %c0_i32, %arg0, %c0_i32_0 : i32, i32, i32
  }
  func.func @transform_2(%arg0: i32) -> (i32, i32) {
    %c0_i32 = arith.constant 0 : i32
    %c0_i32_0 = arith.constant 0 : i32
    return %arg0, %c0_i32 : i32, i32
  }
  func.func @transform_3(%arg0: i32) -> (i32, i32) {
    %c0_i32 = arith.constant 0 : i32
    %c0_i32_0 = arith.constant 0 : i32
    %c0_i32_1 = arith.constant 0 : i32
    return %c0_i32, %c0_i32_0 : i32, i32
  }
  func.func @transform_4(%arg0: i32) -> (i32, i32) {
    %c0_i32 = arith.constant 0 : i32
    %c0_i32_0 = arith.constant 0 : i32
    return %arg0, %c0_i32 : i32, i32
  }
}

</mosaic_0001>

<sc_bundles>
// kernel: kernel.11.cloned.1.call-start
scs
__scs_entry_jumppad:
0x0: {  	(pc) =	sbr.rel $0x88, $3  }
0x1: {  	(tag) =	ssettag $0x0;
	lr =	simm.s32 $0x1  }
0x2: {  	[smem:$0x3F9B] =	sst lr;
	_ =	strace $0xD0000000  }
0x3: {  	_ = 	snop  }
0x4: {  	_ = 	snop  }
0x5: {  	_ = 	snop  }
0x6: {  	_ = 	snop  }
0x7: {  	_ = 	snop  }
__scs_overlays_trampoline_lowered:
0x8: {  	[smem:$0x3FAA] =	sst s0  }
0x9: {  	[smem:$0x3FAB] =	sst s1  }
0xa: {  	[smem:$0x3FAC] =	sst s2  }
0xb: {  	[smem:$0x3FAD] =	sst s3  }
0xc: {  	[smem:$0x3FAE] =	sst s4  }
0xd: {  	[smem:$0x3FAF] =	sst s5  }
0xe: {  	[smem:$0x3FB0] =	sst s6  }
0xf: {  	[smem:$0x3FB1] =	sst s7  }
0x10: {  	[smem:$0x3FB2] =	sst s8  }
0x11: {  	[smem:$0x3FB3] =	sst s9;
	s0 =	simm.s32 @!p0 $0x0  }
0x12: {  	s1 =	sld [smem:$0x3F99];
	s0 =	simm.s32 @p0 $0x1  }
0x13: {  	[smem:$0x3FB4] =	sst s0;
	s0 =	simm.s32 @!p1 $0x0  }
0x14: {  	s2 =	sld [smem:$0x3F98];
	s0 =	simm.s32 @p1 $0x1  }
0x15: {  	[smem:$0x3FB5] =	sst s0;
	s0 =	simm.s32 @!p2 $0x0  }
0x16: {  	s3 =	sld [smem:$0x3FDB];
	s0 =	simm.s32 @p2 $0x1  }
0x17: {  	s4 =	simm.s32 $0x1BF5;
	[smem:$0x3FB7] =	sst s0  }
0x18: {  	s0 =	sld [smem:$0x3F9A];
	_ =	swait.ge [sflag:s4], $0x0  }
0x19: {  	s7 =	sld [smem:$0x3F9B]  }
0x1a: {  	s8 =	sadd.s32 $0xFFFFE003, lr  }
0x1b: {  	s9 =	sadd.s32 $0xFFFFFEF7, lr;
	s5 =	simm.s32 $0xFFFFFFFF;
	p2 =	slt.u32 s8, $0xFFFFF086  }
0x1c: {  	p1 =	slt.u32 s9, $0xF7A;
	s5 =	simm.s32 @!p2 $0x0  }
0x1d: {  	s5 =	simm.s32 @p1 $0x1;
	p0 =	seq.s32 s7, s2  }
0x1e: {  	s7 =	smul.u32 @!p0 $0xF7A, s2;
	p2 =	seq.s32 @!p0 s5, $0x0  }
0x1f: {  	s9 =	smul.u32 $0xF7A, s1;
	s8 =	simm.s32 @!p0 $0x1BF5;
	p2 =	por !p2, p0  }
0x20: {  	[sflag:s8] =	ssyncset.s32 @!p0 $0xFFFFF086;
	s6 =	sadd.s32 @!p0 s3, s7;
	s7 =	simm.s32 @!p0 $0x108  }
0x21: {  	s3 =	sadd.s32 s3, s9;
	s6 =	sadd.s32 @!p0 $0x88, s6;
	s7 =	simm.s32 @p2 $0x1082  }
0x22: {  	[simem:s7], [sflag:s8] =	dma.local @!p0 [hbm:s6], $0xF7A  }
0x23: {  	s9 =	sor.u32 $0xD0000000, s2;
	s6 =	simm.s32 $0x108;
	_ =	swait.ge @!p0 [sflag:s8], $0x0  }
0x24: {  	s3 =	sadd.s32 $0x88, s3;
	s6 =	simm.s32 @!p1 $0x1082;
	[sflag:s4] =	ssyncset.s32 $0xFFFFF086  }
0x25: {  	[simem:s6], [sflag:s4] =	dma.local [hbm:s3], $0xF7A  }
0x26: {  	[smem:$0x3F9B] =	sst s1;
	(tag) =	ssettag s2;
	_ =	strace s9  }
0x27: {  	s1 =	sld [smem:$0x3FAB]  }
0x28: {  	s2 =	sld [smem:$0x3FAC]  }
0x29: {  	s4 =	sld [smem:$0x3FAE]  }
0x2a: {  	p0 =	seq.s32 s5, $0x0;
	s5 =	sld [smem:$0x3FAF]  }
0x2b: {  	s6 =	sld [smem:$0x3FB0]  }
0x2c: {  	s7 =	sld [smem:$0x3FB1]  }
0x2d: {  	s3 =	simm.s32 $0x108;
	s8 =	sld [smem:$0x3FB2]  }
0x2e: {  	s3 =	simm.s32 @!p0 $0x1082;
	s9 =	sld [smem:$0x3FB3]  }
0x2f: {  	lr =	sadd.s32 s0, s3;
	s0 =	sld [smem:$0x3FAA]  }
0x30: {  	s3 =	sld [smem:$0x3FAD]  }
0x31: {  	[smem:$0x3FB6] =	sst s10  }
0x32: {  	s10 =	sld [smem:$0x3FB4];
	_ =	sdelay $0x3  }
0x33: {  	p0 =	seq.s32 s10, $0x1;
	s10 =	sld [smem:$0x3FB6];
	_ =	sdelay $0x3  }
0x34: {  	[smem:$0x3FB6] =	sst s10  }
0x35: {  	s10 =	sld [smem:$0x3FB5];
	_ =	sdelay $0x3  }
0x36: {  	p1 =	seq.s32 s10, $0x1;
	s10 =	sld [smem:$0x3FB6];
	_ =	sdelay $0x3  }
0x37: {  	[smem:$0x3FB6] =	sst s10  }
0x38: {  	s10 =	sld [smem:$0x3FB7]  }
0x39: {  	_ = 	snop;
	(pc) =	sbr.ind lr, $3  }
0x3a: {  	_ = 	snop  }
0x3b: {  	_ = 	snop  }
0x3c: {  	p2 =	seq.s32 s10, $0x1;
	s10 =	sld [smem:$0x3FB6]  }
0x3d: {  	_ =	shalt  }
0x3e: {  	_ =	shalt  }
0x3f: {  	_ =	shalt  }
0x40: {  	_ =	shalt  }
0x41: {  	_ =	shalt  }
0x42: {  	_ =	shalt  }
0x43: {  	_ =	shalt  }
0x44: {  	_ =	shalt  }
0x45: {  	_ =	shalt  }
0x46: {  	_ =	shalt  }
0x47: {  	_ =	shalt  }
0x48: {  	_ =	shalt  }
0x49: {  	_ =	shalt  }
0x4a: {  	_ =	shalt  }
0x4b: {  	_ =	shalt  }
0x4c: {  	_ =	shalt  }
0x4d: {  	_ =	shalt  }
0x4e: {  	_ =	shalt  }
0x4f: {  	_ =	shalt  }
0x50: {  	_ =	shalt  }
0x51: {  	_ =	shalt  }
0x52: {  	_ =	shalt  }
0x53: {  	_ =	shalt  }
0x54: {  	_ =	shalt  }
0x55: {  	_ =	shalt  }
0x56: {  	_ =	shalt  }
0x57: {  	_ =	shalt  }
0x58: {  	_ =	shalt  }
0x59: {  	_ =	shalt  }
0x5a: {  	_ =	shalt  }
0x5b: {  	_ =	shalt  }
0x5c: {  	_ =	shalt  }
0x5d: {  	_ =	shalt  }
0x5e: {  	_ =	shalt  }
0x5f: {  	_ =	shalt  }
0x60: {  	_ =	shalt  }
0x61: {  	_ =	shalt  }
0x62: {  	_ =	shalt  }
0x63: {  	_ =	shalt  }
0x64: {  	_ =	shalt  }
0x65: {  	_ =	shalt  }
0x66: {  	_ =	shalt  }
0x67: {  	_ =	shalt  }
0x68: {  	_ =	shalt  }
0x69: {  	_ =	shalt  }
0x6a: {  	_ =	shalt  }
0x6b: {  	_ =	shalt  }
0x6c: {  	_ =	shalt  }
0x6d: {  	_ =	shalt  }
0x6e: {  	_ =	shalt  }
0x6f: {  	_ =	shalt  }
0x70: {  	_ =	shalt  }
0x71: {  	_ =	shalt  }
0x72: {  	_ =	shalt  }
0x73: {  	_ =	shalt  }
0x74: {  	_ =	shalt  }
0x75: {  	_ =	shalt  }
0x76: {  	_ =	shalt  }
0x77: {  	_ =	shalt  }
0x78: {  	_ =	shalt  }
0x79: {  	_ =	shalt  }
0x7a: {  	_ =	shalt  }
0x7b: {  	_ =	shalt  }
0x7c: {  	_ =	shalt  }
0x7d: {  	_ =	shalt  }
0x7e: {  	_ =	shalt  }
0x7f: {  	_ =	shalt  }
0x80: {  	_ =	shalt  }
0x81: {  	_ =	shalt  }
0x82: {  	_ =	shalt  }
0x83: {  	_ =	shalt  }
0x84: {  	_ =	shalt  }
0x85: {  	_ =	shalt  }
0x86: {  	_ =	shalt  }
0x87: {  	_ =	shalt  }
.Lfunc_end0:
.L_simem_size_0:
called_computation.1_lowered:
.L_overlay_start_0:
0x88: {  	s2 =	sld [smem:$0x3FD9]  }
0x89: {  	s3 =	sld [smem:$0x3FFE];
	_ =	sdelay $0x1  }
0x8a: {  	s1 =	srdreg.scid  }
0x8b: {  	s0 =	sand.u32 $0x1, s1  }
0x8c: {  	s17 =	sshll.u32 s0, $0xA;
	s2 =	sadd.s32 s3, s2  }
0x8d: {  	s2 =	sadd.s32 s2, s17  }
0x8e: {  	[smem:$0x3FC2] =	sst s2  }
0x8f: {  	_ = 	snop  }
0x90: {  	s2 =	sld [smem:$0x3FD0];
	(tm) =	ssettm $0x1  }
0x91: {  	s18 =	sld [smem:$0x3FFB];
	_ =	sdelay $0x3  }
0x92: {  	_ =	strace s18  }
0x93: {  	s3 =	sld [smem:$0x3FFC];
	_ =	sdelay $0x3  }
0x94: {  	_ =	strace s3  }
0x95: {  	s3 =	sld [smem:$0x3FFD];
	_ =	sdelay $0x3  }
0x96: {  	_ =	strace s3  }
0x97: {  	_ =	strace $0x8FFFFFFF  }
0x98: {  	s19 =	sld [smem:$0x3FDB];
	_ =	sdelay $0x1  }
0x99: {  	s4 =	simm.s32 $_scs_section_size  }
0x9a: {  	s5 =	simm.s32 $_size__tile_overlayer_lowered;
	s6 =	simm.s32 $_tile_overlayer_lowered  }
0x9b: {  	s22 =	simm.s32 $0x1BFF;
	s21 =	sshll.u32 s6, $0x1;
	s3 =	sadd.s32 s4, s19  }
0x9c: {  	s7 =	simm.s32 $0x0;
	s20 =	sshll.u32 s5, $0x1;
	s5 =	sadd.s32 s21, s3  }
0x9d: {  	[timem:s7], [sflag:s22] =	dma.local [hbm:s5], s20  }
0x9e: {  	_ =	swait.ge [sflag:s22], s20  }
0x9f: {  	s4 =	ssub.s32 $0x0, s20;
	[sflag:s22] =	ssyncset.done $0x0  }
0xa0: {  	[sflag:s22] =	ssyncadd.s32 s4;
	_ =	sdelay $0x1  }
0xa1: {  	s23 =	simm.s32 $0x1B8B  }
0xa2: {  	_ =	swait.ge [sflag:s23], $0x1  }
0xa3: {  	[sflag:s23] =	ssyncset.done $0x0  }
0xa4: {  	s25 =	simm.s32 $0x1B8E;
	s24 =	sld [smem:$0x3FFE];
	[sflag:s23] =	ssyncadd.s32 $0xFFFFFFFF  }
0xa5: {  	s26 =	simm.s32 $execute0_lowered;
	[smem:$0x3FD2] =	sst s25  }
0xa6: {  	s5 =	sshll.u32 s26, $0x1;
	_ =	strace $0x80000049;
	[dreg:$0x1] =	wrdreg $0xFFFFFFFF  }
0xa7: {  	s28 =	simm.s32 $_size_execute0_lowered;
	s3 =	sadd.s32 s3, s5;
	[dreg:$0x0] =	wrdreg $0x0  }
0xa8: {  	s5 =	sshll.u32 s28, $0x1;
	[dreg:$0x2] =	wrdreg s3  }
0xa9: {  	[dreg:$0x3] =	wrdreg s5  }
0xaa: {  	[dreg:$0x4] =	wrdreg $0xC0  }
0xab: {  	_ =	task [dreg:s7], $0x5FFFF  }
0xac: {  	[dreg:$0x1] =	wrdreg $0xFFFFFFFF  }
0xad: {  	[dreg:$0x0] =	wrdreg $0x60  }
0xae: {  	[dreg:$0x2] =	wrdreg s2  }
0xaf: {  	[dreg:$0x3] =	wrdreg s24  }
0xb0: {  	[dreg:$0x4] =	wrdreg $0xAC000  }
0xb1: {  	[dreg:$0x5] =	wrdreg $0x9  }
0xb2: {  	_ =	task.clear_ibuf [dreg:s7], $0x6FFFF;
	_ =	strace $0x90000049  }
0xb3: {  	s29 =	simm.s32 $0x9;
	_ =	strace $0x8000004B  }
0xb4: {  	_ =	swait.ge [sflag:s29], $0x1  }
0xb5: {  	[sflag:s29] =	ssyncadd.s32 $0xFFFFFFFF  }
0xb6: {  	_ =	strace $0x9000004B  }
0xb7: {  	_ =	sfence  }
0xb8: {  	s30 =	sld [smem:$0x0];
	_ =	sdelay $0x2  }
0xb9: {  	s31 =	sshll.u32 s1, $0xD;
	s1 =	sshrl.u32 s1, $0x2  }
0xba: {  	s3 =	sand.u32 $0x4000, s31;
	s1 =	sadd.s32 s1, s30  }
0xbb: {  	s0 =	sor.u32 s3, s0;
	s1 =	sshll.u32 s1, $0x11  }
0xbc: {  	s0 =	sor.u32 s1, s0  }
0xbd: {  	s0 =	sadd.s32 $0x8F2B, s0  }
0xbe: {  	[sflag:s0] =	ssyncadd.remote.s32 $0x1  }
0xbf: {  	_ =	sfence.sel $0xFFFF  }
0xc0: {  	[dreg:$0x0] =	wrdreg $0xFFFFFFFF;
	(pc) =	sbr.abs _section_cstart, $3  }
0xc1: {  	[dreg:$0x1] =	wrdreg $0xFFFFFFFF  }
0xc2: {  	_ =	task.clear_ibuf [dreg:s7], $0x2FFFF;
	_ =	strace $0x9FFFFFFF  }
0xc3: {  	(tm) =	ssettm $0x7FFFFFFF  }
tec
execute0_lowered:
.L_overlay_start_1:
0x0: {  	(tag) =	ssettag $0x1  }
0x1: {  	s0 =	srdreg.scid;
	s2 =	rddreg [dreg:$0x0]  }
0x2: {  	s25 =	stileid.u32;
	s5 =	rddreg [dreg:$0x1]  }
0x3: {  	s3 =	rddreg [dreg:$0x2];
	s4 =	simm.s32 $0x0;
	s23 =	simm.s32 $0x2880  }
0x4: {  	s24 =	simm.s32 $0x2900;
	s26 =	simm.s32 $0x2980;
	s29 =	simm.s32 $0x2A00  }
0x5: {  	s30 =	simm.s32 $0x2A80;
	s31 =	simm.s32 $0x2B00;
	s28 =	simm.s32 $0x0  }
0x6: {  	s0 =	sand.u32 $0x1, s0;
	s7 =	smul.u32 $0x2800, s25;
	[smem:$0x7FF] =	sst s4  }
0x7: {  	s8 =	smul.u32 $0x14000, s25;
	_ =	strace $0x8000004A;
	[dreg:$0x4] =	wrdreg s23  }
0x8: {  	s9 =	sadd.s32 $0xBE00, s5;
	s21 =	smul.u32 $0x50000, s25;
	[dreg:$0x5] =	wrdreg s24  }
0x9: {  	p0 =	seq.s32 s25, $0xF;
	s1 =	sshll.u32 s0, $0x4;
	[dreg:$0x6] =	wrdreg s26  }
0xa: {  	s6 =	smul.u32 $0x28000, s0;
	s18 =	ssub.s32 $0x2, s0;
	[dreg:$0x7] =	wrdreg s29  }
0xb: {  	s0 =	smul.u32 $0x138800, s0;
	s23 =	simm.s32 $0x2800;
	[dreg:$0x8] =	wrdreg s30  }
0xc: {  	[dreg:$0x9] =	wrdreg s31;
	s24 =	simm.s32 $0x6C00;
	s1 =	sor.u32 s25, s1  }
0xd: {  	s26 =	simm.s32 $0x2;
	s20 =	sshrl.u32 s18, $0x1;
	s1 =	smul.u32 $0x2800, s1  }
0xe: {  	s6 =	sadd.s32 s7, s6;
	s10 =	ssub.s32 s18, s20;
	s22 =	sadd.s32 s8, s0  }
0xf: {  	s0 =	sshrl.u32 s0, $0x3;
	s20 =	simm.s32 $0x1;
	s6 =	sshrl.u32 s6, $0x3  }
0x10: {  	s0 =	sadd.s32 s9, s0;
	s1 =	sshrl.u32 s1, $0x3;
	s19 =	sadd.s32 s6, s5  }
0x11: {  	s6 =	sshrl.u32 s21, $0x2;
	s8 =	sadd.s32 $0x25800, s0;
	s0 =	sadd.s32 $0x12C000, s3  }
0x12: {  	s21 =	simm.s32 $0x2C00;
	s1 =	sadd.s32 s1, s5;
	s6 =	sadd.s32 s6, s3  }
0x13: {  	s19 =	sadd.s32 $0x1E00, s19;
	s25 =	sshrl.u32 @p0 s0, $0x3;
	s1 =	sadd.s32 $0x5A000, s1  }
0x14: {  	s11 =	sadd.s32 $0x4000, s6;
	s12 =	sadd.s32 $0x6000, s6;
	s13 =	sadd.s32 $0x8000, s6  }
0x15: {  	s14 =	sadd.s32 $0xA000, s6;
	s15 =	sadd.s32 $0xC000, s6;
	s16 =	sadd.s32 $0xE000, s6  }
0x16: {  	s17 =	sadd.s32 $0x10000, s6;
	[dreg:$0xa] =	wrdreg s1;
	s1 =	sshrl.u32 s22, $0x3  }
0x17: {  	s18 =	sadd.s32 $0x12000, s6;
	s22 =	simm.s32 $0x7D;
	s1 =	sadd.s32 s9, s1  }
0x18: {  	v0 =	vimm.f32 $0.0e+00;
	s9 =	smax.u32 s10, $0x1;
	s10 =	sadd.s32 $0x2000, s6;
	[dreg:$0xb] =	wrdreg s1  }
.LBB2_1:
0x19: {  	s0 =	rddreg [dreg:$0xa]  }
0x1a: {  	[tilespmem:s4], [sflag:$0x1] =	stream.linear.gather [hbm4b:s0+s4], $0x2800, $0x38;
	[tilespmem:$0x1EC00] =	vst v63  }
0x1b: {  	_ =	swait.ge [sflag:s20], $0x2800  }
0x1c: {  	[sflag:s20] =	ssyncset.done $0x0  }
0x1d: {  	s1 =	simm.s32 $0x200;
	s0 =	simm.s32 $0x0;
	[sflag:s20] =	ssyncadd.s32 $0xFFFFD800  }
.LBB2_2:
0x1e: {  	p1 =	sne.s32 s1, $0x7E00;
	[tilespmem:s0+$0x2C70] =	vst v0  }
0x1f: {  	[tilespmem:s0+$0x2C00] =	vst v0  }
0x20: {  	[tilespmem:s0+$0x2C10] =	vst v0  }
.Ltmp0:
0x21: {  	[tilespmem:s0+$0x2C20] =	vst v0;
	(pc) =	sbr.rel @p1 .LBB2_2-.Ltmp0, $4  }
0x22: {  	[tilespmem:s0+$0x2C30] =	vst v0  }
0x23: {  	[tilespmem:s0+$0x2C40] =	vst v0  }
0x24: {  	[tilespmem:s0+$0x2C50] =	vst v0  }
0x25: {  	[tilespmem:s0+$0x2C60] =	vst v0;
	s0 =	sshra.s32 s1, $0x2;
	s1 =	sadd.s32 $0x200, s1  }
0x26: {  	[tilespmem:s0+$0x2C70] =	vst v0  }
0x27: {  	[tilespmem:s0+$0x2C00] =	vst v0  }
0x28: {  	[tilespmem:s0+$0x2C10] =	vst v0  }
0x29: {  	[tilespmem:s0+$0x2C20] =	vst v0  }
0x2a: {  	[tilespmem:s0+$0x2C30] =	vst v0  }
0x2b: {  	[tilespmem:s0+$0x2C40] =	vst v0  }
0x2c: {  	[tilespmem:s0+$0x2C50] =	vst v0  }
0x2d: {  	[tilespmem:s0+$0x2C60] =	vst v0  }
0x2e: {  	[spmem:s6] =	stream.linear.scatter [tilespmem:s21], [sflag:$0x1], $0x2000, $0x38;
	[tilespmem:$0x1EC00] =	vst v63  }
0x2f: {  	_ =	swait.ge [sflag:s20], $0x2000  }
0x30: {  	[sflag:s20] =	ssyncset.done $0x0  }
0x31: {  	[sflag:s20] =	ssyncadd.s32 $0xFFFFE000  }
0x32: {  	[spmem:s10] =	stream.linear.scatter [tilespmem:s21], [sflag:$0x1], $0x2000, $0x38;
	[tilespmem:$0x1EC00] =	vst v63  }
0x33: {  	_ =	swait.ge [sflag:s20], $0x2000  }
0x34: {  	[sflag:s20] =	ssyncset.done $0x0  }
0x35: {  	[sflag:s20] =	ssyncadd.s32 $0xFFFFE000  }
0x36: {  	[spmem:s11] =	stream.linear.scatter [tilespmem:s21], [sflag:$0x1], $0x2000, $0x38;
	[tilespmem:$0x1EC00] =	vst v63  }
0x37: {  	_ =	swait.ge [sflag:s20], $0x2000  }
0x38: {  	[sflag:s20] =	ssyncset.done $0x0  }
0x39: {  	[sflag:s20] =	ssyncadd.s32 $0xFFFFE000  }
0x3a: {  	[spmem:s12] =	stream.linear.scatter [tilespmem:s21], [sflag:$0x1], $0x2000, $0x38;
	[tilespmem:$0x1EC00] =	vst v63  }
0x3b: {  	_ =	swait.ge [sflag:s20], $0x2000  }
0x3c: {  	[sflag:s20] =	ssyncset.done $0x0  }
0x3d: {  	[sflag:s20] =	ssyncadd.s32 $0xFFFFE000  }
0x3e: {  	[spmem:s13] =	stream.linear.scatter [tilespmem:s21], [sflag:$0x1], $0x2000, $0x38;
	[tilespmem:$0x1EC00] =	vst v63  }
0x3f: {  	_ =	swait.ge [sflag:s20], $0x2000  }
0x40: {  	[sflag:s20] =	ssyncset.done $0x0  }
0x41: {  	[sflag:s20] =	ssyncadd.s32 $0xFFFFE000  }
0x42: {  	[spmem:s14] =	stream.linear.scatter [tilespmem:s21], [sflag:$0x1], $0x2000, $0x38;
	[tilespmem:$0x1EC00] =	vst v63  }
0x43: {  	_ =	swait.ge [sflag:s20], $0x2000  }
0x44: {  	[sflag:s20] =	ssyncset.done $0x0  }
0x45: {  	[sflag:s20] =	ssyncadd.s32 $0xFFFFE000  }
0x46: {  	[spmem:s15] =	stream.linear.scatter [tilespmem:s21], [sflag:$0x1], $0x2000, $0x38;
	[tilespmem:$0x1EC00] =	vst v63  }
0x47: {  	_ =	swait.ge [sflag:s20], $0x2000  }
0x48: {  	[sflag:s20] =	ssyncset.done $0x0  }
0x49: {  	[sflag:s20] =	ssyncadd.s32 $0xFFFFE000  }
0x4a: {  	[spmem:s16] =	stream.linear.scatter [tilespmem:s21], [sflag:$0x1], $0x2000, $0x38;
	[tilespmem:$0x1EC00] =	vst v63  }
0x4b: {  	_ =	swait.ge [sflag:s20], $0x2000  }
0x4c: {  	[sflag:s20] =	ssyncset.done $0x0  }
0x4d: {  	[sflag:s20] =	ssyncadd.s32 $0xFFFFE000  }
0x4e: {  	[spmem:s17] =	stream.linear.scatter [tilespmem:s21], [sflag:$0x1], $0x2000, $0x38;
	[tilespmem:$0x1EC00] =	vst v63  }
0x4f: {  	_ =	swait.ge [sflag:s20], $0x2000  }
0x50: {  	[sflag:s20] =	ssyncset.done $0x0  }
0x51: {  	[sflag:s20] =	ssyncadd.s32 $0xFFFFE000  }
0x52: {  	[spmem:s18] =	stream.linear.scatter [tilespmem:s21], [sflag:$0x1], $0x2000, $0x38;
	[tilespmem:$0x1EC00] =	vst v63  }
0x53: {  	_ =	swait.ge [sflag:s20], $0x2000  }
0x54: {  	[sflag:s20] =	ssyncset.done $0x0  }
0x55: {  	[sflag:s20] =	ssyncadd.s32 $0xFFFFE000  }
0x56: {  	s1 =	simm.s32 $0x0;
	[bflag:$0x0] =	sbarrier.arrive $0xFFFF  }
0x57: {  	[tilespmem:s21], [sflag:$0x1] =	stream.indirect.gather [hbm4b:s2+s22], $0x80, s1, s22, $0xb8;
	[tilespmem:$0x1EC00] =	vst v63  }
0x58: {  	_ =	swait.ge [sflag:s20], $0x3E80  }
0x59: {  	[sflag:s20] =	ssyncset.done $0x0  }
0x5a: {  	[sflag:s20] =	ssyncadd.s32 $0xFFFFC180  }
0x5b: {  	[tilespmem:s23], [sflag:$0x1] =	stream.linear.gather [hbm4b:s19+s4], $0x400, $0x38;
	[tilespmem:$0x1EC00] =	vst v63  }
0x5c: {  	_ =	swait.ge [sflag:s20], $0x400  }
0x5d: {  	[sflag:s20] =	ssyncset.done $0x0  }
0x5e: {  	s5 =	simm.s32 $0x80;
	[sflag:s20] =	ssyncadd.s32 $0xFFFFFC00  }
0x5f: {  	[tilespmem:s24], [sflag:$0x1] =	stream.indirect.gather [hbm4b:s2+s22], $0x80, s5, s22, $0xb8;
	[tilespmem:$0x1EC00] =	vst v63  }
0x60: {  	_ = 	snop  }
0x61: {  	[spmem:s3] =	stream.indirect.scatter.add.f32 [tilespmem:s21], [sflag:$0x2], $0x80, s23, s22, $0xb8;
	[tilespmem:$0x1EC00] =	vst v63  }
0x62: {  	_ =	swait.ge [sflag:s26], $0x3E80  }
0x63: {  	[sflag:s26] =	ssyncset.done $0x0  }
0x64: {  	[sflag:s26] =	ssyncadd.s32 $0xFFFFC180  }
0x65: {  	_ =	swait.ge [sflag:s20], $0x3E80  }
0x66: {  	[sflag:s20] =	ssyncset.done $0x0  }
0x67: {  	s7 =	simm.s32 $0x100;
	[sflag:s20] =	ssyncadd.s32 $0xFFFFC180  }
0x68: {  	[tilespmem:s21], [sflag:$0x1] =	stream.indirect.gather [hbm4b:s2+s22], $0x80, s7, s22, $0xb8;
	[tilespmem:$0x1EC00] =	vst v63  }
0x69: {  	s1 =	rddreg [dreg:$0x4]  }
0x6a: {  	[spmem:s3] =	stream.indirect.scatter.add.f32 [tilespmem:s24], [sflag:$0x2], $0x80, s1, s22, $0xb8;
	[tilespmem:$0x1EC00] =	vst v63  }
0x6b: {  	_ =	swait.ge [sflag:s26], $0x3E80  }
0x6c: {  	[sflag:s26] =	ssyncset.done $0x0  }
0x6d: {  	[sflag:s26] =	ssyncadd.s32 $0xFFFFC180  }
0x6e: {  	_ =	swait.ge [sflag:s20], $0x3E80  }
0x6f: {  	[sflag:s20] =	ssyncset.done $0x0  }
0x70: {  	s5 =	simm.s32 $0x180;
	[sflag:s20] =	ssyncadd.s32 $0xFFFFC180  }
0x71: {  	[tilespmem:s24], [sflag:$0x1] =	stream.indirect.gather [hbm4b:s2+s22], $0x80, s5, s22, $0xb8;
	[tilespmem:$0x1EC00] =	vst v63  }
0x72: {  	s7 =	rddreg [dreg:$0x5]  }
0x73: {  	[spmem:s3] =	stream.indirect.scatter.add.f32 [tilespmem:s21], [sflag:$0x2], $0x80, s7, s22, $0xb8;
	[tilespmem:$0x1EC00] =	vst v63  }
0x74: {  	_ =	swait.ge [sflag:s26], $0x3E80  }
0x75: {  	[sflag:s26] =	ssyncset.done $0x0  }
0x76: {  	[sflag:s26] =	ssyncadd.s32 $0xFFFFC180  }
0x77: {  	_ =	swait.ge [sflag:s20], $0x3E80  }
0x78: {  	[sflag:s20] =	ssyncset.done $0x0  }
0x79: {  	s5 =	simm.s32 $0x200;
	[sflag:s20] =	ssyncadd.s32 $0xFFFFC180  }
0x7a: {  	[tilespmem:s21], [sflag:$0x1] =	stream.indirect.gather [hbm4b:s2+s22], $0x80, s5, s22, $0xb8;
	[tilespmem:$0x1EC00] =	vst v63  }
0x7b: {  	s7 =	rddreg [dreg:$0x6]  }
0x7c: {  	[spmem:s3] =	stream.indirect.scatter.add.f32 [tilespmem:s24], [sflag:$0x2], $0x80, s7, s22, $0xb8;
	[tilespmem:$0x1EC00] =	vst v63  }
0x7d: {  	_ =	swait.ge [sflag:s26], $0x3E80  }
0x7e: {  	[sflag:s26] =	ssyncset.done $0x0  }
0x7f: {  	[sflag:s26] =	ssyncadd.s32 $0xFFFFC180  }
0x80: {  	_ =	swait.ge [sflag:s20], $0x3E80  }
0x81: {  	[sflag:s20] =	ssyncset.done $0x0  }
0x82: {  	s5 =	simm.s32 $0x280;
	[sflag:s20] =	ssyncadd.s32 $0xFFFFC180  }
0x83: {  	[tilespmem:s24], [sflag:$0x1] =	stream.indirect.gather [hbm4b:s2+s22], $0x80, s5, s22, $0xb8;
	[tilespmem:$0x1EC00] =	vst v63  }
0x84: {  	s7 =	rddreg [dreg:$0x7]  }
0x85: {  	[spmem:s3] =	stream.indirect.scatter.add.f32 [tilespmem:s21], [sflag:$0x2], $0x80, s7, s22, $0xb8;
	[tilespmem:$0x1EC00] =	vst v63  }
0x86: {  	_ =	swait.ge [sflag:s26], $0x3E80  }
0x87: {  	[sflag:s26] =	ssyncset.done $0x0  }
0x88: {  	[sflag:s26] =	ssyncadd.s32 $0xFFFFC180  }
0x89: {  	_ =	swait.ge [sflag:s20], $0x3E80  }
0x8a: {  	[sflag:s20] =	ssyncset.done $0x0  }
0x8b: {  	s5 =	simm.s32 $0x300;
	[sflag:s20] =	ssyncadd.s32 $0xFFFFC180  }
0x8c: {  	[tilespmem:s21], [sflag:$0x1] =	stream.indirect.gather [hbm4b:s2+s22], $0x80, s5, s22, $0xb8;
	[tilespmem:$0x1EC00] =	vst v63  }
0x8d: {  	s7 =	rddreg [dreg:$0x8]  }
0x8e: {  	[spmem:s3] =	stream.indirect.scatter.add.f32 [tilespmem:s24], [sflag:$0x2], $0x80, s7, s22, $0xb8;
	[tilespmem:$0x1EC00] =	vst v63  }
0x8f: {  	_ =	swait.ge [sflag:s26], $0x3E80  }
0x90: {  	[sflag:s26] =	ssyncset.done $0x0  }
0x91: {  	[sflag:s26] =	ssyncadd.s32 $0xFFFFC180  }
0x92: {  	_ =	swait.ge [sflag:s20], $0x3E80  }
0x93: {  	[sflag:s20] =	ssyncset.done $0x0  }
0x94: {  	s5 =	simm.s32 $0x380;
	[sflag:s20] =	ssyncadd.s32 $0xFFFFC180  }
0x95: {  	[tilespmem:s24], [sflag:$0x1] =	stream.indirect.gather [hbm4b:s2+s22], $0x80, s5, s22, $0xb8;
	[tilespmem:$0x1EC00] =	vst v63  }
0x96: {  	s7 =	rddreg [dreg:$0x9]  }
0x97: {  	[spmem:s3] =	stream.indirect.scatter.add.f32 [tilespmem:s21], [sflag:$0x2], $0x80, s7, s22, $0xb8;
	[tilespmem:$0x1EC00] =	vst v63  }
0x98: {  	_ =	swait.ge [sflag:s26], $0x3E80  }
0x99: {  	[sflag:s26] =	ssyncset.done $0x0  }
0x9a: {  	[sflag:s26] =	ssyncadd.s32 $0xFFFFC180  }
0x9b: {  	p1 =	por $0x1, $0x1;
	_ =	swait.ge [sflag:s20], $0x3E80  }
0x9c: {  	s0 =	simm.s32 @p1 $0x2C00;
	[sflag:s20] =	ssyncset.done $0x0  }
0x9d: {  	s29 =	simm.s32 @p1 $0x7D;
	s1 =	simm.s32 @p1 $0x400;
	[sflag:s20] =	ssyncadd.s32 $0xFFFFC180  }
0x9e: {  	[tilespmem:s0], [sflag:$0x1] =	stream.indirect.gather @p1 [hbm4b:s2+s29], $0x80, s1, s29, $0xb8;
	[tilespmem:$0x1EC00] =	vst v63  }
0x9f: {  	s30 =	simm.s32 @p1 $0x2;
	s0 =	simm.s32 @p1 $0x2B80;
	s1 =	simm.s32 @p1 $0x6C00  }
0xa0: {  	[spmem:s3] =	stream.indirect.scatter.add.f32 @p1 [tilespmem:s1], [sflag:$0x2], $0x80, s0, s29, $0xb8;
	[tilespmem:$0x1EC00] =	vst v63  }
0xa1: {  	s0 =	simm.s32 @!p1 $0x2;
	_ =	swait.ge @p1 [sflag:s30], $0x3E80  }
0xa2: {  	s1 =	simm.s32 @!p1 $0x6C00;
	s29 =	simm.s32 @!p1 $0x7D;
	[sflag:s30] =	ssyncset.done @p1 $0x0  }
0xa3: {  	s0 =	simm.s32 @p1 $0x1;
	[sflag:s30] =	ssyncadd.s32 @p1 $0xFFFFC180;
	s30 =	simm.s32 @!p1 $0x2B80  }
0xa4: {  	[spmem:s3] =	stream.indirect.scatter.add.f32 @!p1 [tilespmem:s1], [sflag:$0x2], $0x80, s30, s29, $0xb8;
	[tilespmem:$0x1EC00] =	vst v63  }
0xa5: {  	s31 =	smov.u32 s19;
	_ =	swait.ge [sflag:s0], $0x3E80  }
0xa6: {  	s29 =	simm.s32 $0x1000;
	s30 =	simm.s32 $0xE;
	[sflag:s0] =	ssyncset.done $0x0  }
.LBB2_4:
0xa7: {  	[sflag:s0] =	ssyncadd.s32 $0xFFFFC180;
	s31 =	sadd.s32 $0x80, s31  }
0xa8: {  	[tilespmem:s23], [sflag:$0x1] =	stream.linear.gather [hbm4b:s31+s4], $0x400, $0x38;
	[tilespmem:$0x1EC00] =	vst v63  }
0xa9: {  	s1 =	smov.u32 s29;
	_ =	swait.ge [sflag:s20], $0x400  }
0xaa: {  	s0 =	sshra.s32 s1, $0x2;
	[sflag:s20] =	ssyncset.done $0x0  }
0xab: {  	s5 =	sadd.s32 $0x80, s0;
	[sflag:s20] =	ssyncadd.s32 $0xFFFFFC00  }
0xac: {  	[tilespmem:s24], [sflag:$0x1] =	stream.indirect.gather [hbm4b:s2+s22], $0x80, s5, s22, $0xb8;
	[tilespmem:$0x1EC00] =	vst v63  }
0xad: {  	_ = 	snop  }
0xae: {  	[spmem:s3] =	stream.indirect.scatter.add.f32 [tilespmem:s21], [sflag:$0x2], $0x80, s23, s22, $0xb8;
	[tilespmem:$0x1EC00] =	vst v63  }
0xaf: {  	_ =	swait.ge [sflag:s26], $0x3E80  }
0xb0: {  	[sflag:s26] =	ssyncset.done $0x0  }
0xb1: {  	[sflag:s26] =	ssyncadd.s32 $0xFFFFC180  }
0xb2: {  	_ =	swait.ge [sflag:s20], $0x3E80  }
0xb3: {  	[sflag:s20] =	ssyncset.done $0x0  }
0xb4: {  	s5 =	sadd.s32 $0x100, s0;
	[sflag:s20] =	ssyncadd.s32 $0xFFFFC180  }
0xb5: {  	[tilespmem:s21], [sflag:$0x1] =	stream.indirect.gather [hbm4b:s2+s22], $0x80, s5, s22, $0xb8;
	[tilespmem:$0x1EC00] =	vst v63  }
0xb6: {  	s7 =	rddreg [dreg:$0x4]  }
0xb7: {  	[spmem:s3] =	stream.indirect.scatter.add.f32 [tilespmem:s24], [sflag:$0x2], $0x80, s7, s22, $0xb8;
	[tilespmem:$0x1EC00] =	vst v63  }
0xb8: {  	_ =	swait.ge [sflag:s26], $0x3E80  }
0xb9: {  	[sflag:s26] =	ssyncset.done $0x0  }
0xba: {  	[sflag:s26] =	ssyncadd.s32 $0xFFFFC180  }
0xbb: {  	_ =	swait.ge [sflag:s20], $0x3E80  }
0xbc: {  	[sflag:s20] =	ssyncset.done $0x0  }
0xbd: {  	s5 =	sadd.s32 $0x180, s0;
	[sflag:s20] =	ssyncadd.s32 $0xFFFFC180  }
0xbe: {  	[tilespmem:s24], [sflag:$0x1] =	stream.indirect.gather [hbm4b:s2+s22], $0x80, s5, s22, $0xb8;
	[tilespmem:$0x1EC00] =	vst v63  }
0xbf: {  	s7 =	rddreg [dreg:$0x5]  }
0xc0: {  	[spmem:s3] =	stream.indirect.scatter.add.f32 [tilespmem:s21], [sflag:$0x2], $0x80, s7, s22, $0xb8;
	[tilespmem:$0x1EC00] =	vst v63  }
0xc1: {  	_ =	swait.ge [sflag:s26], $0x3E80  }
0xc2: {  	[sflag:s26] =	ssyncset.done $0x0  }
0xc3: {  	[sflag:s26] =	ssyncadd.s32 $0xFFFFC180  }
0xc4: {  	_ =	swait.ge [sflag:s20], $0x3E80  }
0xc5: {  	[sflag:s20] =	ssyncset.done $0x0  }
0xc6: {  	s5 =	sadd.s32 $0x200, s0;
	[sflag:s20] =	ssyncadd.s32 $0xFFFFC180  }
0xc7: {  	[tilespmem:s21], [sflag:$0x1] =	stream.indirect.gather [hbm4b:s2+s22], $0x80, s5, s22, $0xb8;
	[tilespmem:$0x1EC00] =	vst v63  }
0xc8: {  	s7 =	rddreg [dreg:$0x6]  }
0xc9: {  	[spmem:s3] =	stream.indirect.scatter.add.f32 [tilespmem:s24], [sflag:$0x2], $0x80, s7, s22, $0xb8;
	[tilespmem:$0x1EC00] =	vst v63  }
0xca: {  	_ =	swait.ge [sflag:s26], $0x3E80  }
0xcb: {  	[sflag:s26] =	ssyncset.done $0x0  }
0xcc: {  	[sflag:s26] =	ssyncadd.s32 $0xFFFFC180  }
0xcd: {  	_ =	swait.ge [sflag:s20], $0x3E80  }
0xce: {  	[sflag:s20] =	ssyncset.done $0x0  }
0xcf: {  	s5 =	sadd.s32 $0x280, s0;
	[sflag:s20] =	ssyncadd.s32 $0xFFFFC180  }
0xd0: {  	[tilespmem:s24], [sflag:$0x1] =	stream.indirect.gather [hbm4b:s2+s22], $0x80, s5, s22, $0xb8;
	[tilespmem:$0x1EC00] =	vst v63  }
0xd1: {  	s7 =	rddreg [dreg:$0x7]  }
0xd2: {  	[spmem:s3] =	stream.indirect.scatter.add.f32 [tilespmem:s21], [sflag:$0x2], $0x80, s7, s22, $0xb8;
	[tilespmem:$0x1EC00] =	vst v63  }
0xd3: {  	_ =	swait.ge [sflag:s26], $0x3E80  }
0xd4: {  	[sflag:s26] =	ssyncset.done $0x0  }
0xd5: {  	[sflag:s26] =	ssyncadd.s32 $0xFFFFC180  }
0xd6: {  	_ =	swait.ge [sflag:s20], $0x3E80  }
0xd7: {  	[sflag:s20] =	ssyncset.done $0x0  }
0xd8: {  	s5 =	sadd.s32 $0x300, s0;
	[sflag:s20] =	ssyncadd.s32 $0xFFFFC180  }
0xd9: {  	[tilespmem:s21], [sflag:$0x1] =	stream.indirect.gather [hbm4b:s2+s22], $0x80, s5, s22, $0xb8;
	[tilespmem:$0x1EC00] =	vst v63  }
0xda: {  	s7 =	rddreg [dreg:$0x8]  }
0xdb: {  	[spmem:s3] =	stream.indirect.scatter.add.f32 [tilespmem:s24], [sflag:$0x2], $0x80, s7, s22, $0xb8;
	[tilespmem:$0x1EC00] =	vst v63  }
0xdc: {  	_ =	swait.ge [sflag:s26], $0x3E80  }
0xdd: {  	[sflag:s26] =	ssyncset.done $0x0  }
0xde: {  	[sflag:s26] =	ssyncadd.s32 $0xFFFFC180  }
0xdf: {  	_ =	swait.ge [sflag:s20], $0x3E80  }
0xe0: {  	[sflag:s20] =	ssyncset.done $0x0  }
0xe1: {  	s0 =	sadd.s32 $0x380, s0;
	[sflag:s20] =	ssyncadd.s32 $0xFFFFC180  }
0xe2: {  	[tilespmem:s24], [sflag:$0x1] =	stream.indirect.gather [hbm4b:s2+s22], $0x80, s0, s22, $0xb8;
	[tilespmem:$0x1EC00] =	vst v63  }
0xe3: {  	s7 =	rddreg [dreg:$0x9]  }
0xe4: {  	[spmem:s3] =	stream.indirect.scatter.add.f32 [tilespmem:s21], [sflag:$0x2], $0x80, s7, s22, $0xb8;
	[tilespmem:$0x1EC00] =	vst v63  }
0xe5: {  	_ =	swait.ge [sflag:s26], $0x3E80  }
0xe6: {  	[sflag:s26] =	ssyncset.done $0x0  }
0xe7: {  	s29 =	sadd.s32 $0x1000, s29;
	[sflag:s26] =	ssyncadd.s32 $0xFFFFC180  }
0xe8: {  	p2 =	slt.u32 s30, $0x4E;
	p1 =	sne.s32 s29, $0xA000;
	_ =	swait.ge [sflag:s20], $0x3E80  }
0xe9: {  	s5 =	simm.s32 @p2 $0x7D;
	s0 =	sshra.s32 @p2 s1, $0x2;
	[sflag:s20] =	ssyncset.done $0x0  }
0xea: {  	s1 =	simm.s32 @p2 $0x2C00;
	s0 =	sadd.s32 @p2 $0x400, s0;
	[sflag:s20] =	ssyncadd.s32 $0xFFFFC180  }
0xeb: {  	[tilespmem:s1], [sflag:$0x1] =	stream.indirect.gather @p2 [hbm4b:s2+s5], $0x80, s0, s5, $0xb8;
	[tilespmem:$0x1EC00] =	vst v63  }
0xec: {  	s7 =	simm.s32 @p2 $0x2;
	s0 =	simm.s32 @p2 $0x2B80;
	s1 =	simm.s32 @p2 $0x6C00  }
0xed: {  	[spmem:s3] =	stream.indirect.scatter.add.f32 @p2 [tilespmem:s1], [sflag:$0x2], $0x80, s0, s5, $0xb8;
	[tilespmem:$0x1EC00] =	vst v63  }
0xee: {  	s0 =	simm.s32 @!p2 $0x2;
	s1 =	simm.s32 @!p2 $0x6C00;
	_ =	swait.ge @p2 [sflag:s7], $0x3E80  }
.Ltmp1:
0xef: {  	s5 =	simm.s32 @!p2 $0x7D;
	[sflag:s7] =	ssyncset.done @p2 $0x0;
	(pc) =	sbr.rel @p1 .LBB2_4-.Ltmp1, $4  }
0xf0: {  	s0 =	simm.s32 @p2 $0x1;
	[sflag:s7] =	ssyncadd.s32 @p2 $0xFFFFC180;
	s7 =	simm.s32 @!p2 $0x2B80  }
0xf1: {  	[spmem:s3] =	stream.indirect.scatter.add.f32 @!p2 [tilespmem:s1], [sflag:$0x2], $0x80, s7, s5, $0xb8;
	[tilespmem:$0x1EC00] =	vst v63  }
0xf2: {  	_ =	swait.ge [sflag:s0], $0x3E80  }
0xf3: {  	s30 =	sadd.s32 $0x8, s30;
	[sflag:s0] =	ssyncset.done $0x0  }
0xf4: {  	[sflag:s0] =	ssyncadd.s32 $0xFFFFC180  }
0xf5: {  	s0 =	simm.s32 @p0 $0x1FC1;
	[bflag:$0x0] =	sbarrier.arrive $0xFFFF  }
0xf6: {  	[hbm:s8], [sflag:s0] =	dma.local @p0 [spmem:s25], $0x1900  }
0xf7: {  	s1 =	stileid.u32;
	s0 =	simm.s32 @p0 $0x1  }
0xf8: {  	s28 =	sadd.s32 $0x1, s28;
	s1 =	sshll.u32 @!p0 s1, $0x6;
	_ =	swait.ge @p0 [sflag:s0], $0x1900  }
0xf9: {  	p1 =	sne.s32 s28, s9;
	[sflag:s0] =	ssyncset.done @p0 $0x0;
	s5 =	rddreg [dreg:$0xb]  }
0xfa: {  	[sflag:s0] =	ssyncadd.s32 @p0 $0xFFFFE700;
	s0 =	sor.u32 @!p0 $0x1C01, s1;
	s1 =	sshrl.u32 @!p0 s6, $0x3  }
0xfb: {  	[hbm:s5], [sflag:s0] =	dma.local @!p0 [spmem:s1], $0x2800  }
.Ltmp2:
0xfc: {  	_ = 	snop;
	(pc) =	sbr.rel @p1 .LBB2_1-.Ltmp2, $4  }
0xfd: {  	s0 =	simm.s32 @!p0 $0x1  }
0xfe: {  	_ =	swait.ge @!p0 [sflag:s0], $0x2800  }
0xff: {  	[sflag:s0] =	ssyncset.done @!p0 $0x0  }
0x100: {  	[sflag:s0] =	ssyncadd.s32 @!p0 $0xFFFFD800  }
0x101: {  	_ =	sfence.sel $0x180000  }
0x102: {  	[bflag:$0x0] =	sbarrier.arrive $0xFFFF  }
0x103: {  	_ =	strace $0x9000004A  }
0x104: {  	s0 =	stileid.u32;
	[bflag:$0x2] =	sbarrier.arrive $0xFFFF  }
0x105: {  	p0 =	sne.s32 s0, $0x0;
	s0 =	rddreg [dreg:$0x3]  }
0x106: {  	s0 =	sadd.s32 @!p0 $0x100000, s0  }
0x107: {  	[sflag:s0] =	ssyncadd.tile.s32 @!p0 $0x1;
	_ =	shalt  }
.Lfunc_end2:
_tile_overlayer_lowered:
.L_overlay_start_2:
0x108: {  	(tag) =	ssettag $0x2  }
0x109: {  	s0 =	rddreg [dreg:$0x0];
	s2 =	stileid.u32  }
0x10a: {  	s1 =	rddreg [dreg:$0x1];
	p0 =	sne.s32 s2, $0x0  }
0x10b: {  	s3 =	rddreg [dreg:$0x2];
	[bflag:$0x3] =	sbarrier.arrive $0xFFFF;
	s2 =	simm.s32 @!p0 $0x1C01  }
0x10c: {  	[timem:s3], [sflag:s2] =	dma.local @!p0 [hbm:s0], s1  }
0x10d: {  	s0 =	simm.s32 @!p0 $0x1  }
0x10e: {  	_ =	swait.ge @!p0 [sflag:s0], s1  }
0x10f: {  	s1 =	ssub.s32 @!p0 $0x0, s1;
	[sflag:s0] =	ssyncset.done @!p0 $0x0  }
0x110: {  	[sflag:s0] =	ssyncadd.s32 @!p0 s1  }
0x111: {  	[bflag:$0x3] =	sbarrier.arrive $0xFFFF  }
0x112: {  	_ =	shalt  }

// kernel: kernel.14.cloned.1.call-start
scs
__scs_entry_jumppad:
0x0: {  	(pc) =	sbr.rel $0x88, $3  }
0x1: {  	(tag) =	ssettag $0x0;
	lr =	simm.s32 $0x1  }
0x2: {  	[smem:$0x3F9B] =	sst lr;
	_ =	strace $0xD0000000  }
0x3: {  	_ = 	snop  }
0x4: {  	_ = 	snop  }
0x5: {  	_ = 	snop  }
0x6: {  	_ = 	snop  }
0x7: {  	_ = 	snop  }
__scs_overlays_trampoline_lowered:
0x8: {  	[smem:$0x3FAA] =	sst s0  }
0x9: {  	[smem:$0x3FAB] =	sst s1  }
0xa: {  	[smem:$0x3FAC] =	sst s2  }
0xb: {  	[smem:$0x3FAD] =	sst s3  }
0xc: {  	[smem:$0x3FAE] =	sst s4  }
0xd: {  	[smem:$0x3FAF] =	sst s5  }
0xe: {  	[smem:$0x3FB0] =	sst s6  }
0xf: {  	[smem:$0x3FB1] =	sst s7  }
0x10: {  	[smem:$0x3FB2] =	sst s8  }
0x11: {  	[smem:$0x3FB3] =	sst s9;
	s0 =	simm.s32 @!p0 $0x0  }
0x12: {  	s1 =	sld [smem:$0x3F99];
	s0 =	simm.s32 @p0 $0x1  }
0x13: {  	[smem:$0x3FB4] =	sst s0;
	s0 =	simm.s32 @!p1 $0x0  }
0x14: {  	s2 =	sld [smem:$0x3F98];
	s0 =	simm.s32 @p1 $0x1  }
0x15: {  	[smem:$0x3FB5] =	sst s0;
	s0 =	simm.s32 @!p2 $0x0  }
0x16: {  	s3 =	sld [smem:$0x3FDB];
	s0 =	simm.s32 @p2 $0x1  }
0x17: {  	s4 =	simm.s32 $0x1BF5;
	[smem:$0x3FB7] =	sst s0  }
0x18: {  	s0 =	sld [smem:$0x3F9A];
	_ =	swait.ge [sflag:s4], $0x0  }
0x19: {  	s7 =	sld [smem:$0x3F9B]  }
0x1a: {  	s8 =	sadd.s32 $0xFFFFE003, lr  }
0x1b: {  	s9 =	sadd.s32 $0xFFFFFEF7, lr;
	s5 =	simm.s32 $0xFFFFFFFF;
	p2 =	slt.u32 s8, $0xFFFFF086  }
0x1c: {  	p1 =	slt.u32 s9, $0xF7A;
	s5 =	simm.s32 @!p2 $0x0  }
0x1d: {  	s5 =	simm.s32 @p1 $0x1;
	p0 =	seq.s32 s7, s2  }
0x1e: {  	s7 =	smul.u32 @!p0 $0xF7A, s2;
	p2 =	seq.s32 @!p0 s5, $0x0  }
0x1f: {  	s9 =	smul.u32 $0xF7A, s1;
	s8 =	simm.s32 @!p0 $0x1BF5;
	p2 =	por !p2, p0  }
0x20: {  	[sflag:s8] =	ssyncset.s32 @!p0 $0xFFFFF086;
	s6 =	sadd.s32 @!p0 s3, s7;
	s7 =	simm.s32 @!p0 $0x108  }
0x21: {  	s3 =	sadd.s32 s3, s9;
	s6 =	sadd.s32 @!p0 $0x88, s6;
	s7 =	simm.s32 @p2 $0x1082  }
0x22: {  	[simem:s7], [sflag:s8] =	dma.local @!p0 [hbm:s6], $0xF7A  }
0x23: {  	s9 =	sor.u32 $0xD0000000, s2;
	s6 =	simm.s32 $0x108;
	_ =	swait.ge @!p0 [sflag:s8], $0x0  }
0x24: {  	s3 =	sadd.s32 $0x88, s3;
	s6 =	simm.s32 @!p1 $0x1082;
	[sflag:s4] =	ssyncset.s32 $0xFFFFF086  }
0x25: {  	[simem:s6], [sflag:s4] =	dma.local [hbm:s3], $0xF7A  }
0x26: {  	[smem:$0x3F9B] =	sst s1;
	(tag) =	ssettag s2;
	_ =	strace s9  }
0x27: {  	s1 =	sld [smem:$0x3FAB]  }
0x28: {  	s2 =	sld [smem:$0x3FAC]  }
0x29: {  	s4 =	sld [smem:$0x3FAE]  }
0x2a: {  	p0 =	seq.s32 s5, $0x0;
	s5 =	sld [smem:$0x3FAF]  }
0x2b: {  	s6 =	sld [smem:$0x3FB0]  }
0x2c: {  	s7 =	sld [smem:$0x3FB1]  }
0x2d: {  	s3 =	simm.s32 $0x108;
	s8 =	sld [smem:$0x3FB2]  }
0x2e: {  	s3 =	simm.s32 @!p0 $0x1082;
	s9 =	sld [smem:$0x3FB3]  }
0x2f: {  	lr =	sadd.s32 s0, s3;
	s0 =	sld [smem:$0x3FAA]  }
0x30: {  	s3 =	sld [smem:$0x3FAD]  }
0x31: {  	[smem:$0x3FB6] =	sst s10  }
0x32: {  	s10 =	sld [smem:$0x3FB4];
	_ =	sdelay $0x3  }
0x33: {  	p0 =	seq.s32 s10, $0x1;
	s10 =	sld [smem:$0x3FB6];
	_ =	sdelay $0x3  }
0x34: {  	[smem:$0x3FB6] =	sst s10  }
0x35: {  	s10 =	sld [smem:$0x3FB5];
	_ =	sdelay $0x3  }
0x36: {  	p1 =	seq.s32 s10, $0x1;
	s10 =	sld [smem:$0x3FB6];
	_ =	sdelay $0x3  }
0x37: {  	[smem:$0x3FB6] =	sst s10  }
0x38: {  	s10 =	sld [smem:$0x3FB7]  }
0x39: {  	_ = 	snop;
	(pc) =	sbr.ind lr, $3  }
0x3a: {  	_ = 	snop  }
0x3b: {  	_ = 	snop  }
0x3c: {  	p2 =	seq.s32 s10, $0x1;
	s10 =	sld [smem:$0x3FB6]  }
0x3d: {  	_ =	shalt  }
0x3e: {  	_ =	shalt  }
0x3f: {  	_ =	shalt  }
0x40: {  	_ =	shalt  }
0x41: {  	_ =	shalt  }
0x42: {  	_ =	shalt  }
0x43: {  	_ =	shalt  }
0x44: {  	_ =	shalt  }
0x45: {  	_ =	shalt  }
0x46: {  	_ =	shalt  }
0x47: {  	_ =	shalt  }
0x48: {  	_ =	shalt  }
0x49: {  	_ =	shalt  }
0x4a: {  	_ =	shalt  }
0x4b: {  	_ =	shalt  }
0x4c: {  	_ =	shalt  }
0x4d: {  	_ =	shalt  }
0x4e: {  	_ =	shalt  }
0x4f: {  	_ =	shalt  }
0x50: {  	_ =	shalt  }
0x51: {  	_ =	shalt  }
0x52: {  	_ =	shalt  }
0x53: {  	_ =	shalt  }
0x54: {  	_ =	shalt  }
0x55: {  	_ =	shalt  }
0x56: {  	_ =	shalt  }
0x57: {  	_ =	shalt  }
0x58: {  	_ =	shalt  }
0x59: {  	_ =	shalt  }
0x5a: {  	_ =	shalt  }
0x5b: {  	_ =	shalt  }
0x5c: {  	_ =	shalt  }
0x5d: {  	_ =	shalt  }
0x5e: {  	_ =	shalt  }
0x5f: {  	_ =	shalt  }
0x60: {  	_ =	shalt  }
0x61: {  	_ =	shalt  }
0x62: {  	_ =	shalt  }
0x63: {  	_ =	shalt  }
0x64: {  	_ =	shalt  }
0x65: {  	_ =	shalt  }
0x66: {  	_ =	shalt  }
0x67: {  	_ =	shalt  }
0x68: {  	_ =	shalt  }
0x69: {  	_ =	shalt  }
0x6a: {  	_ =	shalt  }
0x6b: {  	_ =	shalt  }
0x6c: {  	_ =	shalt  }
0x6d: {  	_ =	shalt  }
0x6e: {  	_ =	shalt  }
0x6f: {  	_ =	shalt  }
0x70: {  	_ =	shalt  }
0x71: {  	_ =	shalt  }
0x72: {  	_ =	shalt  }
0x73: {  	_ =	shalt  }
0x74: {  	_ =	shalt  }
0x75: {  	_ =	shalt  }
0x76: {  	_ =	shalt  }
0x77: {  	_ =	shalt  }
0x78: {  	_ =	shalt  }
0x79: {  	_ =	shalt  }
0x7a: {  	_ =	shalt  }
0x7b: {  	_ =	shalt  }
0x7c: {  	_ =	shalt  }
0x7d: {  	_ =	shalt  }
0x7e: {  	_ =	shalt  }
0x7f: {  	_ =	shalt  }
0x80: {  	_ =	shalt  }
0x81: {  	_ =	shalt  }
0x82: {  	_ =	shalt  }
0x83: {  	_ =	shalt  }
0x84: {  	_ =	shalt  }
0x85: {  	_ =	shalt  }
0x86: {  	_ =	shalt  }
0x87: {  	_ =	shalt  }
.Lfunc_end0:
.L_simem_size_0:
called_computation.2_lowered:
.L_overlay_start_0:
0x88: {  	s2 =	sld [smem:$0x3FD9]  }
0x89: {  	s3 =	sld [smem:$0x3FFE];
	_ =	sdelay $0x1  }
0x8a: {  	s1 =	srdreg.scid  }
0x8b: {  	s0 =	sand.u32 $0x1, s1  }
0x8c: {  	s17 =	sshll.u32 s0, $0xA;
	s2 =	sadd.s32 s3, s2  }
0x8d: {  	s2 =	sadd.s32 s2, s17  }
0x8e: {  	[smem:$0x3FC2] =	sst s2  }
0x8f: {  	_ = 	snop  }
0x90: {  	s2 =	sld [smem:$0x3FD0];
	(tm) =	ssettm $0x1  }
0x91: {  	s18 =	sld [smem:$0x3FFB];
	_ =	sdelay $0x3  }
0x92: {  	_ =	strace s18  }
0x93: {  	s3 =	sld [smem:$0x3FFC];
	_ =	sdelay $0x3  }
0x94: {  	_ =	strace s3  }
0x95: {  	s3 =	sld [smem:$0x3FFD];
	_ =	sdelay $0x3  }
0x96: {  	_ =	strace s3  }
0x97: {  	_ =	strace $0x8FFFFFFF  }
0x98: {  	s19 =	sld [smem:$0x3FDB];
	_ =	sdelay $0x1  }
0x99: {  	s4 =	simm.s32 $_scs_section_size  }
0x9a: {  	s5 =	simm.s32 $_size__tile_overlayer_lowered;
	s6 =	simm.s32 $_tile_overlayer_lowered  }
0x9b: {  	s22 =	simm.s32 $0x1BFF;
	s21 =	sshll.u32 s6, $0x1;
	s3 =	sadd.s32 s4, s19  }
0x9c: {  	s7 =	simm.s32 $0x0;
	s20 =	sshll.u32 s5, $0x1;
	s5 =	sadd.s32 s21, s3  }
0x9d: {  	[timem:s7], [sflag:s22] =	dma.local [hbm:s5], s20  }
0x9e: {  	_ =	swait.ge [sflag:s22], s20  }
0x9f: {  	s4 =	ssub.s32 $0x0, s20;
	[sflag:s22] =	ssyncset.done $0x0  }
0xa0: {  	[sflag:s22] =	ssyncadd.s32 s4;
	_ =	sdelay $0x1  }
0xa1: {  	s23 =	simm.s32 $0x1B8B  }
0xa2: {  	_ =	swait.ge [sflag:s23], $0x1  }
0xa3: {  	[sflag:s23] =	ssyncset.done $0x0  }
0xa4: {  	s25 =	simm.s32 $0x1B8E;
	s24 =	sld [smem:$0x3FFE];
	[sflag:s23] =	ssyncadd.s32 $0xFFFFFFFF  }
0xa5: {  	s26 =	simm.s32 $execute0_lowered;
	[smem:$0x3FD2] =	sst s25  }
0xa6: {  	s5 =	sshll.u32 s26, $0x1;
	_ =	strace $0x8000004C;
	[dreg:$0x1] =	wrdreg $0xFFFFFFFF  }
0xa7: {  	s28 =	simm.s32 $_size_execute0_lowered;
	s3 =	sadd.s32 s3, s5;
	[dreg:$0x0] =	wrdreg $0x0  }
0xa8: {  	s5 =	sshll.u32 s28, $0x1;
	[dreg:$0x2] =	wrdreg s3  }
0xa9: {  	[dreg:$0x3] =	wrdreg s5  }
0xaa: {  	[dreg:$0x4] =	wrdreg $0xC0  }
0xab: {  	_ =	task [dreg:s7], $0x5FFFF  }
0xac: {  	[dreg:$0x1] =	wrdreg $0xFFFFFFFF  }
0xad: {  	[dreg:$0x0] =	wrdreg $0x60  }
0xae: {  	[dreg:$0x2] =	wrdreg s2  }
0xaf: {  	[dreg:$0x3] =	wrdreg s24  }
0xb0: {  	[dreg:$0x4] =	wrdreg $0xAC000  }
0xb1: {  	[dreg:$0x5] =	wrdreg $0x9  }
0xb2: {  	_ =	task.clear_ibuf [dreg:s7], $0x6FFFF;
	_ =	strace $0x9000004C  }
0xb3: {  	s29 =	simm.s32 $0x9;
	_ =	strace $0x8000004E  }
0xb4: {  	_ =	swait.ge [sflag:s29], $0x1  }
0xb5: {  	[sflag:s29] =	ssyncadd.s32 $0xFFFFFFFF  }
0xb6: {  	_ =	strace $0x9000004E  }
0xb7: {  	_ =	sfence  }
0xb8: {  	s30 =	sld [smem:$0x0];
	_ =	sdelay $0x2  }
0xb9: {  	s31 =	sshll.u32 s1, $0xD;
	s1 =	sshrl.u32 s1, $0x2  }
0xba: {  	s3 =	sand.u32 $0x4000, s31;
	s1 =	sadd.s32 s1, s30  }
0xbb: {  	s0 =	sor.u32 s3, s0;
	s1 =	sshll.u32 s1, $0x11  }
0xbc: {  	s0 =	sor.u32 s1, s0  }
0xbd: {  	s0 =	sadd.s32 $0x8F2B, s0  }
0xbe: {  	[sflag:s0] =	ssyncadd.remote.s32 $0x1  }
0xbf: {  	_ =	sfence.sel $0xFFFF  }
0xc0: {  	[dreg:$0x0] =	wrdreg $0xFFFFFFFF;
	(pc) =	sbr.abs _section_cstart, $3  }
0xc1: {  	[dreg:$0x1] =	wrdreg $0xFFFFFFFF  }
0xc2: {  	_ =	task.clear_ibuf [dreg:s7], $0x2FFFF;
	_ =	strace $0x9FFFFFFF  }
0xc3: {  	(tm) =	ssettm $0x7FFFFFFF  }
tec
execute0_lowered:
.L_overlay_start_1:
0x0: {  	(tag) =	ssettag $0x1  }
0x1: {  	s0 =	srdreg.scid;
	s2 =	rddreg [dreg:$0x0]  }
0x2: {  	s25 =	stileid.u32;
	s5 =	rddreg [dreg:$0x1]  }
0x3: {  	s3 =	rddreg [dreg:$0x2];
	s4 =	simm.s32 $0x0;
	s23 =	simm.s32 $0x2880  }
0x4: {  	s24 =	simm.s32 $0x2900;
	s26 =	simm.s32 $0x2980;
	s29 =	simm.s32 $0x2A00  }
0x5: {  	s30 =	simm.s32 $0x2A80;
	s31 =	simm.s32 $0x2B00;
	s28 =	simm.s32 $0x0  }
0x6: {  	s0 =	sand.u32 $0x1, s0;
	s7 =	smul.u32 $0x2800, s25;
	[smem:$0x7FF] =	sst s4  }
0x7: {  	s8 =	smul.u32 $0x14000, s25;
	_ =	strace $0x8000004D;
	[dreg:$0x4] =	wrdreg s23  }
0x8: {  	s9 =	sadd.s32 $0xBE00, s5;
	s21 =	smul.u32 $0x50000, s25;
	[dreg:$0x5] =	wrdreg s24  }
0x9: {  	p0 =	seq.s32 s25, $0xF;
	s1 =	sshll.u32 s0, $0x4;
	[dreg:$0x6] =	wrdreg s26  }
0xa: {  	s6 =	smul.u32 $0x28000, s0;
	s18 =	ssub.s32 $0x2, s0;
	[dreg:$0x7] =	wrdreg s29  }
0xb: {  	s0 =	smul.u32 $0x138800, s0;
	s23 =	simm.s32 $0x2800;
	[dreg:$0x8] =	wrdreg s30  }
0xc: {  	[dreg:$0x9] =	wrdreg s31;
	s24 =	simm.s32 $0x6C00;
	s1 =	sor.u32 s25, s1  }
0xd: {  	s26 =	simm.s32 $0x2;
	s20 =	sshrl.u32 s18, $0x1;
	s1 =	smul.u32 $0x2800, s1  }
0xe: {  	s6 =	sadd.s32 s7, s6;
	s10 =	ssub.s32 s18, s20;
	s22 =	sadd.s32 s8, s0  }
0xf: {  	s0 =	sshrl.u32 s0, $0x3;
	s20 =	simm.s32 $0x1;
	s6 =	sshrl.u32 s6, $0x3  }
0x10: {  	s0 =	sadd.s32 s9, s0;
	s1 =	sshrl.u32 s1, $0x3;
	s19 =	sadd.s32 s6, s5  }
0x11: {  	s6 =	sshrl.u32 s21, $0x2;
	s8 =	sadd.s32 $0x25800, s0;
	s0 =	sadd.s32 $0x12C000, s3  }
0x12: {  	s21 =	simm.s32 $0x2C00;
	s1 =	sadd.s32 s1, s5;
	s6 =	sadd.s32 s6, s3  }
0x13: {  	s19 =	sadd.s32 $0x1E00, s19;
	s25 =	sshrl.u32 @p0 s0, $0x3;
	s1 =	sadd.s32 $0x5A000, s1  }
0x14: {  	s11 =	sadd.s32 $0x4000, s6;
	s12 =	sadd.s32 $0x6000, s6;
	s13 =	sadd.s32 $0x8000, s6  }
0x15: {  	s14 =	sadd.s32 $0xA000, s6;
	s15 =	sadd.s32 $0xC000, s6;
	s16 =	sadd.s32 $0xE000, s6  }
0x16: {  	s17 =	sadd.s32 $0x10000, s6;
	[dreg:$0xa] =	wrdreg s1;
	s1 =	sshrl.u32 s22, $0x3  }
0x17: {  	s18 =	sadd.s32 $0x12000, s6;
	s22 =	simm.s32 $0x7D;
	s1 =	sadd.s32 s9, s1  }
0x18: {  	v0 =	vimm.f32 $0.0e+00;
	s9 =	smax.u32 s10, $0x1;
	s10 =	sadd.s32 $0x2000, s6;
	[dreg:$0xb] =	wrdreg s1  }
.LBB2_1:
0x19: {  	s0 =	rddreg [dreg:$0xa]  }
0x1a: {  	[tilespmem:s4], [sflag:$0x1] =	stream.linear.gather [hbm4b:s0+s4], $0x2800, $0x38;
	[tilespmem:$0x1EC00] =	vst v63  }
0x1b: {  	_ =	swait.ge [sflag:s20], $0x2800  }
0x1c: {  	[sflag:s20] =	ssyncset.done $0x0  }
0x1d: {  	s1 =	simm.s32 $0x200;
	s0 =	simm.s32 $0x0;
	[sflag:s20] =	ssyncadd.s32 $0xFFFFD800  }
.LBB2_2:
0x1e: {  	p1 =	sne.s32 s1, $0x7E00;
	[tilespmem:s0+$0x2C70] =	vst v0  }
0x1f: {  	[tilespmem:s0+$0x2C00] =	vst v0  }
0x20: {  	[tilespmem:s0+$0x2C10] =	vst v0  }
.Ltmp0:
0x21: {  	[tilespmem:s0+$0x2C20] =	vst v0;
	(pc) =	sbr.rel @p1 .LBB2_2-.Ltmp0, $4  }
0x22: {  	[tilespmem:s0+$0x2C30] =	vst v0  }
0x23: {  	[tilespmem:s0+$0x2C40] =	vst v0  }
0x24: {  	[tilespmem:s0+$0x2C50] =	vst v0  }
0x25: {  	[tilespmem:s0+$0x2C60] =	vst v0;
	s0 =	sshra.s32 s1, $0x2;
	s1 =	sadd.s32 $0x200, s1  }
0x26: {  	[tilespmem:s0+$0x2C70] =	vst v0  }
0x27: {  	[tilespmem:s0+$0x2C00] =	vst v0  }
0x28: {  	[tilespmem:s0+$0x2C10] =	vst v0  }
0x29: {  	[tilespmem:s0+$0x2C20] =	vst v0  }
0x2a: {  	[tilespmem:s0+$0x2C30] =	vst v0  }
0x2b: {  	[tilespmem:s0+$0x2C40] =	vst v0  }
0x2c: {  	[tilespmem:s0+$0x2C50] =	vst v0  }
0x2d: {  	[tilespmem:s0+$0x2C60] =	vst v0  }
0x2e: {  	[spmem:s6] =	stream.linear.scatter [tilespmem:s21], [sflag:$0x1], $0x2000, $0x38;
	[tilespmem:$0x1EC00] =	vst v63  }
0x2f: {  	_ =	swait.ge [sflag:s20], $0x2000  }
0x30: {  	[sflag:s20] =	ssyncset.done $0x0  }
0x31: {  	[sflag:s20] =	ssyncadd.s32 $0xFFFFE000  }
0x32: {  	[spmem:s10] =	stream.linear.scatter [tilespmem:s21], [sflag:$0x1], $0x2000, $0x38;
	[tilespmem:$0x1EC00] =	vst v63  }
0x33: {  	_ =	swait.ge [sflag:s20], $0x2000  }
0x34: {  	[sflag:s20] =	ssyncset.done $0x0  }
0x35: {  	[sflag:s20] =	ssyncadd.s32 $0xFFFFE000  }
0x36: {  	[spmem:s11] =	stream.linear.scatter [tilespmem:s21], [sflag:$0x1], $0x2000, $0x38;
	[tilespmem:$0x1EC00] =	vst v63  }
0x37: {  	_ =	swait.ge [sflag:s20], $0x2000  }
0x38: {  	[sflag:s20] =	ssyncset.done $0x0  }
0x39: {  	[sflag:s20] =	ssyncadd.s32 $0xFFFFE000  }
0x3a: {  	[spmem:s12] =	stream.linear.scatter [tilespmem:s21], [sflag:$0x1], $0x2000, $0x38;
	[tilespmem:$0x1EC00] =	vst v63  }
0x3b: {  	_ =	swait.ge [sflag:s20], $0x2000  }
0x3c: {  	[sflag:s20] =	ssyncset.done $0x0  }
0x3d: {  	[sflag:s20] =	ssyncadd.s32 $0xFFFFE000  }
0x3e: {  	[spmem:s13] =	stream.linear.scatter [tilespmem:s21], [sflag:$0x1], $0x2000, $0x38;
	[tilespmem:$0x1EC00] =	vst v63  }
0x3f: {  	_ =	swait.ge [sflag:s20], $0x2000  }
0x40: {  	[sflag:s20] =	ssyncset.done $0x0  }
0x41: {  	[sflag:s20] =	ssyncadd.s32 $0xFFFFE000  }
0x42: {  	[spmem:s14] =	stream.linear.scatter [tilespmem:s21], [sflag:$0x1], $0x2000, $0x38;
	[tilespmem:$0x1EC00] =	vst v63  }
0x43: {  	_ =	swait.ge [sflag:s20], $0x2000  }
0x44: {  	[sflag:s20] =	ssyncset.done $0x0  }
0x45: {  	[sflag:s20] =	ssyncadd.s32 $0xFFFFE000  }
0x46: {  	[spmem:s15] =	stream.linear.scatter [tilespmem:s21], [sflag:$0x1], $0x2000, $0x38;
	[tilespmem:$0x1EC00] =	vst v63  }
0x47: {  	_ =	swait.ge [sflag:s20], $0x2000  }
0x48: {  	[sflag:s20] =	ssyncset.done $0x0  }
0x49: {  	[sflag:s20] =	ssyncadd.s32 $0xFFFFE000  }
0x4a: {  	[spmem:s16] =	stream.linear.scatter [tilespmem:s21], [sflag:$0x1], $0x2000, $0x38;
	[tilespmem:$0x1EC00] =	vst v63  }
0x4b: {  	_ =	swait.ge [sflag:s20], $0x2000  }
0x4c: {  	[sflag:s20] =	ssyncset.done $0x0  }
0x4d: {  	[sflag:s20] =	ssyncadd.s32 $0xFFFFE000  }
0x4e: {  	[spmem:s17] =	stream.linear.scatter [tilespmem:s21], [sflag:$0x1], $0x2000, $0x38;
	[tilespmem:$0x1EC00] =	vst v63  }
0x4f: {  	_ =	swait.ge [sflag:s20], $0x2000  }
0x50: {  	[sflag:s20] =	ssyncset.done $0x0  }
0x51: {  	[sflag:s20] =	ssyncadd.s32 $0xFFFFE000  }
0x52: {  	[spmem:s18] =	stream.linear.scatter [tilespmem:s21], [sflag:$0x1], $0x2000, $0x38;
	[tilespmem:$0x1EC00] =	vst v63  }
0x53: {  	_ =	swait.ge [sflag:s20], $0x2000  }
0x54: {  	[sflag:s20] =	ssyncset.done $0x0  }
0x55: {  	[sflag:s20] =	ssyncadd.s32 $0xFFFFE000  }
0x56: {  	s1 =	simm.s32 $0x0;
	[bflag:$0x0] =	sbarrier.arrive $0xFFFF  }
0x57: {  	[tilespmem:s21], [sflag:$0x1] =	stream.indirect.gather [hbm4b:s2+s22], $0x80, s1, s22, $0xb8;
	[tilespmem:$0x1EC00] =	vst v63  }
0x58: {  	_ =	swait.ge [sflag:s20], $0x3E80  }
0x59: {  	[sflag:s20] =	ssyncset.done $0x0  }
0x5a: {  	[sflag:s20] =	ssyncadd.s32 $0xFFFFC180  }
0x5b: {  	[tilespmem:s23], [sflag:$0x1] =	stream.linear.gather [hbm4b:s19+s4], $0x400, $0x38;
	[tilespmem:$0x1EC00] =	vst v63  }
0x5c: {  	_ =	swait.ge [sflag:s20], $0x400  }
0x5d: {  	[sflag:s20] =	ssyncset.done $0x0  }
0x5e: {  	s5 =	simm.s32 $0x80;
	[sflag:s20] =	ssyncadd.s32 $0xFFFFFC00  }
0x5f: {  	[tilespmem:s24], [sflag:$0x1] =	stream.indirect.gather [hbm4b:s2+s22], $0x80, s5, s22, $0xb8;
	[tilespmem:$0x1EC00] =	vst v63  }
0x60: {  	_ = 	snop  }
0x61: {  	[spmem:s3] =	stream.indirect.scatter.add.f32 [tilespmem:s21], [sflag:$0x2], $0x80, s23, s22, $0xb8;
	[tilespmem:$0x1EC00] =	vst v63  }
0x62: {  	_ =	swait.ge [sflag:s26], $0x3E80  }
0x63: {  	[sflag:s26] =	ssyncset.done $0x0  }
0x64: {  	[sflag:s26] =	ssyncadd.s32 $0xFFFFC180  }
0x65: {  	_ =	swait.ge [sflag:s20], $0x3E80  }
0x66: {  	[sflag:s20] =	ssyncset.done $0x0  }
0x67: {  	s7 =	simm.s32 $0x100;
	[sflag:s20] =	ssyncadd.s32 $0xFFFFC180  }
0x68: {  	[tilespmem:s21], [sflag:$0x1] =	stream.indirect.gather [hbm4b:s2+s22], $0x80, s7, s22, $0xb8;
	[tilespmem:$0x1EC00] =	vst v63  }
0x69: {  	s1 =	rddreg [dreg:$0x4]  }
0x6a: {  	[spmem:s3] =	stream.indirect.scatter.add.f32 [tilespmem:s24], [sflag:$0x2], $0x80, s1, s22, $0xb8;
	[tilespmem:$0x1EC00] =	vst v63  }
0x6b: {  	_ =	swait.ge [sflag:s26], $0x3E80  }
0x6c: {  	[sflag:s26] =	ssyncset.done $0x0  }
0x6d: {  	[sflag:s26] =	ssyncadd.s32 $0xFFFFC180  }
0x6e: {  	_ =	swait.ge [sflag:s20], $0x3E80  }
0x6f: {  	[sflag:s20] =	ssyncset.done $0x0  }
0x70: {  	s5 =	simm.s32 $0x180;
	[sflag:s20] =	ssyncadd.s32 $0xFFFFC180  }
0x71: {  	[tilespmem:s24], [sflag:$0x1] =	stream.indirect.gather [hbm4b:s2+s22], $0x80, s5, s22, $0xb8;
	[tilespmem:$0x1EC00] =	vst v63  }
0x72: {  	s7 =	rddreg [dreg:$0x5]  }
0x73: {  	[spmem:s3] =	stream.indirect.scatter.add.f32 [tilespmem:s21], [sflag:$0x2], $0x80, s7, s22, $0xb8;
	[tilespmem:$0x1EC00] =	vst v63  }
0x74: {  	_ =	swait.ge [sflag:s26], $0x3E80  }
0x75: {  	[sflag:s26] =	ssyncset.done $0x0  }
0x76: {  	[sflag:s26] =	ssyncadd.s32 $0xFFFFC180  }
0x77: {  	_ =	swait.ge [sflag:s20], $0x3E80  }
0x78: {  	[sflag:s20] =	ssyncset.done $0x0  }
0x79: {  	s5 =	simm.s32 $0x200;
	[sflag:s20] =	ssyncadd.s32 $0xFFFFC180  }
0x7a: {  	[tilespmem:s21], [sflag:$0x1] =	stream.indirect.gather [hbm4b:s2+s22], $0x80, s5, s22, $0xb8;
	[tilespmem:$0x1EC00] =	vst v63  }
0x7b: {  	s7 =	rddreg [dreg:$0x6]  }
0x7c: {  	[spmem:s3] =	stream.indirect.scatter.add.f32 [tilespmem:s24], [sflag:$0x2], $0x80, s7, s22, $0xb8;
	[tilespmem:$0x1EC00] =	vst v63  }
0x7d: {  	_ =	swait.ge [sflag:s26], $0x3E80  }
0x7e: {  	[sflag:s26] =	ssyncset.done $0x0  }
0x7f: {  	[sflag:s26] =	ssyncadd.s32 $0xFFFFC180  }
0x80: {  	_ =	swait.ge [sflag:s20], $0x3E80  }
0x81: {  	[sflag:s20] =	ssyncset.done $0x0  }
0x82: {  	s5 =	simm.s32 $0x280;
	[sflag:s20] =	ssyncadd.s32 $0xFFFFC180  }
0x83: {  	[tilespmem:s24], [sflag:$0x1] =	stream.indirect.gather [hbm4b:s2+s22], $0x80, s5, s22, $0xb8;
	[tilespmem:$0x1EC00] =	vst v63  }
0x84: {  	s7 =	rddreg [dreg:$0x7]  }
0x85: {  	[spmem:s3] =	stream.indirect.scatter.add.f32 [tilespmem:s21], [sflag:$0x2], $0x80, s7, s22, $0xb8;
	[tilespmem:$0x1EC00] =	vst v63  }
0x86: {  	_ =	swait.ge [sflag:s26], $0x3E80  }
0x87: {  	[sflag:s26] =	ssyncset.done $0x0  }
0x88: {  	[sflag:s26] =	ssyncadd.s32 $0xFFFFC180  }
0x89: {  	_ =	swait.ge [sflag:s20], $0x3E80  }
0x8a: {  	[sflag:s20] =	ssyncset.done $0x0  }
0x8b: {  	s5 =	simm.s32 $0x300;
	[sflag:s20] =	ssyncadd.s32 $0xFFFFC180  }
0x8c: {  	[tilespmem:s21], [sflag:$0x1] =	stream.indirect.gather [hbm4b:s2+s22], $0x80, s5, s22, $0xb8;
	[tilespmem:$0x1EC00] =	vst v63  }
0x8d: {  	s7 =	rddreg [dreg:$0x8]  }
0x8e: {  	[spmem:s3] =	stream.indirect.scatter.add.f32 [tilespmem:s24], [sflag:$0x2], $0x80, s7, s22, $0xb8;
	[tilespmem:$0x1EC00] =	vst v63  }
0x8f: {  	_ =	swait.ge [sflag:s26], $0x3E80  }
0x90: {  	[sflag:s26] =	ssyncset.done $0x0  }
0x91: {  	[sflag:s26] =	ssyncadd.s32 $0xFFFFC180  }
0x92: {  	_ =	swait.ge [sflag:s20], $0x3E80  }
0x93: {  	[sflag:s20] =	ssyncset.done $0x0  }
0x94: {  	s5 =	simm.s32 $0x380;
	[sflag:s20] =	ssyncadd.s32 $0xFFFFC180  }
0x95: {  	[tilespmem:s24], [sflag:$0x1] =	stream.indirect.gather [hbm4b:s2+s22], $0x80, s5, s22, $0xb8;
	[tilespmem:$0x1EC00] =	vst v63  }
0x96: {  	s7 =	rddreg [dreg:$0x9]  }
0x97: {  	[spmem:s3] =	stream.indirect.scatter.add.f32 [tilespmem:s21], [sflag:$0x2], $0x80, s7, s22, $0xb8;
	[tilespmem:$0x1EC00] =	vst v63  }
0x98: {  	_ =	swait.ge [sflag:s26], $0x3E80  }
0x99: {  	[sflag:s26] =	ssyncset.done $0x0  }
0x9a: {  	[sflag:s26] =	ssyncadd.s32 $0xFFFFC180  }
0x9b: {  	p1 =	por $0x1, $0x1;
	_ =	swait.ge [sflag:s20], $0x3E80  }
0x9c: {  	s0 =	simm.s32 @p1 $0x2C00;
	[sflag:s20] =	ssyncset.done $0x0  }
0x9d: {  	s29 =	simm.s32 @p1 $0x7D;
	s1 =	simm.s32 @p1 $0x400;
	[sflag:s20] =	ssyncadd.s32 $0xFFFFC180  }
0x9e: {  	[tilespmem:s0], [sflag:$0x1] =	stream.indirect.gather @p1 [hbm4b:s2+s29], $0x80, s1, s29, $0xb8;
	[tilespmem:$0x1EC00] =	vst v63  }
0x9f: {  	s30 =	simm.s32 @p1 $0x2;
	s0 =	simm.s32 @p1 $0x2B80;
	s1 =	simm.s32 @p1 $0x6C00  }
0xa0: {  	[spmem:s3] =	stream.indirect.scatter.add.f32 @p1 [tilespmem:s1], [sflag:$0x2], $0x80, s0, s29, $0xb8;
	[tilespmem:$0x1EC00] =	vst v63  }
0xa1: {  	s0 =	simm.s32 @!p1 $0x2;
	_ =	swait.ge @p1 [sflag:s30], $0x3E80  }
0xa2: {  	s1 =	simm.s32 @!p1 $0x6C00;
	s29 =	simm.s32 @!p1 $0x7D;
	[sflag:s30] =	ssyncset.done @p1 $0x0  }
0xa3: {  	s0 =	simm.s32 @p1 $0x1;
	[sflag:s30] =	ssyncadd.s32 @p1 $0xFFFFC180;
	s30 =	simm.s32 @!p1 $0x2B80  }
0xa4: {  	[spmem:s3] =	stream.indirect.scatter.add.f32 @!p1 [tilespmem:s1], [sflag:$0x2], $0x80, s30, s29, $0xb8;
	[tilespmem:$0x1EC00] =	vst v63  }
0xa5: {  	s31 =	smov.u32 s19;
	_ =	swait.ge [sflag:s0], $0x3E80  }
0xa6: {  	s29 =	simm.s32 $0x1000;
	s30 =	simm.s32 $0xE;
	[sflag:s0] =	ssyncset.done $0x0  }
.LBB2_4:
0xa7: {  	[sflag:s0] =	ssyncadd.s32 $0xFFFFC180;
	s31 =	sadd.s32 $0x80, s31  }
0xa8: {  	[tilespmem:s23], [sflag:$0x1] =	stream.linear.gather [hbm4b:s31+s4], $0x400, $0x38;
	[tilespmem:$0x1EC00] =	vst v63  }
0xa9: {  	s1 =	smov.u32 s29;
	_ =	swait.ge [sflag:s20], $0x400  }
0xaa: {  	s0 =	sshra.s32 s1, $0x2;
	[sflag:s20] =	ssyncset.done $0x0  }
0xab: {  	s5 =	sadd.s32 $0x80, s0;
	[sflag:s20] =	ssyncadd.s32 $0xFFFFFC00  }
0xac: {  	[tilespmem:s24], [sflag:$0x1] =	stream.indirect.gather [hbm4b:s2+s22], $0x80, s5, s22, $0xb8;
	[tilespmem:$0x1EC00] =	vst v63  }
0xad: {  	_ = 	snop  }
0xae: {  	[spmem:s3] =	stream.indirect.scatter.add.f32 [tilespmem:s21], [sflag:$0x2], $0x80, s23, s22, $0xb8;
	[tilespmem:$0x1EC00] =	vst v63  }
0xaf: {  	_ =	swait.ge [sflag:s26], $0x3E80  }
0xb0: {  	[sflag:s26] =	ssyncset.done $0x0  }
0xb1: {  	[sflag:s26] =	ssyncadd.s32 $0xFFFFC180  }
0xb2: {  	_ =	swait.ge [sflag:s20], $0x3E80  }
0xb3: {  	[sflag:s20] =	ssyncset.done $0x0  }
0xb4: {  	s5 =	sadd.s32 $0x100, s0;
	[sflag:s20] =	ssyncadd.s32 $0xFFFFC180  }
0xb5: {  	[tilespmem:s21], [sflag:$0x1] =	stream.indirect.gather [hbm4b:s2+s22], $0x80, s5, s22, $0xb8;
	[tilespmem:$0x1EC00] =	vst v63  }
0xb6: {  	s7 =	rddreg [dreg:$0x4]  }
0xb7: {  	[spmem:s3] =	stream.indirect.scatter.add.f32 [tilespmem:s24], [sflag:$0x2], $0x80, s7, s22, $0xb8;
	[tilespmem:$0x1EC00] =	vst v63  }
0xb8: {  	_ =	swait.ge [sflag:s26], $0x3E80  }
0xb9: {  	[sflag:s26] =	ssyncset.done $0x0  }
0xba: {  	[sflag:s26] =	ssyncadd.s32 $0xFFFFC180  }
0xbb: {  	_ =	swait.ge [sflag:s20], $0x3E80  }
0xbc: {  	[sflag:s20] =	ssyncset.done $0x0  }
0xbd: {  	s5 =	sadd.s32 $0x180, s0;
	[sflag:s20] =	ssyncadd.s32 $0xFFFFC180  }
0xbe: {  	[tilespmem:s24], [sflag:$0x1] =	stream.indirect.gather [hbm4b:s2+s22], $0x80, s5, s22, $0xb8;
	[tilespmem:$0x1EC00] =	vst v63  }
0xbf: {  	s7 =	rddreg [dreg:$0x5]  }
0xc0: {  	[spmem:s3] =	stream.indirect.scatter.add.f32 [tilespmem:s21], [sflag:$0x2], $0x80, s7, s22, $0xb8;
	[tilespmem:$0x1EC00] =	vst v63  }
0xc1: {  	_ =	swait.ge [sflag:s26], $0x3E80  }
0xc2: {  	[sflag:s26] =	ssyncset.done $0x0  }
0xc3: {  	[sflag:s26] =	ssyncadd.s32 $0xFFFFC180  }
0xc4: {  	_ =	swait.ge [sflag:s20], $0x3E80  }
0xc5: {  	[sflag:s20] =	ssyncset.done $0x0  }
0xc6: {  	s5 =	sadd.s32 $0x200, s0;
	[sflag:s20] =	ssyncadd.s32 $0xFFFFC180  }
0xc7: {  	[tilespmem:s21], [sflag:$0x1] =	stream.indirect.gather [hbm4b:s2+s22], $0x80, s5, s22, $0xb8;
	[tilespmem:$0x1EC00] =	vst v63  }
0xc8: {  	s7 =	rddreg [dreg:$0x6]  }
0xc9: {  	[spmem:s3] =	stream.indirect.scatter.add.f32 [tilespmem:s24], [sflag:$0x2], $0x80, s7, s22, $0xb8;
	[tilespmem:$0x1EC00] =	vst v63  }
0xca: {  	_ =	swait.ge [sflag:s26], $0x3E80  }
0xcb: {  	[sflag:s26] =	ssyncset.done $0x0  }
0xcc: {  	[sflag:s26] =	ssyncadd.s32 $0xFFFFC180  }
0xcd: {  	_ =	swait.ge [sflag:s20], $0x3E80  }
0xce: {  	[sflag:s20] =	ssyncset.done $0x0  }
0xcf: {  	s5 =	sadd.s32 $0x280, s0;
	[sflag:s20] =	ssyncadd.s32 $0xFFFFC180  }
0xd0: {  	[tilespmem:s24], [sflag:$0x1] =	stream.indirect.gather [hbm4b:s2+s22], $0x80, s5, s22, $0xb8;
	[tilespmem:$0x1EC00] =	vst v63  }
0xd1: {  	s7 =	rddreg [dreg:$0x7]  }
0xd2: {  	[spmem:s3] =	stream.indirect.scatter.add.f32 [tilespmem:s21], [sflag:$0x2], $0x80, s7, s22, $0xb8;
	[tilespmem:$0x1EC00] =	vst v63  }
0xd3: {  	_ =	swait.ge [sflag:s26], $0x3E80  }
0xd4: {  	[sflag:s26] =	ssyncset.done $0x0  }
0xd5: {  	[sflag:s26] =	ssyncadd.s32 $0xFFFFC180  }
0xd6: {  	_ =	swait.ge [sflag:s20], $0x3E80  }
0xd7: {  	[sflag:s20] =	ssyncset.done $0x0  }
0xd8: {  	s5 =	sadd.s32 $0x300, s0;
	[sflag:s20] =	ssyncadd.s32 $0xFFFFC180  }
0xd9: {  	[tilespmem:s21], [sflag:$0x1] =	stream.indirect.gather [hbm4b:s2+s22], $0x80, s5, s22, $0xb8;
	[tilespmem:$0x1EC00] =	vst v63  }
0xda: {  	s7 =	rddreg [dreg:$0x8]  }
0xdb: {  	[spmem:s3] =	stream.indirect.scatter.add.f32 [tilespmem:s24], [sflag:$0x2], $0x80, s7, s22, $0xb8;
	[tilespmem:$0x1EC00] =	vst v63  }
0xdc: {  	_ =	swait.ge [sflag:s26], $0x3E80  }
0xdd: {  	[sflag:s26] =	ssyncset.done $0x0  }
0xde: {  	[sflag:s26] =	ssyncadd.s32 $0xFFFFC180  }
0xdf: {  	_ =	swait.ge [sflag:s20], $0x3E80  }
0xe0: {  	[sflag:s20] =	ssyncset.done $0x0  }
0xe1: {  	s0 =	sadd.s32 $0x380, s0;
	[sflag:s20] =	ssyncadd.s32 $0xFFFFC180  }
0xe2: {  	[tilespmem:s24], [sflag:$0x1] =	stream.indirect.gather [hbm4b:s2+s22], $0x80, s0, s22, $0xb8;
	[tilespmem:$0x1EC00] =	vst v63  }
0xe3: {  	s7 =	rddreg [dreg:$0x9]  }
0xe4: {  	[spmem:s3] =	stream.indirect.scatter.add.f32 [tilespmem:s21], [sflag:$0x2], $0x80, s7, s22, $0xb8;
	[tilespmem:$0x1EC00] =	vst v63  }
0xe5: {  	_ =	swait.ge [sflag:s26], $0x3E80  }
0xe6: {  	[sflag:s26] =	ssyncset.done $0x0  }
0xe7: {  	s29 =	sadd.s32 $0x1000, s29;
	[sflag:s26] =	ssyncadd.s32 $0xFFFFC180  }
0xe8: {  	p2 =	slt.u32 s30, $0x4E;
	p1 =	sne.s32 s29, $0xA000;
	_ =	swait.ge [sflag:s20], $0x3E80  }
0xe9: {  	s5 =	simm.s32 @p2 $0x7D;
	s0 =	sshra.s32 @p2 s1, $0x2;
	[sflag:s20] =	ssyncset.done $0x0  }
0xea: {  	s1 =	simm.s32 @p2 $0x2C00;
	s0 =	sadd.s32 @p2 $0x400, s0;
	[sflag:s20] =	ssyncadd.s32 $0xFFFFC180  }
0xeb: {  	[tilespmem:s1], [sflag:$0x1] =	stream.indirect.gather @p2 [hbm4b:s2+s5], $0x80, s0, s5, $0xb8;
	[tilespmem:$0x1EC00] =	vst v63  }
0xec: {  	s7 =	simm.s32 @p2 $0x2;
	s0 =	simm.s32 @p2 $0x2B80;
	s1 =	simm.s32 @p2 $0x6C00  }
0xed: {  	[spmem:s3] =	stream.indirect.scatter.add.f32 @p2 [tilespmem:s1], [sflag:$0x2], $0x80, s0, s5, $0xb8;
	[tilespmem:$0x1EC00] =	vst v63  }
0xee: {  	s0 =	simm.s32 @!p2 $0x2;
	s1 =	simm.s32 @!p2 $0x6C00;
	_ =	swait.ge @p2 [sflag:s7], $0x3E80  }
.Ltmp1:
0xef: {  	s5 =	simm.s32 @!p2 $0x7D;
	[sflag:s7] =	ssyncset.done @p2 $0x0;
	(pc) =	sbr.rel @p1 .LBB2_4-.Ltmp1, $4  }
0xf0: {  	s0 =	simm.s32 @p2 $0x1;
	[sflag:s7] =	ssyncadd.s32 @p2 $0xFFFFC180;
	s7 =	simm.s32 @!p2 $0x2B80  }
0xf1: {  	[spmem:s3] =	stream.indirect.scatter.add.f32 @!p2 [tilespmem:s1], [sflag:$0x2], $0x80, s7, s5, $0xb8;
	[tilespmem:$0x1EC00] =	vst v63  }
0xf2: {  	_ =	swait.ge [sflag:s0], $0x3E80  }
0xf3: {  	s30 =	sadd.s32 $0x8, s30;
	[sflag:s0] =	ssyncset.done $0x0  }
0xf4: {  	[sflag:s0] =	ssyncadd.s32 $0xFFFFC180  }
0xf5: {  	s0 =	simm.s32 @p0 $0x1FC1;
	[bflag:$0x0] =	sbarrier.arrive $0xFFFF  }
0xf6: {  	[hbm:s8], [sflag:s0] =	dma.local @p0 [spmem:s25], $0x1900  }
0xf7: {  	s1 =	stileid.u32;
	s0 =	simm.s32 @p0 $0x1  }
0xf8: {  	s28 =	sadd.s32 $0x1, s28;
	s1 =	sshll.u32 @!p0 s1, $0x6;
	_ =	swait.ge @p0 [sflag:s0], $0x1900  }
0xf9: {  	p1 =	sne.s32 s28, s9;
	[sflag:s0] =	ssyncset.done @p0 $0x0;
	s5 =	rddreg [dreg:$0xb]  }
0xfa: {  	[sflag:s0] =	ssyncadd.s32 @p0 $0xFFFFE700;
	s0 =	sor.u32 @!p0 $0x1C01, s1;
	s1 =	sshrl.u32 @!p0 s6, $0x3  }
0xfb: {  	[hbm:s5], [sflag:s0] =	dma.local @!p0 [spmem:s1], $0x2800  }
.Ltmp2:
0xfc: {  	_ = 	snop;
	(pc) =	sbr.rel @p1 .LBB2_1-.Ltmp2, $4  }
0xfd: {  	s0 =	simm.s32 @!p0 $0x1  }
0xfe: {  	_ =	swait.ge @!p0 [sflag:s0], $0x2800  }
0xff: {  	[sflag:s0] =	ssyncset.done @!p0 $0x0  }
0x100: {  	[sflag:s0] =	ssyncadd.s32 @!p0 $0xFFFFD800  }
0x101: {  	_ =	sfence.sel $0x180000  }
0x102: {  	[bflag:$0x0] =	sbarrier.arrive $0xFFFF  }
0x103: {  	_ =	strace $0x9000004D  }
0x104: {  	s0 =	stileid.u32;
	[bflag:$0x2] =	sbarrier.arrive $0xFFFF  }
0x105: {  	p0 =	sne.s32 s0, $0x0;
	s0 =	rddreg [dreg:$0x3]  }
0x106: {  	s0 =	sadd.s32 @!p0 $0x100000, s0  }
0x107: {  	[sflag:s0] =	ssyncadd.tile.s32 @!p0 $0x1;
	_ =	shalt  }
.Lfunc_end2:
_tile_overlayer_lowered:
.L_overlay_start_2:
0x108: {  	(tag) =	ssettag $0x2  }
0x109: {  	s0 =	rddreg [dreg:$0x0];
	s2 =	stileid.u32  }
0x10a: {  	s1 =	rddreg [dreg:$0x1];
	p0 =	sne.s32 s2, $0x0  }
0x10b: {  	s3 =	rddreg [dreg:$0x2];
	[bflag:$0x3] =	sbarrier.arrive $0xFFFF;
	s2 =	simm.s32 @!p0 $0x1C01  }
0x10c: {  	[timem:s3], [sflag:s2] =	dma.local @!p0 [hbm:s0], s1  }
0x10d: {  	s0 =	simm.s32 @!p0 $0x1  }
0x10e: {  	_ =	swait.ge @!p0 [sflag:s0], s1  }
0x10f: {  	s1 =	ssub.s32 @!p0 $0x0, s1;
	[sflag:s0] =	ssyncset.done @!p0 $0x0  }
0x110: {  	[sflag:s0] =	ssyncadd.s32 @!p0 s1  }
0x111: {  	[bflag:$0x3] =	sbarrier.arrive $0xFFFF  }
0x112: {  	_ =	shalt  }

// kernel: kernel.8.cloned.1.call-start
scs
__scs_entry_jumppad:
0x0: {  	(pc) =	sbr.rel $0x88, $3  }
0x1: {  	(tag) =	ssettag $0x0;
	lr =	simm.s32 $0x1  }
0x2: {  	[smem:$0x3F9B] =	sst lr;
	_ =	strace $0xD0000000  }
0x3: {  	_ = 	snop  }
0x4: {  	_ = 	snop  }
0x5: {  	_ = 	snop  }
0x6: {  	_ = 	snop  }
0x7: {  	_ = 	snop  }
__scs_overlays_trampoline_lowered:
0x8: {  	[smem:$0x3FAA] =	sst s0  }
0x9: {  	[smem:$0x3FAB] =	sst s1  }
0xa: {  	[smem:$0x3FAC] =	sst s2  }
0xb: {  	[smem:$0x3FAD] =	sst s3  }
0xc: {  	[smem:$0x3FAE] =	sst s4  }
0xd: {  	[smem:$0x3FAF] =	sst s5  }
0xe: {  	[smem:$0x3FB0] =	sst s6  }
0xf: {  	[smem:$0x3FB1] =	sst s7  }
0x10: {  	[smem:$0x3FB2] =	sst s8  }
0x11: {  	[smem:$0x3FB3] =	sst s9;
	s0 =	simm.s32 @!p0 $0x0  }
0x12: {  	s1 =	sld [smem:$0x3F99];
	s0 =	simm.s32 @p0 $0x1  }
0x13: {  	[smem:$0x3FB4] =	sst s0;
	s0 =	simm.s32 @!p1 $0x0  }
0x14: {  	s2 =	sld [smem:$0x3F98];
	s0 =	simm.s32 @p1 $0x1  }
0x15: {  	[smem:$0x3FB5] =	sst s0;
	s0 =	simm.s32 @!p2 $0x0  }
0x16: {  	s3 =	sld [smem:$0x3FDB];
	s0 =	simm.s32 @p2 $0x1  }
0x17: {  	s4 =	simm.s32 $0x1BF5;
	[smem:$0x3FB7] =	sst s0  }
0x18: {  	s0 =	sld [smem:$0x3F9A];
	_ =	swait.ge [sflag:s4], $0x0  }
0x19: {  	s7 =	sld [smem:$0x3F9B]  }
0x1a: {  	s8 =	sadd.s32 $0xFFFFE003, lr  }
0x1b: {  	s9 =	sadd.s32 $0xFFFFFEF7, lr;
	s5 =	simm.s32 $0xFFFFFFFF;
	p2 =	slt.u32 s8, $0xFFFFF086  }
0x1c: {  	p1 =	slt.u32 s9, $0xF7A;
	s5 =	simm.s32 @!p2 $0x0  }
0x1d: {  	s5 =	simm.s32 @p1 $0x1;
	p0 =	seq.s32 s7, s2  }
0x1e: {  	s7 =	smul.u32 @!p0 $0xF7A, s2;
	p2 =	seq.s32 @!p0 s5, $0x0  }
0x1f: {  	s9 =	smul.u32 $0xF7A, s1;
	s8 =	simm.s32 @!p0 $0x1BF5;
	p2 =	por !p2, p0  }
0x20: {  	[sflag:s8] =	ssyncset.s32 @!p0 $0xFFFFF086;
	s6 =	sadd.s32 @!p0 s3, s7;
	s7 =	simm.s32 @!p0 $0x108  }
0x21: {  	s3 =	sadd.s32 s3, s9;
	s6 =	sadd.s32 @!p0 $0x88, s6;
	s7 =	simm.s32 @p2 $0x1082  }
0x22: {  	[simem:s7], [sflag:s8] =	dma.local @!p0 [hbm:s6], $0xF7A  }
0x23: {  	s9 =	sor.u32 $0xD0000000, s2;
	s6 =	simm.s32 $0x108;
	_ =	swait.ge @!p0 [sflag:s8], $0x0  }
0x24: {  	s3 =	sadd.s32 $0x88, s3;
	s6 =	simm.s32 @!p1 $0x1082;
	[sflag:s4] =	ssyncset.s32 $0xFFFFF086  }
0x25: {  	[simem:s6], [sflag:s4] =	dma.local [hbm:s3], $0xF7A  }
0x26: {  	[smem:$0x3F9B] =	sst s1;
	(tag) =	ssettag s2;
	_ =	strace s9  }
0x27: {  	s1 =	sld [smem:$0x3FAB]  }
0x28: {  	s2 =	sld [smem:$0x3FAC]  }
0x29: {  	s4 =	sld [smem:$0x3FAE]  }
0x2a: {  	p0 =	seq.s32 s5, $0x0;
	s5 =	sld [smem:$0x3FAF]  }
0x2b: {  	s6 =	sld [smem:$0x3FB0]  }
0x2c: {  	s7 =	sld [smem:$0x3FB1]  }
0x2d: {  	s3 =	simm.s32 $0x108;
	s8 =	sld [smem:$0x3FB2]  }
0x2e: {  	s3 =	simm.s32 @!p0 $0x1082;
	s9 =	sld [smem:$0x3FB3]  }
0x2f: {  	lr =	sadd.s32 s0, s3;
	s0 =	sld [smem:$0x3FAA]  }
0x30: {  	s3 =	sld [smem:$0x3FAD]  }
0x31: {  	[smem:$0x3FB6] =	sst s10  }
0x32: {  	s10 =	sld [smem:$0x3FB4];
	_ =	sdelay $0x3  }
0x33: {  	p0 =	seq.s32 s10, $0x1;
	s10 =	sld [smem:$0x3FB6];
	_ =	sdelay $0x3  }
0x34: {  	[smem:$0x3FB6] =	sst s10  }
0x35: {  	s10 =	sld [smem:$0x3FB5];
	_ =	sdelay $0x3  }
0x36: {  	p1 =	seq.s32 s10, $0x1;
	s10 =	sld [smem:$0x3FB6];
	_ =	sdelay $0x3  }
0x37: {  	[smem:$0x3FB6] =	sst s10  }
0x38: {  	s10 =	sld [smem:$0x3FB7]  }
0x39: {  	_ = 	snop;
	(pc) =	sbr.ind lr, $3  }
0x3a: {  	_ = 	snop  }
0x3b: {  	_ = 	snop  }
0x3c: {  	p2 =	seq.s32 s10, $0x1;
	s10 =	sld [smem:$0x3FB6]  }
0x3d: {  	_ =	shalt  }
0x3e: {  	_ =	shalt  }
0x3f: {  	_ =	shalt  }
0x40: {  	_ =	shalt  }
0x41: {  	_ =	shalt  }
0x42: {  	_ =	shalt  }
0x43: {  	_ =	shalt  }
0x44: {  	_ =	shalt  }
0x45: {  	_ =	shalt  }
0x46: {  	_ =	shalt  }
0x47: {  	_ =	shalt  }
0x48: {  	_ =	shalt  }
0x49: {  	_ =	shalt  }
0x4a: {  	_ =	shalt  }
0x4b: {  	_ =	shalt  }
0x4c: {  	_ =	shalt  }
0x4d: {  	_ =	shalt  }
0x4e: {  	_ =	shalt  }
0x4f: {  	_ =	shalt  }
0x50: {  	_ =	shalt  }
0x51: {  	_ =	shalt  }
0x52: {  	_ =	shalt  }
0x53: {  	_ =	shalt  }
0x54: {  	_ =	shalt  }
0x55: {  	_ =	shalt  }
0x56: {  	_ =	shalt  }
0x57: {  	_ =	shalt  }
0x58: {  	_ =	shalt  }
0x59: {  	_ =	shalt  }
0x5a: {  	_ =	shalt  }
0x5b: {  	_ =	shalt  }
0x5c: {  	_ =	shalt  }
0x5d: {  	_ =	shalt  }
0x5e: {  	_ =	shalt  }
0x5f: {  	_ =	shalt  }
0x60: {  	_ =	shalt  }
0x61: {  	_ =	shalt  }
0x62: {  	_ =	shalt  }
0x63: {  	_ =	shalt  }
0x64: {  	_ =	shalt  }
0x65: {  	_ =	shalt  }
0x66: {  	_ =	shalt  }
0x67: {  	_ =	shalt  }
0x68: {  	_ =	shalt  }
0x69: {  	_ =	shalt  }
0x6a: {  	_ =	shalt  }
0x6b: {  	_ =	shalt  }
0x6c: {  	_ =	shalt  }
0x6d: {  	_ =	shalt  }
0x6e: {  	_ =	shalt  }
0x6f: {  	_ =	shalt  }
0x70: {  	_ =	shalt  }
0x71: {  	_ =	shalt  }
0x72: {  	_ =	shalt  }
0x73: {  	_ =	shalt  }
0x74: {  	_ =	shalt  }
0x75: {  	_ =	shalt  }
0x76: {  	_ =	shalt  }
0x77: {  	_ =	shalt  }
0x78: {  	_ =	shalt  }
0x79: {  	_ =	shalt  }
0x7a: {  	_ =	shalt  }
0x7b: {  	_ =	shalt  }
0x7c: {  	_ =	shalt  }
0x7d: {  	_ =	shalt  }
0x7e: {  	_ =	shalt  }
0x7f: {  	_ =	shalt  }
0x80: {  	_ =	shalt  }
0x81: {  	_ =	shalt  }
0x82: {  	_ =	shalt  }
0x83: {  	_ =	shalt  }
0x84: {  	_ =	shalt  }
0x85: {  	_ =	shalt  }
0x86: {  	_ =	shalt  }
0x87: {  	_ =	shalt  }
.Lfunc_end0:
.L_simem_size_0:
called_computation_lowered:
.L_overlay_start_0:
0x88: {  	s2 =	sld [smem:$0x3FD9]  }
0x89: {  	s3 =	sld [smem:$0x3FFE];
	_ =	sdelay $0x1  }
0x8a: {  	s1 =	srdreg.scid  }
0x8b: {  	s0 =	sand.u32 $0x1, s1  }
0x8c: {  	s16 =	sshll.u32 s0, $0xA;
	s2 =	sadd.s32 s3, s2  }
0x8d: {  	s2 =	sadd.s32 s2, s16  }
0x8e: {  	[smem:$0x3FC2] =	sst s2  }
0x8f: {  	_ = 	snop  }
0x90: {  	(tm) =	ssettm $0x1  }
0x91: {  	s17 =	sld [smem:$0x3FFB];
	_ =	sdelay $0x3  }
0x92: {  	_ =	strace s17  }
0x93: {  	s2 =	sld [smem:$0x3FFC];
	_ =	sdelay $0x3  }
0x94: {  	_ =	strace s2  }
0x95: {  	s2 =	sld [smem:$0x3FFD];
	_ =	sdelay $0x3  }
0x96: {  	_ =	strace s2  }
0x97: {  	_ =	strace $0x8FFFFFFF  }
0x98: {  	s18 =	sld [smem:$0x3FDB];
	_ =	sdelay $0x1  }
0x99: {  	s19 =	simm.s32 $_scs_section_size  }
0x9a: {  	s4 =	simm.s32 $_size__tile_overlayer_lowered;
	s5 =	simm.s32 $_tile_overlayer_lowered  }
0x9b: {  	s22 =	simm.s32 $0x1BFF;
	s21 =	sshll.u32 s5, $0x1;
	s2 =	sadd.s32 s19, s18  }
0x9c: {  	s6 =	simm.s32 $0x0;
	s20 =	sshll.u32 s4, $0x1;
	s4 =	sadd.s32 s21, s2  }
0x9d: {  	[timem:s6], [sflag:s22] =	dma.local [hbm:s4], s20  }
0x9e: {  	_ =	swait.ge [sflag:s22], s20  }
0x9f: {  	s3 =	ssub.s32 $0x0, s20;
	[sflag:s22] =	ssyncset.done $0x0  }
0xa0: {  	[sflag:s22] =	ssyncadd.s32 s3;
	_ =	sdelay $0x1  }
0xa1: {  	s23 =	simm.s32 $0x1B8B  }
0xa2: {  	_ =	swait.ge [sflag:s23], $0x1  }
0xa3: {  	[sflag:s23] =	ssyncset.done $0x0  }
0xa4: {  	s25 =	simm.s32 $0x1B8E;
	s24 =	sld [smem:$0x3FFE];
	[sflag:s23] =	ssyncadd.s32 $0xFFFFFFFF  }
0xa5: {  	s26 =	simm.s32 $execute0_lowered;
	[smem:$0x3FD2] =	sst s25  }
0xa6: {  	s4 =	sshll.u32 s26, $0x1;
	_ =	strace $0x80000046;
	[dreg:$0x1] =	wrdreg $0xFFFFFFFF  }
0xa7: {  	s28 =	simm.s32 $_size_execute0_lowered;
	s2 =	sadd.s32 s2, s4;
	[dreg:$0x0] =	wrdreg $0x0  }
0xa8: {  	s4 =	sshll.u32 s28, $0x1;
	[dreg:$0x2] =	wrdreg s2  }
0xa9: {  	[dreg:$0x3] =	wrdreg s4  }
0xaa: {  	[dreg:$0x4] =	wrdreg $0xC0  }
0xab: {  	_ =	task [dreg:s6], $0x5FFFF  }
0xac: {  	[dreg:$0x1] =	wrdreg $0xFFFFFFFF  }
0xad: {  	[dreg:$0x0] =	wrdreg $0x60  }
0xae: {  	[dreg:$0x2] =	wrdreg s24  }
0xaf: {  	[dreg:$0x3] =	wrdreg $0x7C000  }
0xb0: {  	[dreg:$0x4] =	wrdreg $0x9  }
0xb1: {  	_ =	task.clear_ibuf [dreg:s6], $0x5FFFF;
	_ =	strace $0x90000046  }
0xb2: {  	s29 =	simm.s32 $0x9;
	_ =	strace $0x80000048  }
0xb3: {  	_ =	swait.ge [sflag:s29], $0x1  }
0xb4: {  	[sflag:s29] =	ssyncadd.s32 $0xFFFFFFFF  }
0xb5: {  	_ =	strace $0x90000048  }
0xb6: {  	_ =	sfence  }
0xb7: {  	s30 =	sld [smem:$0x0];
	_ =	sdelay $0x2  }
0xb8: {  	s31 =	sshll.u32 s1, $0xD;
	s1 =	sshrl.u32 s1, $0x2  }
0xb9: {  	s3 =	sand.u32 $0x4000, s31;
	s1 =	sadd.s32 s1, s30  }
0xba: {  	s0 =	sor.u32 s3, s0;
	s1 =	sshll.u32 s1, $0x11  }
0xbb: {  	s0 =	sor.u32 s1, s0  }
0xbc: {  	s0 =	sadd.s32 $0x8F2B, s0  }
0xbd: {  	[sflag:s0] =	ssyncadd.remote.s32 $0x1  }
0xbe: {  	_ =	sfence.sel $0xFFFF  }
0xbf: {  	[dreg:$0x0] =	wrdreg $0xFFFFFFFF;
	(pc) =	sbr.abs _section_cstart, $3  }
0xc0: {  	[dreg:$0x1] =	wrdreg $0xFFFFFFFF  }
0xc1: {  	_ =	task.clear_ibuf [dreg:s6], $0x2FFFF;
	_ =	strace $0x9FFFFFFF  }
0xc2: {  	(tm) =	ssettm $0x7FFFFFFF  }
0xc3: {  	_ =	shalt  }
tec
execute0_lowered:
.L_overlay_start_1:
0x0: {  	(tag) =	ssettag $0x1  }
0x1: {  	s0 =	srdreg.scid  }
0x2: {  	s1 =	rddreg [dreg:$0x0];
	s7 =	stileid.u32  }
0x3: {  	s2 =	rddreg [dreg:$0x1];
	s4 =	simm.s32 $0x0;
	s28 =	simm.s32 $0x7D  }
0x4: {  	s29 =	simm.s32 $0x2800;
	s30 =	simm.s32 $0x2;
	s31 =	simm.s32 $0x3  }
0x5: {  	s0 =	sand.u32 $0x1, s0;
	[smem:$0x7FF] =	sst s4;
	s5 =	smul.u32 $0x14000, s7  }
0x6: {  	s21 =	smul.u32 $0x50000, s7;
	p0 =	seq.s32 s7, $0xF;
	s3 =	sshll.u32 s0, $0x4  }
0x7: {  	s20 =	smul.u32 $0x138800, s0;
	_ =	strace $0x80000047;
	s0 =	ssub.s32 $0x2, s0  }
0x8: {  	s3 =	sor.u32 s7, s3;
	s6 =	sshrl.u32 s0, $0x1;
	s23 =	sshrl.u32 s21, $0x2  }
0x9: {  	s7 =	simm.s32 $0x0;
	s3 =	smul.u32 $0x500, s3;
	s0 =	ssub.s32 s0, s6  }
0xa: {  	s5 =	sadd.s32 s5, s20;
	s4 =	sshrl.u32 s20, $0x3;
	s6 =	sadd.s32 s23, s2  }
0xb: {  	s22 =	sshrl.u32 s5, $0x3;
	s0 =	smax.u32 s0, $0x1;
	s24 =	sadd.s32 $0x1400, s6  }
0xc: {  	s25 =	sadd.s32 $0x2800, s6;
	s26 =	sadd.s32 $0x3C00, s6;
	s12 =	sadd.s32 $0x5000, s6  }
0xd: {  	s13 =	sadd.s32 $0x6400, s6;
	s14 =	sadd.s32 $0x7800, s6;
	s15 =	sadd.s32 $0x8C00, s6  }
0xe: {  	s16 =	sadd.s32 $0xA000, s6;
	s17 =	sadd.s32 $0xB400, s6;
	s18 =	sadd.s32 $0xC800, s6  }
0xf: {  	s19 =	sadd.s32 $0xDC00, s6;
	s20 =	sadd.s32 $0xF000, s6;
	[dreg:$0x6] =	wrdreg s0  }
0x10: {  	s21 =	sadd.s32 $0x10400, s6;
	s23 =	sadd.s32 $0x12C00, s6;
	[dreg:$0x7] =	wrdreg s24  }
0x11: {  	s5 =	simm.s32 $0x8;
	s3 =	sadd.s32 s3, s1;
	[dreg:$0x8] =	wrdreg s25  }
0x12: {  	s1 =	sadd.s32 $0xBE00, s1;
	[dreg:$0x9] =	wrdreg s26;
	s24 =	simm.s32 $0x1  }
0x13: {  	s26 =	simm.s32 $0x6800;
	s0 =	simm.s32 $0x6;
	s3 =	sadd.s32 $0x1E00, s3  }
0x14: {  	[dreg:$0x3] =	wrdreg s3;
	s3 =	sadd.s32 s1, s22;
	s1 =	sadd.s32 s1, s4  }
0x15: {  	s22 =	sadd.s32 $0x11800, s6;
	[dreg:$0x4] =	wrdreg s3;
	s1 =	sadd.s32 $0x25800, s1  }
0x16: {  	s4 =	simm.s32 $0x7;
	[dreg:$0x5] =	wrdreg s1;
	s1 =	sadd.s32 $0x12C000, s2  }
0x17: {  	v0 =	vimm.f32 $1.000000000e+00;
	v1 =	vimm.f32 $0.0e+00;
	s3 =	simm.s32 $0x5;
	s25 =	sshrl.u32 @p0 s1, $0x3;
	s1 =	simm.s32 $0x4  }
.LBB2_1:
0x18: {  	s8 =	simm.s32 $0x0;
	s9 =	rddreg [dreg:$0x3]  }
0x19: {  	[tilespmem:s8], [sflag:$0x1] =	stream.linear.gather [hbm4b:s9+s8], $0x2800, $0x38;
	[tilespmem:$0xA400] =	vst v63  }
0x1a: {  	_ =	swait.ge [sflag:s24], $0x2800  }
0x1b: {  	[sflag:s24] =	ssyncset.done $0x0  }
0x1c: {  	s8 =	simm.s32 $0x200;
	s9 =	simm.s32 $0x0;
	[sflag:s24] =	ssyncadd.s32 $0xFFFFD800  }
.LBB2_2:
0x1d: {  	p1 =	sne.s32 s8, $0xF800;
	[tilespmem:s9+$0x2800] =	vst v0;
	s9 =	smov.u32 s8;
	s8 =	sadd.s32 $0x200, s8  }
.Ltmp0:
0x1e: {  	(pc) =	sbr.rel @p1 .LBB2_2-.Ltmp0, $2  }
0x1f: {  	_ =	sdelay $0x2  }
0x20: {  	s9 =	sshra.s32 s9, $0x2  }
0x21: {  	[tilespmem:s9+$0x2800] =	vst v0  }
0x22: {  	[tilespmem:$0x6800] =	vst v1  }
0x23: {  	[tilespmem:$0x6880] =	vst v1  }
0x24: {  	[tilespmem:$0x6900] =	vst v1  }
0x25: {  	[tilespmem:$0x6980] =	vst v1  }
0x26: {  	[tilespmem:$0x6A00] =	vst v1  }
0x27: {  	[tilespmem:$0x6A80] =	vst v1  }
0x28: {  	[tilespmem:$0x6B00] =	vst v1  }
0x29: {  	[tilespmem:$0x6B80] =	vst v1  }
0x2a: {  	[tilespmem:$0x6C00] =	vst v1  }
0x2b: {  	[tilespmem:$0x6C80] =	vst v1  }
0x2c: {  	[tilespmem:$0x6D00] =	vst v1  }
0x2d: {  	[tilespmem:$0x6D80] =	vst v1  }
0x2e: {  	[tilespmem:$0x6E00] =	vst v1  }
0x2f: {  	[tilespmem:$0x6E80] =	vst v1  }
0x30: {  	[tilespmem:$0x6F00] =	vst v1  }
0x31: {  	[tilespmem:$0x6F80] =	vst v1  }
0x32: {  	[tilespmem:$0x7000] =	vst v1  }
0x33: {  	[tilespmem:$0x7080] =	vst v1  }
0x34: {  	[tilespmem:$0x7100] =	vst v1  }
0x35: {  	[tilespmem:$0x7180] =	vst v1  }
0x36: {  	[tilespmem:$0x7200] =	vst v1  }
0x37: {  	[tilespmem:$0x7280] =	vst v1  }
0x38: {  	[tilespmem:$0x7300] =	vst v1  }
0x39: {  	[tilespmem:$0x7380] =	vst v1  }
0x3a: {  	[tilespmem:$0x7400] =	vst v1  }
0x3b: {  	[tilespmem:$0x7480] =	vst v1  }
0x3c: {  	[tilespmem:$0x7500] =	vst v1  }
0x3d: {  	[tilespmem:$0x7580] =	vst v1  }
0x3e: {  	[tilespmem:$0x7600] =	vst v1  }
0x3f: {  	[tilespmem:$0x7680] =	vst v1  }
0x40: {  	[tilespmem:$0x7700] =	vst v1  }
0x41: {  	[tilespmem:$0x7780] =	vst v1  }
0x42: {  	[tilespmem:$0x7800] =	vst v1  }
0x43: {  	[tilespmem:$0x7880] =	vst v1  }
0x44: {  	[tilespmem:$0x7900] =	vst v1  }
0x45: {  	[tilespmem:$0x7980] =	vst v1  }
0x46: {  	[tilespmem:$0x7A00] =	vst v1  }
0x47: {  	[tilespmem:$0x7A80] =	vst v1  }
0x48: {  	[tilespmem:$0x7B00] =	vst v1  }
0x49: {  	[tilespmem:$0x7B80] =	vst v1  }
0x4a: {  	[spmem:s6] =	stream.linear.scatter [tilespmem:s26], [sflag:$0x1], $0x1400, $0x38;
	[tilespmem:$0xA400] =	vst v63  }
0x4b: {  	_ =	swait.ge [sflag:s24], $0x1400  }
0x4c: {  	[sflag:s24] =	ssyncset.done $0x0  }
0x4d: {  	s8 =	rddreg [dreg:$0x7];
	[sflag:s24] =	ssyncadd.s32 $0xFFFFEC00  }
0x4e: {  	[spmem:s8] =	stream.linear.scatter [tilespmem:s26], [sflag:$0x1], $0x1400, $0x38;
	[tilespmem:$0xA400] =	vst v63  }
0x4f: {  	_ =	swait.ge [sflag:s24], $0x1400  }
0x50: {  	[sflag:s24] =	ssyncset.done $0x0  }
0x51: {  	s11 =	rddreg [dreg:$0x8];
	[sflag:s24] =	ssyncadd.s32 $0xFFFFEC00  }
0x52: {  	[spmem:s11] =	stream.linear.scatter [tilespmem:s26], [sflag:$0x1], $0x1400, $0x38;
	[tilespmem:$0xA400] =	vst v63  }
0x53: {  	_ =	swait.ge [sflag:s24], $0x1400  }
0x54: {  	[sflag:s24] =	ssyncset.done $0x0  }
0x55: {  	s9 =	rddreg [dreg:$0x9];
	[sflag:s24] =	ssyncadd.s32 $0xFFFFEC00  }
0x56: {  	[spmem:s9] =	stream.linear.scatter [tilespmem:s26], [sflag:$0x1], $0x1400, $0x38;
	[tilespmem:$0xA400] =	vst v63  }
0x57: {  	_ =	swait.ge [sflag:s24], $0x1400  }
0x58: {  	[sflag:s24] =	ssyncset.done $0x0  }
0x59: {  	[sflag:s24] =	ssyncadd.s32 $0xFFFFEC00  }
0x5a: {  	[spmem:s12] =	stream.linear.scatter [tilespmem:s26], [sflag:$0x1], $0x1400, $0x38;
	[tilespmem:$0xA400] =	vst v63  }
0x5b: {  	_ =	swait.ge [sflag:s24], $0x1400  }
0x5c: {  	[sflag:s24] =	ssyncset.done $0x0  }
0x5d: {  	[sflag:s24] =	ssyncadd.s32 $0xFFFFEC00  }
0x5e: {  	[spmem:s13] =	stream.linear.scatter [tilespmem:s26], [sflag:$0x1], $0x1400, $0x38;
	[tilespmem:$0xA400] =	vst v63  }
0x5f: {  	_ =	swait.ge [sflag:s24], $0x1400  }
0x60: {  	[sflag:s24] =	ssyncset.done $0x0  }
0x61: {  	[sflag:s24] =	ssyncadd.s32 $0xFFFFEC00  }
0x62: {  	[spmem:s14] =	stream.linear.scatter [tilespmem:s26], [sflag:$0x1], $0x1400, $0x38;
	[tilespmem:$0xA400] =	vst v63  }
0x63: {  	_ =	swait.ge [sflag:s24], $0x1400  }
0x64: {  	[sflag:s24] =	ssyncset.done $0x0  }
0x65: {  	[sflag:s24] =	ssyncadd.s32 $0xFFFFEC00  }
0x66: {  	[spmem:s15] =	stream.linear.scatter [tilespmem:s26], [sflag:$0x1], $0x1400, $0x38;
	[tilespmem:$0xA400] =	vst v63  }
0x67: {  	_ =	swait.ge [sflag:s24], $0x1400  }
0x68: {  	[sflag:s24] =	ssyncset.done $0x0  }
0x69: {  	[sflag:s24] =	ssyncadd.s32 $0xFFFFEC00  }
0x6a: {  	[spmem:s16] =	stream.linear.scatter [tilespmem:s26], [sflag:$0x1], $0x1400, $0x38;
	[tilespmem:$0xA400] =	vst v63  }
0x6b: {  	_ =	swait.ge [sflag:s24], $0x1400  }
0x6c: {  	[sflag:s24] =	ssyncset.done $0x0  }
0x6d: {  	[sflag:s24] =	ssyncadd.s32 $0xFFFFEC00  }
0x6e: {  	[spmem:s17] =	stream.linear.scatter [tilespmem:s26], [sflag:$0x1], $0x1400, $0x38;
	[tilespmem:$0xA400] =	vst v63  }
0x6f: {  	_ =	swait.ge [sflag:s24], $0x1400  }
0x70: {  	[sflag:s24] =	ssyncset.done $0x0  }
0x71: {  	[sflag:s24] =	ssyncadd.s32 $0xFFFFEC00  }
0x72: {  	[spmem:s18] =	stream.linear.scatter [tilespmem:s26], [sflag:$0x1], $0x1400, $0x38;
	[tilespmem:$0xA400] =	vst v63  }
0x73: {  	_ =	swait.ge [sflag:s24], $0x1400  }
0x74: {  	[sflag:s24] =	ssyncset.done $0x0  }
0x75: {  	[sflag:s24] =	ssyncadd.s32 $0xFFFFEC00  }
0x76: {  	[spmem:s19] =	stream.linear.scatter [tilespmem:s26], [sflag:$0x1], $0x1400, $0x38;
	[tilespmem:$0xA400] =	vst v63  }
0x77: {  	_ =	swait.ge [sflag:s24], $0x1400  }
0x78: {  	[sflag:s24] =	ssyncset.done $0x0  }
0x79: {  	[sflag:s24] =	ssyncadd.s32 $0xFFFFEC00  }
0x7a: {  	[spmem:s20] =	stream.linear.scatter [tilespmem:s26], [sflag:$0x1], $0x1400, $0x38;
	[tilespmem:$0xA400] =	vst v63  }
0x7b: {  	_ =	swait.ge [sflag:s24], $0x1400  }
0x7c: {  	[sflag:s24] =	ssyncset.done $0x0  }
0x7d: {  	[sflag:s24] =	ssyncadd.s32 $0xFFFFEC00  }
0x7e: {  	[spmem:s21] =	stream.linear.scatter [tilespmem:s26], [sflag:$0x1], $0x1400, $0x38;
	[tilespmem:$0xA400] =	vst v63  }
0x7f: {  	_ =	swait.ge [sflag:s24], $0x1400  }
0x80: {  	[sflag:s24] =	ssyncset.done $0x0  }
0x81: {  	[sflag:s24] =	ssyncadd.s32 $0xFFFFEC00  }
0x82: {  	[spmem:s22] =	stream.linear.scatter [tilespmem:s26], [sflag:$0x1], $0x1400, $0x38;
	[tilespmem:$0xA400] =	vst v63  }
0x83: {  	_ =	swait.ge [sflag:s24], $0x1400  }
0x84: {  	[sflag:s24] =	ssyncset.done $0x0  }
0x85: {  	[sflag:s24] =	ssyncadd.s32 $0xFFFFEC00  }
0x86: {  	[spmem:s23] =	stream.linear.scatter [tilespmem:s26], [sflag:$0x1], $0x1400, $0x38;
	[tilespmem:$0xA400] =	vst v63  }
0x87: {  	_ =	swait.ge [sflag:s24], $0x1400  }
0x88: {  	[sflag:s24] =	ssyncset.done $0x0  }
0x89: {  	[sflag:s24] =	ssyncadd.s32 $0xFFFFEC00  }
0x8a: {  	s10 =	simm.s32 $0x0;
	[bflag:$0x0] =	sbarrier.arrive $0xFFFF  }
0x8b: {  	[spmem:s2] =	stream.indirect.scatter.add.f32 [tilespmem:s29], [sflag:$0x1], $0x10, s10, s28, $0xb8;
	[tilespmem:$0xA400] =	vst v63  }
0x8c: {  	s11 =	simm.s32 $0x80  }
0x8d: {  	[spmem:s2] =	stream.indirect.scatter.add.f32 [tilespmem:s29], [sflag:$0x2], $0x10, s11, s28, $0xb8;
	[tilespmem:$0xA400] =	vst v63  }
0x8e: {  	s9 =	simm.s32 $0x100  }
0x8f: {  	[spmem:s2] =	stream.indirect.scatter.add.f32 [tilespmem:s29], [sflag:$0x3], $0x10, s9, s28, $0xb8;
	[tilespmem:$0xA400] =	vst v63  }
0x90: {  	s10 =	simm.s32 $0x180  }
0x91: {  	[spmem:s2] =	stream.indirect.scatter.add.f32 [tilespmem:s29], [sflag:$0x4], $0x10, s10, s28, $0xb8;
	[tilespmem:$0xA400] =	vst v63  }
0x92: {  	s11 =	simm.s32 $0x200  }
0x93: {  	[spmem:s2] =	stream.indirect.scatter.add.f32 [tilespmem:s29], [sflag:$0x5], $0x10, s11, s28, $0xb8;
	[tilespmem:$0xA400] =	vst v63  }
0x94: {  	s9 =	simm.s32 $0x280  }
0x95: {  	[spmem:s2] =	stream.indirect.scatter.add.f32 [tilespmem:s29], [sflag:$0x6], $0x10, s9, s28, $0xb8;
	[tilespmem:$0xA400] =	vst v63  }
0x96: {  	s10 =	simm.s32 $0x300  }
0x97: {  	[spmem:s2] =	stream.indirect.scatter.add.f32 [tilespmem:s29], [sflag:$0x7], $0x10, s10, s28, $0xb8;
	[tilespmem:$0xA400] =	vst v63  }
0x98: {  	s11 =	simm.s32 $0x380  }
0x99: {  	[spmem:s2] =	stream.indirect.scatter.add.f32 [tilespmem:s29], [sflag:$0x8], $0x10, s11, s28, $0xb8;
	[tilespmem:$0xA400] =	vst v63  }
0x9a: {  	_ =	swait.ge [sflag:s24], $0x7D0  }
0x9b: {  	[sflag:s24] =	ssyncset.done $0x0  }
0x9c: {  	[sflag:s24] =	ssyncadd.s32 $0xFFFFF830  }
0x9d: {  	_ =	swait.ge [sflag:s30], $0x7D0  }
0x9e: {  	[sflag:s30] =	ssyncset.done $0x0  }
0x9f: {  	[sflag:s30] =	ssyncadd.s32 $0xFFFFF830  }
0xa0: {  	_ =	swait.ge [sflag:s31], $0x7D0  }
0xa1: {  	[sflag:s31] =	ssyncset.done $0x0  }
0xa2: {  	[sflag:s31] =	ssyncadd.s32 $0xFFFFF830  }
0xa3: {  	_ =	swait.ge [sflag:s1], $0x7D0  }
0xa4: {  	[sflag:s1] =	ssyncset.done $0x0  }
0xa5: {  	[sflag:s1] =	ssyncadd.s32 $0xFFFFF830  }
0xa6: {  	_ =	swait.ge [sflag:s3], $0x7D0  }
0xa7: {  	[sflag:s3] =	ssyncset.done $0x0  }
0xa8: {  	[sflag:s3] =	ssyncadd.s32 $0xFFFFF830  }
0xa9: {  	_ =	swait.ge [sflag:s0], $0x7D0  }
0xaa: {  	[sflag:s0] =	ssyncset.done $0x0  }
0xab: {  	[sflag:s0] =	ssyncadd.s32 $0xFFFFF830  }
0xac: {  	_ =	swait.ge [sflag:s4], $0x7D0  }
0xad: {  	[sflag:s4] =	ssyncset.done $0x0  }
0xae: {  	[sflag:s4] =	ssyncadd.s32 $0xFFFFF830  }
0xaf: {  	_ =	swait.ge [sflag:s5], $0x7D0  }
0xb0: {  	s8 =	simm.s32 $0x1000;
	s9 =	simm.s32 $0x2000;
	[sflag:s5] =	ssyncset.done $0x0  }
.LBB2_4:
0xb1: {  	s11 =	sshra.s32 s8, $0x2  }
0xb2: {  	[sflag:s5] =	ssyncadd.s32 $0xFFFFF830;
	s8 =	smov.u32 s9;
	s10 =	sadd.s32 $0x1000, s9  }
0xb3: {  	[spmem:s2] =	stream.indirect.scatter.add.f32 [tilespmem:s29], [sflag:$0x1], $0x10, s11, s28, $0xb8;
	[tilespmem:$0xA400] =	vst v63  }
0xb4: {  	p1 =	sne.s32 s9, $0x9000;
	s9 =	sadd.s32 $0x80, s11  }
0xb5: {  	[spmem:s2] =	stream.indirect.scatter.add.f32 [tilespmem:s29], [sflag:$0x2], $0x10, s9, s28, $0xb8;
	[tilespmem:$0xA400] =	vst v63  }
0xb6: {  	s9 =	sadd.s32 $0x100, s11  }
0xb7: {  	[spmem:s2] =	stream.indirect.scatter.add.f32 [tilespmem:s29], [sflag:$0x3], $0x10, s9, s28, $0xb8;
	[tilespmem:$0xA400] =	vst v63  }
0xb8: {  	s9 =	sadd.s32 $0x180, s11  }
0xb9: {  	[spmem:s2] =	stream.indirect.scatter.add.f32 [tilespmem:s29], [sflag:$0x4], $0x10, s9, s28, $0xb8;
	[tilespmem:$0xA400] =	vst v63  }
0xba: {  	s9 =	sadd.s32 $0x200, s11  }
0xbb: {  	[spmem:s2] =	stream.indirect.scatter.add.f32 [tilespmem:s29], [sflag:$0x5], $0x10, s9, s28, $0xb8;
	[tilespmem:$0xA400] =	vst v63  }
0xbc: {  	s9 =	sadd.s32 $0x280, s11  }
0xbd: {  	[spmem:s2] =	stream.indirect.scatter.add.f32 [tilespmem:s29], [sflag:$0x6], $0x10, s9, s28, $0xb8;
	[tilespmem:$0xA400] =	vst v63  }
0xbe: {  	s9 =	sadd.s32 $0x300, s11  }
0xbf: {  	[spmem:s2] =	stream.indirect.scatter.add.f32 [tilespmem:s29], [sflag:$0x7], $0x10, s9, s28, $0xb8;
	[tilespmem:$0xA400] =	vst v63  }
0xc0: {  	s9 =	sadd.s32 $0x380, s11  }
0xc1: {  	[spmem:s2] =	stream.indirect.scatter.add.f32 [tilespmem:s29], [sflag:$0x8], $0x10, s9, s28, $0xb8;
	[tilespmem:$0xA400] =	vst v63  }
0xc2: {  	_ =	swait.ge [sflag:s24], $0x7D0  }
0xc3: {  	[sflag:s24] =	ssyncset.done $0x0  }
0xc4: {  	[sflag:s24] =	ssyncadd.s32 $0xFFFFF830  }
0xc5: {  	_ =	swait.ge [sflag:s30], $0x7D0  }
0xc6: {  	[sflag:s30] =	ssyncset.done $0x0  }
0xc7: {  	[sflag:s30] =	ssyncadd.s32 $0xFFFFF830  }
0xc8: {  	_ =	swait.ge [sflag:s31], $0x7D0  }
0xc9: {  	[sflag:s31] =	ssyncset.done $0x0  }
0xca: {  	[sflag:s31] =	ssyncadd.s32 $0xFFFFF830  }
0xcb: {  	_ =	swait.ge [sflag:s1], $0x7D0  }
0xcc: {  	[sflag:s1] =	ssyncset.done $0x0  }
0xcd: {  	[sflag:s1] =	ssyncadd.s32 $0xFFFFF830  }
0xce: {  	_ =	swait.ge [sflag:s3], $0x7D0  }
0xcf: {  	[sflag:s3] =	ssyncset.done $0x0  }
0xd0: {  	[sflag:s3] =	ssyncadd.s32 $0xFFFFF830  }
0xd1: {  	_ =	swait.ge [sflag:s0], $0x7D0  }
0xd2: {  	[sflag:s0] =	ssyncset.done $0x0  }
0xd3: {  	[sflag:s0] =	ssyncadd.s32 $0xFFFFF830  }
.Ltmp1:
0xd4: {  	_ =	swait.ge [sflag:s4], $0x7D0;
	(pc) =	sbr.rel @p1 .LBB2_4-.Ltmp1, $4  }
0xd5: {  	[sflag:s4] =	ssyncset.done $0x0  }
0xd6: {  	[sflag:s4] =	ssyncadd.s32 $0xFFFFF830  }
0xd7: {  	_ =	swait.ge [sflag:s5], $0x7D0  }
0xd8: {  	s9 =	smov.u32 s10;
	[sflag:s5] =	ssyncset.done $0x0  }
0xd9: {  	s8 =	sshra.s32 s8, $0x2;
	[sflag:s5] =	ssyncadd.s32 $0xFFFFF830  }
0xda: {  	[spmem:s2] =	stream.indirect.scatter.add.f32 [tilespmem:s29], [sflag:$0x1], $0x10, s8, s28, $0xb8;
	[tilespmem:$0xA400] =	vst v63  }
0xdb: {  	s9 =	sadd.s32 $0x80, s8  }
0xdc: {  	[spmem:s2] =	stream.indirect.scatter.add.f32 [tilespmem:s29], [sflag:$0x2], $0x10, s9, s28, $0xb8;
	[tilespmem:$0xA400] =	vst v63  }
0xdd: {  	s10 =	sadd.s32 $0x100, s8  }
0xde: {  	[spmem:s2] =	stream.indirect.scatter.add.f32 [tilespmem:s29], [sflag:$0x3], $0x10, s10, s28, $0xb8;
	[tilespmem:$0xA400] =	vst v63  }
0xdf: {  	s11 =	sadd.s32 $0x180, s8  }
0xe0: {  	[spmem:s2] =	stream.indirect.scatter.add.f32 [tilespmem:s29], [sflag:$0x4], $0x10, s11, s28, $0xb8;
	[tilespmem:$0xA400] =	vst v63  }
0xe1: {  	s10 =	sadd.s32 $0x200, s8  }
0xe2: {  	[spmem:s2] =	stream.indirect.scatter.add.f32 [tilespmem:s29], [sflag:$0x5], $0x10, s10, s28, $0xb8;
	[tilespmem:$0xA400] =	vst v63  }
0xe3: {  	s11 =	sadd.s32 $0x280, s8  }
0xe4: {  	[spmem:s2] =	stream.indirect.scatter.add.f32 [tilespmem:s29], [sflag:$0x6], $0x10, s11, s28, $0xb8;
	[tilespmem:$0xA400] =	vst v63  }
0xe5: {  	s10 =	sadd.s32 $0x300, s8  }
0xe6: {  	[spmem:s2] =	stream.indirect.scatter.add.f32 [tilespmem:s29], [sflag:$0x7], $0x10, s10, s28, $0xb8;
	[tilespmem:$0xA400] =	vst v63  }
0xe7: {  	s8 =	sadd.s32 $0x380, s8  }
0xe8: {  	[spmem:s2] =	stream.indirect.scatter.add.f32 [tilespmem:s29], [sflag:$0x8], $0x10, s8, s28, $0xb8;
	[tilespmem:$0xA400] =	vst v63  }
0xe9: {  	_ =	swait.ge [sflag:s24], $0x7D0  }
0xea: {  	[sflag:s24] =	ssyncset.done $0x0  }
0xeb: {  	[sflag:s24] =	ssyncadd.s32 $0xFFFFF830  }
0xec: {  	_ =	swait.ge [sflag:s30], $0x7D0  }
0xed: {  	[sflag:s30] =	ssyncset.done $0x0  }
0xee: {  	[sflag:s30] =	ssyncadd.s32 $0xFFFFF830  }
0xef: {  	_ =	swait.ge [sflag:s31], $0x7D0  }
0xf0: {  	[sflag:s31] =	ssyncset.done $0x0  }
0xf1: {  	[sflag:s31] =	ssyncadd.s32 $0xFFFFF830  }
0xf2: {  	_ =	swait.ge [sflag:s1], $0x7D0  }
0xf3: {  	[sflag:s1] =	ssyncset.done $0x0  }
0xf4: {  	[sflag:s1] =	ssyncadd.s32 $0xFFFFF830  }
0xf5: {  	_ =	swait.ge [sflag:s3], $0x7D0  }
0xf6: {  	[sflag:s3] =	ssyncset.done $0x0  }
0xf7: {  	[sflag:s3] =	ssyncadd.s32 $0xFFFFF830  }
0xf8: {  	_ =	swait.ge [sflag:s0], $0x7D0  }
0xf9: {  	[sflag:s0] =	ssyncset.done $0x0  }
0xfa: {  	[sflag:s0] =	ssyncadd.s32 $0xFFFFF830  }
0xfb: {  	_ =	swait.ge [sflag:s4], $0x7D0  }
0xfc: {  	[sflag:s4] =	ssyncset.done $0x0  }
0xfd: {  	[sflag:s4] =	ssyncadd.s32 $0xFFFFF830  }
0xfe: {  	_ =	swait.ge [sflag:s5], $0x7D0  }
0xff: {  	[sflag:s5] =	ssyncset.done $0x0  }
0x100: {  	[sflag:s5] =	ssyncadd.s32 $0xFFFFF830  }
0x101: {  	[bflag:$0x0] =	sbarrier.arrive $0xFFFF  }
0x102: {  	s8 =	simm.s32 @p0 $0x1FC1;
	s9 =	rddreg [dreg:$0x5]  }
0x103: {  	[hbm:s9], [sflag:s8] =	dma.local @p0 [spmem:s25], $0x1900  }
0x104: {  	s8 =	simm.s32 @p0 $0x1  }
0x105: {  	s9 =	stileid.u32;
	_ =	swait.ge @p0 [sflag:s8], $0x1900  }
0x106: {  	s9 =	sshll.u32 @!p0 s9, $0x6;
	[sflag:s8] =	ssyncset.done @p0 $0x0;
	s10 =	rddreg [dreg:$0x4]  }
0x107: {  	[sflag:s8] =	ssyncadd.s32 @p0 $0xFFFFE700;
	s8 =	sor.u32 @!p0 $0x1C01, s9;
	s9 =	sshrl.u32 @!p0 s6, $0x3  }
0x108: {  	[hbm:s10], [sflag:s8] =	dma.local @!p0 [spmem:s9], $0x2800  }
0x109: {  	s8 =	simm.s32 @!p0 $0x1  }
0x10a: {  	_ =	swait.ge @!p0 [sflag:s8], $0x2800  }
0x10b: {  	s7 =	sadd.s32 $0x1, s7;
	s11 =	rddreg [dreg:$0x6]  }
0x10c: {  	p1 =	sne.s32 s7, s11  }
.Ltmp2:
0x10d: {  	_ = 	snop;
	(pc) =	sbr.rel @p1 .LBB2_1-.Ltmp2, $3  }
0x10e: {  	_ =	sdelay $0x1  }
0x10f: {  	[sflag:s8] =	ssyncset.done @!p0 $0x0  }
0x110: {  	[sflag:s8] =	ssyncadd.s32 @!p0 $0xFFFFD800  }
0x111: {  	_ =	sfence.sel $0x180000  }
0x112: {  	[bflag:$0x0] =	sbarrier.arrive $0xFFFF  }
0x113: {  	_ =	strace $0x90000047  }
0x114: {  	s0 =	stileid.u32;
	[bflag:$0x2] =	sbarrier.arrive $0xFFFF  }
0x115: {  	p0 =	sne.s32 s0, $0x0;
	s0 =	rddreg [dreg:$0x2]  }
0x116: {  	s0 =	sadd.s32 @!p0 $0x100000, s0  }
0x117: {  	[sflag:s0] =	ssyncadd.tile.s32 @!p0 $0x1;
	_ =	shalt  }
.Lfunc_end2:
_tile_overlayer_lowered:
.L_overlay_start_2:
0x118: {  	(tag) =	ssettag $0x2  }
0x119: {  	s0 =	rddreg [dreg:$0x0];
	s2 =	stileid.u32  }
0x11a: {  	s1 =	rddreg [dreg:$0x1];
	p0 =	sne.s32 s2, $0x0  }
0x11b: {  	s3 =	rddreg [dreg:$0x2];
	[bflag:$0x3] =	sbarrier.arrive $0xFFFF;
	s2 =	simm.s32 @!p0 $0x1C01  }
0x11c: {  	[timem:s3], [sflag:s2] =	dma.local @!p0 [hbm:s0], s1  }
0x11d: {  	s0 =	simm.s32 @!p0 $0x1  }
0x11e: {  	_ =	swait.ge @!p0 [sflag:s0], s1  }
0x11f: {  	s1 =	ssub.s32 @!p0 $0x0, s1;
	[sflag:s0] =	ssyncset.done @!p0 $0x0  }
0x120: {  	[sflag:s0] =	ssyncadd.s32 @!p0 s1  }
0x121: {  	[bflag:$0x3] =	sbarrier.arrive $0xFFFF  }
0x122: {  	_ =	shalt  }

</sc_bundles>
